<compile_context>
chip_gen: v7x
topology: tpu7x:2x2x1
jax: 0.10.2.dev20260603
libtpu: 0.0.44.dev20260713+nightly
codegen_flags: <defaults>
</compile_context>

<pallas_src>
import functools

import jax
import jax.numpy as jnp
from jax import lax
from jax.experimental import pallas as pl
from jax.experimental.pallas import tpu as pltpu
from jax.experimental.pallas import tpu_sc as plsc

_B = 32
_G = 512
_N = _B * _G
_P = 64
_F = 14
_T = 5
_NCLS = 10
_BIG = 1e30
_GC = 64


def _make_sc_match():
    info = plsc.get_sparse_core_info()
    nc, ns = info.num_cores, info.num_subcores
    nw = nc * ns
    assert nw == _B

    mesh = plsc.VectorSubcoreMesh(core_axis_name="c", subcore_axis_name="s")
    plane = _P * _G
    tplane = _T * _G

    @functools.partial(
        pl.kernel,
        mesh=mesh,
        compiler_params=pltpu.CompilerParams(needs_layout_passes=False),
        out_type=[
            jax.ShapeDtypeStruct((_N * _P,), jnp.float32),
            jax.ShapeDtypeStruct((_N * _P,), jnp.float32),
            jax.ShapeDtypeStruct((_N * _P,), jnp.float32),
            jax.ShapeDtypeStruct((_N * _P,), jnp.float32),
        ],
        scratch_types=[
            pltpu.VMEM((plane,), jnp.float32),
            pltpu.VMEM((plane,), jnp.float32),
            pltpu.VMEM((plane,), jnp.float32),
            pltpu.VMEM((4 * tplane,), jnp.float32),
            pltpu.VMEM((_P * _T * 16,), jnp.float32),
            pltpu.VMEM((_GC * _P,), jnp.float32),
            pltpu.VMEM((_GC * _P,), jnp.float32),
            pltpu.VMEM((_GC * _P,), jnp.float32),
            pltpu.VMEM((_GC * _P,), jnp.float32),
        ],
    )
    def sc_match(po_hbm, tg_hbm, cm_hbm, tx_hbm, ty_hbm, tz_hbm,
                 xpl, ypl, zpl, tgv, cbuf, cst, xst, yst, zst):
        b = lax.axis_index("s") * nc + lax.axis_index("c")
        lane = lax.iota(jnp.int32, 16)
        npc = _P // 16

        pltpu.sync_copy(po_hbm.at[pl.ds((b * 3 + 0) * plane, plane)], xpl)
        pltpu.sync_copy(po_hbm.at[pl.ds((b * 3 + 1) * plane, plane)], ypl)
        pltpu.sync_copy(po_hbm.at[pl.ds((b * 3 + 2) * plane, plane)], zpl)
        for f in range(4):
            pltpu.sync_copy(tg_hbm.at[pl.ds((b * 4 + f) * tplane, tplane)],
                            tgv.at[pl.ds(f * tplane, tplane)])

        zero16 = jnp.zeros((16,), jnp.float32)

        def chunk_body(gc, carry):
            def block_body(blk16, carry1):
                g0 = gc * _GC + blk16 * 16
                gl = g0 + lane
                tx = [plsc.load_gather(tgv, [t * _G + gl]) for t in range(_T)]
                ty = [plsc.load_gather(tgv, [tplane + t * _G + gl]) for t in range(_T)]
                tz = [plsc.load_gather(tgv, [2 * tplane + t * _G + gl]) for t in range(_T)]

                def build_body(p, carry2):
                    pb = p * _G + gl
                    px = plsc.load_gather(xpl, [pb])
                    py = plsc.load_gather(ypl, [pb])
                    pz = plsc.load_gather(zpl, [pb])
                    cb = p * (_T * 16) + lane
                    for t in range(_T):
                        dx = px - tx[t]
                        dy = py - ty[t]
                        dz = pz - tz[t]
                        v = dx * dx + dy * dy + dz * dz
                        plsc.store_scatter(cbuf, [cb + t * 16], v)
                    return carry2

                lax.fori_loop(0, _P, build_body, 0)

                colpen = [zero16 for _ in range(_T)]
                for s in range(_T):
                    def scan_body(p, bc):
                        bv, bp, bt = bc
                        cb = p * (_T * 16) + lane
                        for t in range(_T):
                            v = plsc.load_gather(cbuf, [cb + t * 16]) + colpen[t]
                            upd = v < bv
                            bv = jnp.where(upd, v, bv)
                            bp = jnp.where(upd, p, bp)
                            bt = jnp.where(upd, t, bt)
                        return (bv, bp, bt)

                    _, p_hat, t_hat = lax.fori_loop(
                        0, _P, scan_body,
                        (jnp.full((16,), _BIG, jnp.float32),
                         jnp.zeros((16,), jnp.int32),
                         jnp.zeros((16,), jnp.int32)))
                    bigv = jnp.full((16,), _BIG, jnp.float32)
                    hp = p_hat * (_T * 16) + lane
                    for t in range(_T):
                        plsc.addupdate_scatter(cbuf, [hp + t * 16], bigv)
                    colpen = [jnp.where(t_hat == t, _BIG, colpen[t])
                              for t in range(_T)]
                    ht = t_hat * _G + gl
                    mtx = plsc.load_gather(tgv, [ht])
                    mty = plsc.load_gather(tgv, [ht + tplane])
                    mtz = plsc.load_gather(tgv, [ht + 2 * tplane])
                    mtc = plsc.load_gather(tgv, [ht + 3 * tplane])
                    im = (blk16 * 16 + lane) * _P + p_hat
                    plsc.store_scatter(cst, [im], mtc + 1.0)
                    plsc.store_scatter(xst, [im], mtx)
                    plsc.store_scatter(yst, [im], mty)
                    plsc.store_scatter(zst, [im], mtz)
                return carry1

            def clear_body(i, carry3):
                iv = i * 16 + lane
                plsc.store_scatter(cst, [iv], zero16)
                plsc.store_scatter(xst, [iv], zero16)
                plsc.store_scatter(yst, [iv], zero16)
                plsc.store_scatter(zst, [iv], zero16)
                return carry3

            lax.fori_loop(0, _GC * _P // 16, clear_body, 0)
            lax.fori_loop(0, _GC // 16, block_body, 0)
            base = (b * _G + gc * _GC) * _P
            pltpu.sync_copy(cst, cm_hbm.at[pl.ds(base, _GC * _P)])
            pltpu.sync_copy(xst, tx_hbm.at[pl.ds(base, _GC * _P)])
            pltpu.sync_copy(yst, ty_hbm.at[pl.ds(base, _GC * _P)])
            pltpu.sync_copy(zst, tz_hbm.at[pl.ds(base, _GC * _P)])
            return carry

        lax.fori_loop(0, _G // _GC, chunk_body, 0)

    return sc_match


_sc_match = _make_sc_match()


def _softplus(x):
    return jnp.maximum(x, 0.0) + jnp.log1p(jnp.exp(-jnp.abs(x)))


def _tc_loss_body(pred_ref, tgt_ref, cm_ref, tx_ref, ty_ref, tz_ref,
                  aux_ref, out_ref):
    i = pl.program_id(0)
    pt = pred_ref[0]
    X, Y, Z, C = pt[0], pt[1], pt[2], pt[3]
    tg = tgt_ref[0]
    clsplane = tg[3]
    aux = aux_ref[...]
    pw = aux[:, 64:65]

    cm = jnp.transpose(cm_ref[0], (1, 0))
    TX = jnp.transpose(tx_ref[0], (1, 0))
    TY = jnp.transpose(ty_ref[0], (1, 0))
    TZ = jnp.transpose(tz_ref[0], (1, 0))

    m_g = (jnp.max(clsplane, axis=0, keepdims=True) > 0.0).astype(jnp.float32)

    matched = cm > 0.0
    cls = cm - 1.0

    sp = _softplus(C)
    S = jnp.sum(sp, axis=0, keepdims=True)
    corr = jnp.sum(jnp.where(matched, (pw - 1.0) * sp - pw * C, 0.0),
                   axis=0, keepdims=True)

    dx = jnp.abs(X - TX)
    dy = jnp.abs(Y - TY)
    dz = jnp.abs(Z - TZ)

    def huber(d):
        return jnp.where(d < 1.0, 0.5 * d * d, d - 0.5)

    hsum = huber(dx) + huber(dy) + huber(dz)
    H = jnp.sum(jnp.where(matched, hsum, 0.0), axis=0, keepdims=True)

    se = jnp.exp(pt[4])
    for k in range(1, _NCLS):
        se = se + jnp.exp(pt[4 + k])
    lse = jnp.log(se)

    logit_at = jnp.zeros_like(lse)
    w = jnp.zeros_like(lse)
    for k in range(_NCLS):
        isk = cls == float(k)
        logit_at = logit_at + jnp.where(isk, pt[4 + k], 0.0)
        w = w + jnp.where(isk, aux[0, k], 0.0)
    nll = lse - logit_at
    ce_n = jnp.sum(jnp.where(matched, w * nll, 0.0), axis=0, keepdims=True)
    ce_d = jnp.sum(jnp.where(matched, w, 0.0), axis=0, keepdims=True)

    p0 = jnp.sum(m_g * (S + corr))
    p1 = jnp.sum((1.0 - m_g) * S)
    p2 = jnp.sum(m_g)
    p3 = jnp.sum(m_g * H)
    p4 = jnp.sum(m_g * ce_n)
    p5 = jnp.sum(m_g * ce_d)

    l128 = lax.broadcasted_iota(jnp.int32, (1, 128), 1)
    vec = jnp.zeros((1, 128), jnp.float32)
    for k, p in enumerate((p0, p1, p2, p3, p4, p5)):
        vec = vec + jnp.where(l128 == k, p, 0.0)

    @pl.when(i == 0)
    def _():
        out_ref[...] = jnp.zeros_like(out_ref)

    out_ref[...] += vec


def _tc_loss(pred_t, tgt_t, cm, tx, ty, tz, aux):
    return pl.pallas_call(
        _tc_loss_body,
        grid=(_B,),
        in_specs=[
            pl.BlockSpec((1, _F, _P, _G), lambda i: (i, 0, 0, 0)),
            pl.BlockSpec((1, 4, _T, _G), lambda i: (i, 0, 0, 0)),
            pl.BlockSpec((1, _G, _P), lambda i: (i, 0, 0)),
            pl.BlockSpec((1, _G, _P), lambda i: (i, 0, 0)),
            pl.BlockSpec((1, _G, _P), lambda i: (i, 0, 0)),
            pl.BlockSpec((1, _G, _P), lambda i: (i, 0, 0)),
            pl.BlockSpec((1, 128), lambda i: (0, 0)),
        ],
        out_specs=pl.BlockSpec((1, 128), lambda i: (0, 0)),
        out_shape=jax.ShapeDtypeStruct((1, 128), jnp.float32),
    )(pred_t, tgt_t, cm, tx, ty, tz, aux)


def kernel(pred, target, ce_weights, bce_weights):
    B, G, P, F = pred.shape
    T = target.shape[2]
    N = B * G

    pred_t = jnp.transpose(pred, (0, 3, 2, 1))
    tgt_t = jnp.transpose(target, (0, 3, 2, 1))
    pred_offs = pred_t[:, :3].reshape(B * 3 * P * G)
    tgt_sc = tgt_t.reshape(B * 4 * T * G)

    cm_f, tx_f, ty_f, tz_f = _sc_match(pred_offs, tgt_sc)
    cm = cm_f.reshape(B, G, P)
    tx = tx_f.reshape(B, G, P)
    ty = ty_f.reshape(B, G, P)
    tz = tz_f.reshape(B, G, P)

    aux = jnp.zeros((1, 128), jnp.float32)
    aux = aux.at[0, :_NCLS].set(ce_weights)
    aux = aux.at[0, 64].set(bce_weights[1] / bce_weights[0])

    out = _tc_loss(pred_t, tgt_t, cm, tx, ty, tz, aux)
    A, I, NA, H, CN, CD = (out[0, 0], out[0, 1], out[0, 2],
                           out[0, 3], out[0, 4], out[0, 5])
    n_act = NA
    n_inact = jnp.float32(N) - NA
    l1_loss = H / (n_act * T * 3)
    ce_loss = CN / CD
    bce_active = A / (n_act * P)
    bce_inactive = jnp.where(n_inact > 0,
                             I / jnp.maximum(n_inact * P, 1.0),
                             jnp.float32(0.0))
    return (l1_loss, ce_loss, bce_active, bce_inactive)

# --- scband reference (transcript-rebuilt; emitter-appended) ---
"""Pipeline reference for scband-aggregate-loss-67688684584998 (READ-ONLY COPY).

The authoritative reference and input builder live on the scoring server;
editing this copy changes nothing except your own understanding.
"""

import jax, jax.numpy as jnp
import numpy as np

NUM_CLASSES = 10


def smooth_l1(pred, target):
    d = jnp.abs(pred - target)
    return jnp.mean(jnp.where(d < 1.0, 0.5 * d * d, d - 0.5))


def bce_with_logits(logits, targets, pos_weight):
    log_sig = jax.nn.log_sigmoid(logits)
    log_sig_neg = jax.nn.log_sigmoid(-logits)
    l = -(pos_weight * targets * log_sig + (1.0 - targets) * log_sig_neg)
    return jnp.mean(l)


def bce_with_logits_elems(logits, targets, pos_weight):
    log_sig = jax.nn.log_sigmoid(logits)
    log_sig_neg = jax.nn.log_sigmoid(-logits)
    return -(pos_weight * targets * log_sig + (1.0 - targets) * log_sig_neg)


def weighted_ce(logits, labels, weight):
    logp = jax.nn.log_softmax(logits, axis=-1)
    nll = -jnp.take_along_axis(logp, labels[:, None], axis=1)[:, 0]
    w = weight[labels]
    return jnp.sum(w * nll) / jnp.sum(w)


def greedy_match(pred_off, tgt_off):
    # Greedy bipartite matching on L2 cost (stand-in for HungarianMatcher).
    # pred_off: (Na, P, 3), tgt_off: (Na, T, 3)
    cost = jnp.linalg.norm(pred_off[:, :, None, :] - tgt_off[:, None, :, :], axis=-1)
    Na, P, T = cost.shape
    n = min(P, T)
    rows = jnp.arange(Na)
    pis = []
    tis = []
    c = cost
    for s in range(n):
        idx = jnp.argmin(c.reshape(Na, -1), axis=1)
        p = idx // T
        t = idx % T
        pis.append(p)
        tis.append(t)
        c = c.at[rows, p, :].set(jnp.inf)
        c = c.at[rows, :, t].set(jnp.inf)
    pi = jnp.stack(pis, axis=1).reshape(-1)
    ti = jnp.stack(tis, axis=1).reshape(-1)
    bi = jnp.repeat(jnp.arange(Na), n)
    return bi, pi, ti


def setup_inputs(seed: int = 0):
    key = jax.random.key(seed)
    k1, k2, k3, k4 = jax.random.split(key, 4)
    B, G, P, T = 32, 512, 64, 5
    F = 4 + NUM_CLASSES
    pred = jax.random.normal(k1, (B, G, P, F), dtype=jnp.float32)
    xyz = jax.random.normal(k2, (B, G, T, 3), dtype=jnp.float32)
    gate = jax.random.uniform(k4, (B, G, T)) < 0.3
    cls = jax.random.randint(k3, (B, G, T), 1, NUM_CLASSES)
    cls = jnp.where(gate, 0, cls).astype(jnp.float32)[..., None]
    target = jnp.concatenate([xyz, cls], axis=-1)
    ce_weights = jnp.ones((NUM_CLASSES,), dtype=jnp.float32)
    bce_weights = jnp.array([1.0, 2.0], dtype=jnp.float32)
    return {"pred": pred, "target": target, "ce_weights": ce_weights, "bce_weights": bce_weights}


def reference(pred, target, ce_weights, bce_weights):
    B, G, P, F = pred.shape
    T = target.shape[2]
    N = B * G
    n = min(P, T)
    active_mask = (target[..., -1] > 0).any(axis=-1).reshape(-1)
    m = active_mask.astype(jnp.float32)
    n_active = jnp.sum(m)
    n_inactive = jnp.sum(1.0 - m)
    # PredictionAggregator with constant scheduler (size = P) -> identity aggregation
    agg_pred = pred
    flat_pred = agg_pred.reshape(N, P, F)
    flat_tgt = target.reshape(N, T, 4)

    pf = flat_pred.reshape(-1, F)
    conf = pf[:, 3]
    offs = pf[:, :3]
    logits = pf[:, 4:]
    off_t = flat_tgt[:, :, :3].reshape(-1, 3)
    cls_t = flat_tgt[:, :, 3].reshape(-1)

    bi, pi, ti = greedy_match(flat_pred[:, :, :3], flat_tgt[:, :, :3])
    flat_pred_idx = bi * P + pi
    flat_tgt_idx = bi * T + ti

    tgt_conf = jnp.zeros((N * P,), jnp.float32).at[flat_pred_idx].set(1.0)
    pos_weight = bce_weights[1] / bce_weights[0]
    l_active = bce_with_logits_elems(conf, tgt_conf, pos_weight).reshape(N, P)
    bce_active = jnp.sum(l_active * m[:, None]) / (n_active * P)

    mp_off = offs[flat_pred_idx]
    mp_log = logits[flat_pred_idx]
    mt_off = off_t[flat_tgt_idx]
    mt_cls = cls_t[flat_tgt_idx].astype(jnp.int32)
    m_match = jnp.repeat(m, n)

    d = jnp.abs(mp_off - mt_off)
    h = jnp.where(d < 1.0, 0.5 * d * d, d - 0.5)
    l1_loss = jnp.sum(h * m_match[:, None]) / (n_active * n * 3)

    logp = jax.nn.log_softmax(mp_log, axis=-1)
    nll = -jnp.take_along_axis(logp, mt_cls[:, None], axis=1)[:, 0]
    w = ce_weights[mt_cls] * m_match
    ce_loss = jnp.sum(w * nll) / jnp.sum(w)

    l_inactive = bce_with_logits_elems(conf, jnp.zeros_like(conf), pos_weight).reshape(N, P)
    inact_sum = jnp.sum(l_inactive * (1.0 - m)[:, None])
    inact_den = jnp.maximum(n_inactive * P, 1.0)
    bce_inactive = jnp.where(n_inactive > 0, inact_sum / inact_den, jnp.float32(0.0))

    return (l1_loss, ce_loss, bce_active, bce_inactive)

if __name__ == "__main__":
    import jax
    _d = setup_inputs()
    print(jax.jit(kernel)(*tuple(_d.values())))

</pallas_src>

<mosaic_0001>
#map = affine_map<(d0, d1) -> (0)>
module attributes {stable_mosaic.version = 14 : i64} {
  func.func @sc_match(%arg0: i32, %arg1: i32, %arg2: memref<3145728xf32, #tpu.memory_space<hbm>>, %arg3: memref<327680xf32, #tpu.memory_space<hbm>>, %arg4: memref<1048576xf32, #tpu.memory_space<hbm>>, %arg5: memref<1048576xf32, #tpu.memory_space<hbm>>, %arg6: memref<1048576xf32, #tpu.memory_space<hbm>>, %arg7: memref<1048576xf32, #tpu.memory_space<hbm>>, %arg8: memref<32768xf32, #tpu.memory_space<vmem>>, %arg9: memref<32768xf32, #tpu.memory_space<vmem>>, %arg10: memref<32768xf32, #tpu.memory_space<vmem>>, %arg11: memref<10240xf32, #tpu.memory_space<vmem>>, %arg12: memref<5120xf32, #tpu.memory_space<vmem>>, %arg13: memref<4096xf32, #tpu.memory_space<vmem>>, %arg14: memref<4096xf32, #tpu.memory_space<vmem>>, %arg15: memref<4096xf32, #tpu.memory_space<vmem>>, %arg16: memref<4096xf32, #tpu.memory_space<vmem>>) attributes {dimension_semantics = [#tpu.dimension_semantics<core_parallel>, #tpu.dimension_semantics<subcore_parallel>], iteration_bounds = array<i64: 2, 16>, scalar_prefetch = 0 : i64, scratch_operands = 9 : i64, tpu.core_type = #tpu.core_type<sc_vector_subcore>, window_params = [{transform_indices = #map}, {transform_indices = #map}, {transform_indices = #map}, {transform_indices = #map}, {transform_indices = #map}, {transform_indices = #map}]} {
    %mul3A = arith.constant 2 : i32
    %mul3A_0 = arith.muli %arg1, %mul3A : i32
    %add3A = arith.addi %mul3A_0, %arg0 : i32
    %iota3A = tpu.iota {dimensions = array<i32: 0>} : vector<16xi32>
    %mul3A_1 = arith.constant 3 : i32
    %mul3A_2 = arith.muli %add3A, %mul3A_1 : i32
    %add3A_3 = arith.constant 0 : i32
    %add3A_4 = arith.addi %mul3A_2, %add3A_3 : i32
    %mul3A_5 = arith.constant 32768 : i32
    %mul3A_6 = arith.muli %add3A_4, %mul3A_5 : i32
    "tpu.region"() ({
      %run_scoped3A = tpu.sem_alloc : memref<!tpu.dma_semaphore, #tpu.memory_space<semaphore_mem>>
      %dma_start3A = tpu.memref_slice %arg2[%mul3A_6] : memref<3145728xf32, #tpu.memory_space<hbm>> -> memref<32768xf32, #tpu.memory_space<hbm>>
      %dma_start3A_49 = tpu.memref_slice %arg2[%mul3A_6] : memref<3145728xf32, #tpu.memory_space<hbm>> -> memref<32768xf32, #tpu.memory_space<hbm>>
      tpu.enqueue_dma source(%dma_start3A_49 : memref<32768xf32, #tpu.memory_space<hbm>>) target(%arg8 : memref<32768xf32, #tpu.memory_space<vmem>>) target_semaphore(%run_scoped3A : memref<!tpu.dma_semaphore, #tpu.memory_space<semaphore_mem>>)
      %dma_wait3A = tpu.memref_slice %arg2[%mul3A_6] : memref<3145728xf32, #tpu.memory_space<hbm>> -> memref<32768xf32, #tpu.memory_space<hbm>>
      %dma_wait3A_50 = tpu.memref_slice %arg2[%mul3A_6] : memref<3145728xf32, #tpu.memory_space<hbm>> -> memref<32768xf32, #tpu.memory_space<hbm>>
      tpu.wait_dma2 semaphore(%run_scoped3A : memref<!tpu.dma_semaphore, #tpu.memory_space<semaphore_mem>>) src(%dma_wait3A_50 : memref<32768xf32, #tpu.memory_space<hbm>>) dst(%arg8 : memref<32768xf32, #tpu.memory_space<vmem>>)
      tpu.yield
    }) : () -> ()
    %mul3A_7 = arith.constant 3 : i32
    %mul3A_8 = arith.muli %add3A, %mul3A_7 : i32
    %add3A_9 = arith.constant 1 : i32
    %add3A_10 = arith.addi %mul3A_8, %add3A_9 : i32
    %mul3A_11 = arith.constant 32768 : i32
    %mul3A_12 = arith.muli %add3A_10, %mul3A_11 : i32
    "tpu.region"() ({
      %run_scoped3A = tpu.sem_alloc : memref<!tpu.dma_semaphore, #tpu.memory_space<semaphore_mem>>
      %dma_start3A = tpu.memref_slice %arg2[%mul3A_12] : memref<3145728xf32, #tpu.memory_space<hbm>> -> memref<32768xf32, #tpu.memory_space<hbm>>
      %dma_start3A_49 = tpu.memref_slice %arg2[%mul3A_12] : memref<3145728xf32, #tpu.memory_space<hbm>> -> memref<32768xf32, #tpu.memory_space<hbm>>
      tpu.enqueue_dma source(%dma_start3A_49 : memref<32768xf32, #tpu.memory_space<hbm>>) target(%arg9 : memref<32768xf32, #tpu.memory_space<vmem>>) target_semaphore(%run_scoped3A : memref<!tpu.dma_semaphore, #tpu.memory_space<semaphore_mem>>)
      %dma_wait3A = tpu.memref_slice %arg2[%mul3A_12] : memref<3145728xf32, #tpu.memory_space<hbm>> -> memref<32768xf32, #tpu.memory_space<hbm>>
      %dma_wait3A_50 = tpu.memref_slice %arg2[%mul3A_12] : memref<3145728xf32, #tpu.memory_space<hbm>> -> memref<32768xf32, #tpu.memory_space<hbm>>
      tpu.wait_dma2 semaphore(%run_scoped3A : memref<!tpu.dma_semaphore, #tpu.memory_space<semaphore_mem>>) src(%dma_wait3A_50 : memref<32768xf32, #tpu.memory_space<hbm>>) dst(%arg9 : memref<32768xf32, #tpu.memory_space<vmem>>)
      tpu.yield
    }) : () -> ()
    %mul3A_13 = arith.constant 3 : i32
    %mul3A_14 = arith.muli %add3A, %mul3A_13 : i32
    %add3A_15 = arith.constant 2 : i32
    %add3A_16 = arith.addi %mul3A_14, %add3A_15 : i32
    %mul3A_17 = arith.constant 32768 : i32
    %mul3A_18 = arith.muli %add3A_16, %mul3A_17 : i32
    "tpu.region"() ({
      %run_scoped3A = tpu.sem_alloc : memref<!tpu.dma_semaphore, #tpu.memory_space<semaphore_mem>>
      %dma_start3A = tpu.memref_slice %arg2[%mul3A_18] : memref<3145728xf32, #tpu.memory_space<hbm>> -> memref<32768xf32, #tpu.memory_space<hbm>>
      %dma_start3A_49 = tpu.memref_slice %arg2[%mul3A_18] : memref<3145728xf32, #tpu.memory_space<hbm>> -> memref<32768xf32, #tpu.memory_space<hbm>>
      tpu.enqueue_dma source(%dma_start3A_49 : memref<32768xf32, #tpu.memory_space<hbm>>) target(%arg10 : memref<32768xf32, #tpu.memory_space<vmem>>) target_semaphore(%run_scoped3A : memref<!tpu.dma_semaphore, #tpu.memory_space<semaphore_mem>>)
      %dma_wait3A = tpu.memref_slice %arg2[%mul3A_18] : memref<3145728xf32, #tpu.memory_space<hbm>> -> memref<32768xf32, #tpu.memory_space<hbm>>
      %dma_wait3A_50 = tpu.memref_slice %arg2[%mul3A_18] : memref<3145728xf32, #tpu.memory_space<hbm>> -> memref<32768xf32, #tpu.memory_space<hbm>>
      tpu.wait_dma2 semaphore(%run_scoped3A : memref<!tpu.dma_semaphore, #tpu.memory_space<semaphore_mem>>) src(%dma_wait3A_50 : memref<32768xf32, #tpu.memory_space<hbm>>) dst(%arg10 : memref<32768xf32, #tpu.memory_space<vmem>>)
      tpu.yield
    }) : () -> ()
    %mul3A_19 = arith.constant 4 : i32
    %mul3A_20 = arith.muli %add3A, %mul3A_19 : i32
    %add3A_21 = arith.constant 0 : i32
    %add3A_22 = arith.addi %mul3A_20, %add3A_21 : i32
    %mul3A_23 = arith.constant 2560 : i32
    %mul3A_24 = arith.muli %add3A_22, %mul3A_23 : i32
    "tpu.region"() ({
      %run_scoped3A = tpu.sem_alloc : memref<!tpu.dma_semaphore, #tpu.memory_space<semaphore_mem>>
      %dma_start3A = arith.constant 0 : i32
      %dma_start3A_49 = tpu.memref_slice %arg11[%dma_start3A] : memref<10240xf32, #tpu.memory_space<vmem>> -> memref<2560xf32, #tpu.memory_space<vmem>>
      %dma_start3A_50 = tpu.memref_slice %arg3[%mul3A_24] : memref<327680xf32, #tpu.memory_space<hbm>> -> memref<2560xf32, #tpu.memory_space<hbm>>
      %dma_start3A_51 = arith.constant 0 : i32
      %dma_start3A_52 = tpu.memref_slice %arg11[%dma_start3A_51] : memref<10240xf32, #tpu.memory_space<vmem>> -> memref<2560xf32, #tpu.memory_space<vmem>>
      %dma_start3A_53 = tpu.memref_slice %arg3[%mul3A_24] : memref<327680xf32, #tpu.memory_space<hbm>> -> memref<2560xf32, #tpu.memory_space<hbm>>
      tpu.enqueue_dma source(%dma_start3A_53 : memref<2560xf32, #tpu.memory_space<hbm>>) target(%dma_start3A_52 : memref<2560xf32, #tpu.memory_space<vmem>>) target_semaphore(%run_scoped3A : memref<!tpu.dma_semaphore, #tpu.memory_space<semaphore_mem>>)
      %dma_wait3A = arith.constant 0 : i32
      %dma_wait3A_54 = tpu.memref_slice %arg11[%dma_wait3A] : memref<10240xf32, #tpu.memory_space<vmem>> -> memref<2560xf32, #tpu.memory_space<vmem>>
      %dma_wait3A_55 = tpu.memref_slice %arg3[%mul3A_24] : memref<327680xf32, #tpu.memory_space<hbm>> -> memref<2560xf32, #tpu.memory_space<hbm>>
      %dma_wait3A_56 = arith.constant 0 : i32
      %dma_wait3A_57 = tpu.memref_slice %arg11[%dma_wait3A_56] : memref<10240xf32, #tpu.memory_space<vmem>> -> memref<2560xf32, #tpu.memory_space<vmem>>
      %dma_wait3A_58 = tpu.memref_slice %arg3[%mul3A_24] : memref<327680xf32, #tpu.memory_space<hbm>> -> memref<2560xf32, #tpu.memory_space<hbm>>
      tpu.wait_dma2 semaphore(%run_scoped3A : memref<!tpu.dma_semaphore, #tpu.memory_space<semaphore_mem>>) src(%dma_wait3A_58 : memref<2560xf32, #tpu.memory_space<hbm>>) dst(%dma_wait3A_57 : memref<2560xf32, #tpu.memory_space<vmem>>)
      tpu.yield
    }) : () -> ()
    %mul3A_25 = arith.constant 4 : i32
    %mul3A_26 = arith.muli %add3A, %mul3A_25 : i32
    %add3A_27 = arith.constant 1 : i32
    %add3A_28 = arith.addi %mul3A_26, %add3A_27 : i32
    %mul3A_29 = arith.constant 2560 : i32
    %mul3A_30 = arith.muli %add3A_28, %mul3A_29 : i32
    "tpu.region"() ({
      %run_scoped3A = tpu.sem_alloc : memref<!tpu.dma_semaphore, #tpu.memory_space<semaphore_mem>>
      %dma_start3A = arith.constant 2560 : i32
      %dma_start3A_49 = tpu.memref_slice %arg11[%dma_start3A] : memref<10240xf32, #tpu.memory_space<vmem>> -> memref<2560xf32, #tpu.memory_space<vmem>>
      %dma_start3A_50 = tpu.memref_slice %arg3[%mul3A_30] : memref<327680xf32, #tpu.memory_space<hbm>> -> memref<2560xf32, #tpu.memory_space<hbm>>
      %dma_start3A_51 = arith.constant 2560 : i32
      %dma_start3A_52 = tpu.memref_slice %arg11[%dma_start3A_51] : memref<10240xf32, #tpu.memory_space<vmem>> -> memref<2560xf32, #tpu.memory_space<vmem>>
      %dma_start3A_53 = tpu.memref_slice %arg3[%mul3A_30] : memref<327680xf32, #tpu.memory_space<hbm>> -> memref<2560xf32, #tpu.memory_space<hbm>>
      tpu.enqueue_dma source(%dma_start3A_53 : memref<2560xf32, #tpu.memory_space<hbm>>) target(%dma_start3A_52 : memref<2560xf32, #tpu.memory_space<vmem>>) target_semaphore(%run_scoped3A : memref<!tpu.dma_semaphore, #tpu.memory_space<semaphore_mem>>)
      %dma_wait3A = arith.constant 2560 : i32
      %dma_wait3A_54 = tpu.memref_slice %arg11[%dma_wait3A] : memref<10240xf32, #tpu.memory_space<vmem>> -> memref<2560xf32, #tpu.memory_space<vmem>>
      %dma_wait3A_55 = tpu.memref_slice %arg3[%mul3A_30] : memref<327680xf32, #tpu.memory_space<hbm>> -> memref<2560xf32, #tpu.memory_space<hbm>>
      %dma_wait3A_56 = arith.constant 2560 : i32
      %dma_wait3A_57 = tpu.memref_slice %arg11[%dma_wait3A_56] : memref<10240xf32, #tpu.memory_space<vmem>> -> memref<2560xf32, #tpu.memory_space<vmem>>
      %dma_wait3A_58 = tpu.memref_slice %arg3[%mul3A_30] : memref<327680xf32, #tpu.memory_space<hbm>> -> memref<2560xf32, #tpu.memory_space<hbm>>
      tpu.wait_dma2 semaphore(%run_scoped3A : memref<!tpu.dma_semaphore, #tpu.memory_space<semaphore_mem>>) src(%dma_wait3A_58 : memref<2560xf32, #tpu.memory_space<hbm>>) dst(%dma_wait3A_57 : memref<2560xf32, #tpu.memory_space<vmem>>)
      tpu.yield
    }) : () -> ()
    %mul3A_31 = arith.constant 4 : i32
    %mul3A_32 = arith.muli %add3A, %mul3A_31 : i32
    %add3A_33 = arith.constant 2 : i32
    %add3A_34 = arith.addi %mul3A_32, %add3A_33 : i32
    %mul3A_35 = arith.constant 2560 : i32
    %mul3A_36 = arith.muli %add3A_34, %mul3A_35 : i32
    "tpu.region"() ({
      %run_scoped3A = tpu.sem_alloc : memref<!tpu.dma_semaphore, #tpu.memory_space<semaphore_mem>>
      %dma_start3A = arith.constant 5120 : i32
      %dma_start3A_49 = tpu.memref_slice %arg11[%dma_start3A] : memref<10240xf32, #tpu.memory_space<vmem>> -> memref<2560xf32, #tpu.memory_space<vmem>>
      %dma_start3A_50 = tpu.memref_slice %arg3[%mul3A_36] : memref<327680xf32, #tpu.memory_space<hbm>> -> memref<2560xf32, #tpu.memory_space<hbm>>
      %dma_start3A_51 = arith.constant 5120 : i32
      %dma_start3A_52 = tpu.memref_slice %arg11[%dma_start3A_51] : memref<10240xf32, #tpu.memory_space<vmem>> -> memref<2560xf32, #tpu.memory_space<vmem>>
      %dma_start3A_53 = tpu.memref_slice %arg3[%mul3A_36] : memref<327680xf32, #tpu.memory_space<hbm>> -> memref<2560xf32, #tpu.memory_space<hbm>>
      tpu.enqueue_dma source(%dma_start3A_53 : memref<2560xf32, #tpu.memory_space<hbm>>) target(%dma_start3A_52 : memref<2560xf32, #tpu.memory_space<vmem>>) target_semaphore(%run_scoped3A : memref<!tpu.dma_semaphore, #tpu.memory_space<semaphore_mem>>)
      %dma_wait3A = arith.constant 5120 : i32
      %dma_wait3A_54 = tpu.memref_slice %arg11[%dma_wait3A] : memref<10240xf32, #tpu.memory_space<vmem>> -> memref<2560xf32, #tpu.memory_space<vmem>>
      %dma_wait3A_55 = tpu.memref_slice %arg3[%mul3A_36] : memref<327680xf32, #tpu.memory_space<hbm>> -> memref<2560xf32, #tpu.memory_space<hbm>>
      %dma_wait3A_56 = arith.constant 5120 : i32
      %dma_wait3A_57 = tpu.memref_slice %arg11[%dma_wait3A_56] : memref<10240xf32, #tpu.memory_space<vmem>> -> memref<2560xf32, #tpu.memory_space<vmem>>
      %dma_wait3A_58 = tpu.memref_slice %arg3[%mul3A_36] : memref<327680xf32, #tpu.memory_space<hbm>> -> memref<2560xf32, #tpu.memory_space<hbm>>
      tpu.wait_dma2 semaphore(%run_scoped3A : memref<!tpu.dma_semaphore, #tpu.memory_space<semaphore_mem>>) src(%dma_wait3A_58 : memref<2560xf32, #tpu.memory_space<hbm>>) dst(%dma_wait3A_57 : memref<2560xf32, #tpu.memory_space<vmem>>)
      tpu.yield
    }) : () -> ()
    %mul3A_37 = arith.constant 4 : i32
    %mul3A_38 = arith.muli %add3A, %mul3A_37 : i32
    %add3A_39 = arith.constant 3 : i32
    %add3A_40 = arith.addi %mul3A_38, %add3A_39 : i32
    %mul3A_41 = arith.constant 2560 : i32
    %mul3A_42 = arith.muli %add3A_40, %mul3A_41 : i32
    "tpu.region"() ({
      %run_scoped3A = tpu.sem_alloc : memref<!tpu.dma_semaphore, #tpu.memory_space<semaphore_mem>>
      %dma_start3A = arith.constant 7680 : i32
      %dma_start3A_49 = tpu.memref_slice %arg11[%dma_start3A] : memref<10240xf32, #tpu.memory_space<vmem>> -> memref<2560xf32, #tpu.memory_space<vmem>>
      %dma_start3A_50 = tpu.memref_slice %arg3[%mul3A_42] : memref<327680xf32, #tpu.memory_space<hbm>> -> memref<2560xf32, #tpu.memory_space<hbm>>
      %dma_start3A_51 = arith.constant 7680 : i32
      %dma_start3A_52 = tpu.memref_slice %arg11[%dma_start3A_51] : memref<10240xf32, #tpu.memory_space<vmem>> -> memref<2560xf32, #tpu.memory_space<vmem>>
      %dma_start3A_53 = tpu.memref_slice %arg3[%mul3A_42] : memref<327680xf32, #tpu.memory_space<hbm>> -> memref<2560xf32, #tpu.memory_space<hbm>>
      tpu.enqueue_dma source(%dma_start3A_53 : memref<2560xf32, #tpu.memory_space<hbm>>) target(%dma_start3A_52 : memref<2560xf32, #tpu.memory_space<vmem>>) target_semaphore(%run_scoped3A : memref<!tpu.dma_semaphore, #tpu.memory_space<semaphore_mem>>)
      %dma_wait3A = arith.constant 7680 : i32
      %dma_wait3A_54 = tpu.memref_slice %arg11[%dma_wait3A] : memref<10240xf32, #tpu.memory_space<vmem>> -> memref<2560xf32, #tpu.memory_space<vmem>>
      %dma_wait3A_55 = tpu.memref_slice %arg3[%mul3A_42] : memref<327680xf32, #tpu.memory_space<hbm>> -> memref<2560xf32, #tpu.memory_space<hbm>>
      %dma_wait3A_56 = arith.constant 7680 : i32
      %dma_wait3A_57 = tpu.memref_slice %arg11[%dma_wait3A_56] : memref<10240xf32, #tpu.memory_space<vmem>> -> memref<2560xf32, #tpu.memory_space<vmem>>
      %dma_wait3A_58 = tpu.memref_slice %arg3[%mul3A_42] : memref<327680xf32, #tpu.memory_space<hbm>> -> memref<2560xf32, #tpu.memory_space<hbm>>
      tpu.wait_dma2 semaphore(%run_scoped3A : memref<!tpu.dma_semaphore, #tpu.memory_space<semaphore_mem>>) src(%dma_wait3A_58 : memref<2560xf32, #tpu.memory_space<hbm>>) dst(%dma_wait3A_57 : memref<2560xf32, #tpu.memory_space<vmem>>)
      tpu.yield
    }) : () -> ()
    %broadcast_in_dim3A = arith.constant 0.000000e+00 : f32
    %broadcast_in_dim3A_43 = vector.broadcast %broadcast_in_dim3A : f32 to vector<16xf32>
    %scan3A = arith.constant 0 : i32
    %scan3A_44 = arith.constant 0 : i32
    %scan3A_45 = arith.constant 8 : i32
    %scan3A_46 = arith.addi %scan3A_44, %scan3A_45 : i32
    %scan3A_47 = arith.constant 1 : i32
    scf.for %scan3A_49 = %scan3A_44 to %scan3A_46 step %scan3A_47  : i32 {
      %scan3A_50 = arith.constant 0 : i32
      %scan3A_51 = arith.constant 0 : i32
      %scan3A_52 = arith.constant 256 : i32
      %scan3A_53 = arith.addi %scan3A_51, %scan3A_52 : i32
      %scan3A_54 = arith.constant 1 : i32
      scf.for %scan3A_69 = %scan3A_51 to %scan3A_53 step %scan3A_54  : i32 {
        %mul3A_70 = arith.constant 16 : i32
        %mul3A_71 = arith.muli %scan3A_69, %mul3A_70 : i32
        %add3A_72 = vector.broadcast %mul3A_71 : i32 to vector<16xi32>
        %add3A_73 = arith.addi %add3A_72, %iota3A : vector<16xi32>
        tpu.vector_store_idx %arg13[%add3A_73], %broadcast_in_dim3A_43 : memref<4096xf32, #tpu.memory_space<vmem>>[vector<16xi32>], vector<16xf32>,
        tpu.vector_store_idx %arg14[%add3A_73], %broadcast_in_dim3A_43 : memref<4096xf32, #tpu.memory_space<vmem>>[vector<16xi32>], vector<16xf32>,
        tpu.vector_store_idx %arg15[%add3A_73], %broadcast_in_dim3A_43 : memref<4096xf32, #tpu.memory_space<vmem>>[vector<16xi32>], vector<16xf32>,
        tpu.vector_store_idx %arg16[%add3A_73], %broadcast_in_dim3A_43 : memref<4096xf32, #tpu.memory_space<vmem>>[vector<16xi32>], vector<16xf32>,
      }
      %scan3A_55 = arith.constant 256 : i32
      %scan3A_56 = arith.constant 0 : i32
      %scan3A_57 = arith.constant 0 : i32
      %scan3A_58 = arith.constant 4 : i32
      %scan3A_59 = arith.addi %scan3A_57, %scan3A_58 : i32
      %scan3A_60 = arith.constant 1 : i32
      scf.for %scan3A_69 = %scan3A_57 to %scan3A_59 step %scan3A_60  : i32 {
        %mul3A_70 = arith.constant 64 : i32
        %mul3A_71 = arith.muli %scan3A_49, %mul3A_70 : i32
        %mul3A_72 = arith.constant 16 : i32
        %mul3A_73 = arith.muli %scan3A_69, %mul3A_72 : i32
        %add3A_74 = arith.addi %mul3A_71, %mul3A_73 : i32
        %add3A_75 = vector.broadcast %add3A_74 : i32 to vector<16xi32>
        %add3A_76 = arith.addi %add3A_75, %iota3A : vector<16xi32>
        %add3A_77 = arith.constant 0 : i32
        %add3A_78 = vector.broadcast %add3A_77 : i32 to vector<16xi32>
        %add3A_79 = arith.addi %add3A_78, %add3A_76 : vector<16xi32>
        %gather3A = tpu.vector_load_idx %arg11[%add3A_79] : memref<10240xf32, #tpu.memory_space<vmem>>[vector<16xi32>], vector<16xf32>,
        %add3A_80 = arith.constant 512 : i32
        %add3A_81 = vector.broadcast %add3A_80 : i32 to vector<16xi32>
        %add3A_82 = arith.addi %add3A_81, %add3A_76 : vector<16xi32>
        %gather3A_83 = tpu.vector_load_idx %arg11[%add3A_82] : memref<10240xf32, #tpu.memory_space<vmem>>[vector<16xi32>], vector<16xf32>,
        %add3A_84 = arith.constant 1024 : i32
        %add3A_85 = vector.broadcast %add3A_84 : i32 to vector<16xi32>
        %add3A_86 = arith.addi %add3A_85, %add3A_76 : vector<16xi32>
        %gather3A_87 = tpu.vector_load_idx %arg11[%add3A_86] : memref<10240xf32, #tpu.memory_space<vmem>>[vector<16xi32>], vector<16xf32>,
        %add3A_88 = arith.constant 1536 : i32
        %add3A_89 = vector.broadcast %add3A_88 : i32 to vector<16xi32>
        %add3A_90 = arith.addi %add3A_89, %add3A_76 : vector<16xi32>
        %gather3A_91 = tpu.vector_load_idx %arg11[%add3A_90] : memref<10240xf32, #tpu.memory_space<vmem>>[vector<16xi32>], vector<16xf32>,
        %add3A_92 = arith.constant 2048 : i32
        %add3A_93 = vector.broadcast %add3A_92 : i32 to vector<16xi32>
        %add3A_94 = arith.addi %add3A_93, %add3A_76 : vector<16xi32>
        %gather3A_95 = tpu.vector_load_idx %arg11[%add3A_94] : memref<10240xf32, #tpu.memory_space<vmem>>[vector<16xi32>], vector<16xf32>,
        %add3A_96 = arith.constant 2560 : i32
        %add3A_97 = vector.broadcast %add3A_96 : i32 to vector<16xi32>
        %add3A_98 = arith.addi %add3A_97, %add3A_76 : vector<16xi32>
        %gather3A_99 = tpu.vector_load_idx %arg11[%add3A_98] : memref<10240xf32, #tpu.memory_space<vmem>>[vector<16xi32>], vector<16xf32>,
        %add3A_100 = arith.constant 3072 : i32
        %add3A_101 = vector.broadcast %add3A_100 : i32 to vector<16xi32>
        %add3A_102 = arith.addi %add3A_101, %add3A_76 : vector<16xi32>
        %gather3A_103 = tpu.vector_load_idx %arg11[%add3A_102] : memref<10240xf32, #tpu.memory_space<vmem>>[vector<16xi32>], vector<16xf32>,
        %add3A_104 = arith.constant 3584 : i32
        %add3A_105 = vector.broadcast %add3A_104 : i32 to vector<16xi32>
        %add3A_106 = arith.addi %add3A_105, %add3A_76 : vector<16xi32>
        %gather3A_107 = tpu.vector_load_idx %arg11[%add3A_106] : memref<10240xf32, #tpu.memory_space<vmem>>[vector<16xi32>], vector<16xf32>,
        %add3A_108 = arith.constant 4096 : i32
        %add3A_109 = vector.broadcast %add3A_108 : i32 to vector<16xi32>
        %add3A_110 = arith.addi %add3A_109, %add3A_76 : vector<16xi32>
        %gather3A_111 = tpu.vector_load_idx %arg11[%add3A_110] : memref<10240xf32, #tpu.memory_space<vmem>>[vector<16xi32>], vector<16xf32>,
        %add3A_112 = arith.constant 4608 : i32
        %add3A_113 = vector.broadcast %add3A_112 : i32 to vector<16xi32>
        %add3A_114 = arith.addi %add3A_113, %add3A_76 : vector<16xi32>
        %gather3A_115 = tpu.vector_load_idx %arg11[%add3A_114] : memref<10240xf32, #tpu.memory_space<vmem>>[vector<16xi32>], vector<16xf32>,
        %add3A_116 = arith.constant 5120 : i32
        %add3A_117 = vector.broadcast %add3A_116 : i32 to vector<16xi32>
        %add3A_118 = arith.addi %add3A_117, %add3A_76 : vector<16xi32>
        %gather3A_119 = tpu.vector_load_idx %arg11[%add3A_118] : memref<10240xf32, #tpu.memory_space<vmem>>[vector<16xi32>], vector<16xf32>,
        %add3A_120 = arith.constant 5632 : i32
        %add3A_121 = vector.broadcast %add3A_120 : i32 to vector<16xi32>
        %add3A_122 = arith.addi %add3A_121, %add3A_76 : vector<16xi32>
        %gather3A_123 = tpu.vector_load_idx %arg11[%add3A_122] : memref<10240xf32, #tpu.memory_space<vmem>>[vector<16xi32>], vector<16xf32>,
        %add3A_124 = arith.constant 6144 : i32
        %add3A_125 = vector.broadcast %add3A_124 : i32 to vector<16xi32>
        %add3A_126 = arith.addi %add3A_125, %add3A_76 : vector<16xi32>
        %gather3A_127 = tpu.vector_load_idx %arg11[%add3A_126] : memref<10240xf32, #tpu.memory_space<vmem>>[vector<16xi32>], vector<16xf32>,
        %add3A_128 = arith.constant 6656 : i32
        %add3A_129 = vector.broadcast %add3A_128 : i32 to vector<16xi32>
        %add3A_130 = arith.addi %add3A_129, %add3A_76 : vector<16xi32>
        %gather3A_131 = tpu.vector_load_idx %arg11[%add3A_130] : memref<10240xf32, #tpu.memory_space<vmem>>[vector<16xi32>], vector<16xf32>,
        %add3A_132 = arith.constant 7168 : i32
        %add3A_133 = vector.broadcast %add3A_132 : i32 to vector<16xi32>
        %add3A_134 = arith.addi %add3A_133, %add3A_76 : vector<16xi32>
        %gather3A_135 = tpu.vector_load_idx %arg11[%add3A_134] : memref<10240xf32, #tpu.memory_space<vmem>>[vector<16xi32>], vector<16xf32>,
        %scan3A_136 = arith.constant 0 : i32
        %scan3A_137 = arith.constant 0 : i32
        %scan3A_138 = arith.constant 64 : i32
        %scan3A_139 = arith.addi %scan3A_137, %scan3A_138 : i32
        %scan3A_140 = arith.constant 1 : i32
        scf.for %scan3A_594 = %scan3A_137 to %scan3A_139 step %scan3A_140  : i32 {
          %mul3A_595 = arith.constant 512 : i32
          %mul3A_596 = arith.muli %scan3A_594, %mul3A_595 : i32
          %add3A_597 = vector.broadcast %mul3A_596 : i32 to vector<16xi32>
          %add3A_598 = arith.addi %add3A_597, %add3A_76 : vector<16xi32>
          %gather3A_599 = tpu.vector_load_idx %arg8[%add3A_598] : memref<32768xf32, #tpu.memory_space<vmem>>[vector<16xi32>], vector<16xf32>,
          %gather3A_600 = tpu.vector_load_idx %arg9[%add3A_598] : memref<32768xf32, #tpu.memory_space<vmem>>[vector<16xi32>], vector<16xf32>,
          %gather3A_601 = tpu.vector_load_idx %arg10[%add3A_598] : memref<32768xf32, #tpu.memory_space<vmem>>[vector<16xi32>], vector<16xf32>,
          %mul3A_602 = arith.constant 80 : i32
          %mul3A_603 = arith.muli %scan3A_594, %mul3A_602 : i32
          %add3A_604 = vector.broadcast %mul3A_603 : i32 to vector<16xi32>
          %add3A_605 = arith.addi %add3A_604, %iota3A : vector<16xi32>
          %sub3A = arith.subf %gather3A_599, %gather3A : vector<16xf32>
          %sub3A_606 = arith.subf %gather3A_600, %gather3A_99 : vector<16xf32>
          %sub3A_607 = arith.subf %gather3A_601, %gather3A_119 : vector<16xf32>
          %mul3A_608 = arith.mulf %sub3A, %sub3A : vector<16xf32>
          %mul3A_609 = arith.mulf %sub3A_606, %sub3A_606 : vector<16xf32>
          %add3A_610 = arith.addf %mul3A_608, %mul3A_609 : vector<16xf32>
          %mul3A_611 = arith.mulf %sub3A_607, %sub3A_607 : vector<16xf32>
          %add3A_612 = arith.addf %add3A_610, %mul3A_611 : vector<16xf32>
          %add3A_613 = arith.constant 0 : i32
          %add3A_614 = vector.broadcast %add3A_613 : i32 to vector<16xi32>
          %add3A_615 = arith.addi %add3A_605, %add3A_614 : vector<16xi32>
          tpu.vector_store_idx %arg12[%add3A_615], %add3A_612 : memref<5120xf32, #tpu.memory_space<vmem>>[vector<16xi32>], vector<16xf32>,
          %sub3A_616 = arith.subf %gather3A_599, %gather3A_83 : vector<16xf32>
          %sub3A_617 = arith.subf %gather3A_600, %gather3A_103 : vector<16xf32>
          %sub3A_618 = arith.subf %gather3A_601, %gather3A_123 : vector<16xf32>
          %mul3A_619 = arith.mulf %sub3A_616, %sub3A_616 : vector<16xf32>
          %mul3A_620 = arith.mulf %sub3A_617, %sub3A_617 : vector<16xf32>
          %add3A_621 = arith.addf %mul3A_619, %mul3A_620 : vector<16xf32>
          %mul3A_622 = arith.mulf %sub3A_618, %sub3A_618 : vector<16xf32>
          %add3A_623 = arith.addf %add3A_621, %mul3A_622 : vector<16xf32>
          %add3A_624 = arith.constant 16 : i32
          %add3A_625 = vector.broadcast %add3A_624 : i32 to vector<16xi32>
          %add3A_626 = arith.addi %add3A_605, %add3A_625 : vector<16xi32>
          tpu.vector_store_idx %arg12[%add3A_626], %add3A_623 : memref<5120xf32, #tpu.memory_space<vmem>>[vector<16xi32>], vector<16xf32>,
          %sub3A_627 = arith.subf %gather3A_599, %gather3A_87 : vector<16xf32>
          %sub3A_628 = arith.subf %gather3A_600, %gather3A_107 : vector<16xf32>
          %sub3A_629 = arith.subf %gather3A_601, %gather3A_127 : vector<16xf32>
          %mul3A_630 = arith.mulf %sub3A_627, %sub3A_627 : vector<16xf32>
          %mul3A_631 = arith.mulf %sub3A_628, %sub3A_628 : vector<16xf32>
          %add3A_632 = arith.addf %mul3A_630, %mul3A_631 : vector<16xf32>
          %mul3A_633 = arith.mulf %sub3A_629, %sub3A_629 : vector<16xf32>
          %add3A_634 = arith.addf %add3A_632, %mul3A_633 : vector<16xf32>
          %add3A_635 = arith.constant 32 : i32
          %add3A_636 = vector.broadcast %add3A_635 : i32 to vector<16xi32>
          %add3A_637 = arith.addi %add3A_605, %add3A_636 : vector<16xi32>
          tpu.vector_store_idx %arg12[%add3A_637], %add3A_634 : memref<5120xf32, #tpu.memory_space<vmem>>[vector<16xi32>], vector<16xf32>,
          %sub3A_638 = arith.subf %gather3A_599, %gather3A_91 : vector<16xf32>
          %sub3A_639 = arith.subf %gather3A_600, %gather3A_111 : vector<16xf32>
          %sub3A_640 = arith.subf %gather3A_601, %gather3A_131 : vector<16xf32>
          %mul3A_641 = arith.mulf %sub3A_638, %sub3A_638 : vector<16xf32>
          %mul3A_642 = arith.mulf %sub3A_639, %sub3A_639 : vector<16xf32>
          %add3A_643 = arith.addf %mul3A_641, %mul3A_642 : vector<16xf32>
          %mul3A_644 = arith.mulf %sub3A_640, %sub3A_640 : vector<16xf32>
          %add3A_645 = arith.addf %add3A_643, %mul3A_644 : vector<16xf32>
          %add3A_646 = arith.constant 48 : i32
          %add3A_647 = vector.broadcast %add3A_646 : i32 to vector<16xi32>
          %add3A_648 = arith.addi %add3A_605, %add3A_647 : vector<16xi32>
          tpu.vector_store_idx %arg12[%add3A_648], %add3A_645 : memref<5120xf32, #tpu.memory_space<vmem>>[vector<16xi32>], vector<16xf32>,
          %sub3A_649 = arith.subf %gather3A_599, %gather3A_95 : vector<16xf32>
          %sub3A_650 = arith.subf %gather3A_600, %gather3A_115 : vector<16xf32>
          %sub3A_651 = arith.subf %gather3A_601, %gather3A_135 : vector<16xf32>
          %mul3A_652 = arith.mulf %sub3A_649, %sub3A_649 : vector<16xf32>
          %mul3A_653 = arith.mulf %sub3A_650, %sub3A_650 : vector<16xf32>
          %add3A_654 = arith.addf %mul3A_652, %mul3A_653 : vector<16xf32>
          %mul3A_655 = arith.mulf %sub3A_651, %sub3A_651 : vector<16xf32>
          %add3A_656 = arith.addf %add3A_654, %mul3A_655 : vector<16xf32>
          %add3A_657 = arith.constant 64 : i32
          %add3A_658 = vector.broadcast %add3A_657 : i32 to vector<16xi32>
          %add3A_659 = arith.addi %add3A_605, %add3A_658 : vector<16xi32>
          tpu.vector_store_idx %arg12[%add3A_659], %add3A_656 : memref<5120xf32, #tpu.memory_space<vmem>>[vector<16xi32>], vector<16xf32>,
        }
        %scan3A_141 = arith.constant 64 : i32
        %broadcast_in_dim3A_142 = arith.constant 1.000000e+30 : f32
        %broadcast_in_dim3A_143 = vector.broadcast %broadcast_in_dim3A_142 : f32 to vector<16xf32>
        %broadcast_in_dim3A_144 = arith.constant 0 : i32
        %broadcast_in_dim3A_145 = vector.broadcast %broadcast_in_dim3A_144 : i32 to vector<16xi32>
        %broadcast_in_dim3A_146 = arith.constant 0 : i32
        %broadcast_in_dim3A_147 = vector.broadcast %broadcast_in_dim3A_146 : i32 to vector<16xi32>
        %scan3A_148 = arith.constant 0 : i32
        %scan3A_149 = arith.constant 64 : i32
        %scan3A_150 = arith.addi %scan3A_148, %scan3A_149 : i32
        %scan3A_151 = arith.constant 1 : i32
        %scan3A_152:3 = scf.for %scan3A_594 = %scan3A_148 to %scan3A_150 step %scan3A_151 iter_args(%scan3A_595 = %broadcast_in_dim3A_143, %scan3A_596 = %broadcast_in_dim3A_145, %scan3A_597 = %broadcast_in_dim3A_147) -> (vector<16xf32>, vector<16xi32>, vector<16xi32>)  : i32 {
          %mul3A_598 = arith.constant 80 : i32
          %mul3A_599 = arith.muli %scan3A_594, %mul3A_598 : i32
          %add3A_600 = vector.broadcast %mul3A_599 : i32 to vector<16xi32>
          %add3A_601 = arith.addi %add3A_600, %iota3A : vector<16xi32>
          %add3A_602 = arith.constant 0 : i32
          %add3A_603 = vector.broadcast %add3A_602 : i32 to vector<16xi32>
          %add3A_604 = arith.addi %add3A_601, %add3A_603 : vector<16xi32>
          %gather3A_605 = tpu.vector_load_idx %arg12[%add3A_604] : memref<5120xf32, #tpu.memory_space<vmem>>[vector<16xi32>], vector<16xf32>,
          %add3A_606 = arith.addf %gather3A_605, %broadcast_in_dim3A_43 : vector<16xf32>
          %lt3A = arith.cmpf olt, %add3A_606, %scan3A_595 : vector<16xf32>
          %select_n3A_607 = arith.select %lt3A, %add3A_606, %scan3A_595 : vector<16xi1>, vector<16xf32>
          %broadcast_in_dim3A_608 = vector.broadcast %scan3A_594 : i32 to vector<16xi32>
          %select_n3A_609 = arith.select %lt3A, %broadcast_in_dim3A_608, %scan3A_596 : vector<16xi1>, vector<16xi32>
          %jit3A_610 = arith.constant 0 : i32
          %broadcast_in_dim3A_611 = vector.broadcast %jit3A_610 : i32 to vector<16xi32>
          %select_n3A_612 = arith.select %lt3A, %broadcast_in_dim3A_611, %scan3A_597 : vector<16xi1>, vector<16xi32>
          %add3A_613 = arith.constant 16 : i32
          %add3A_614 = vector.broadcast %add3A_613 : i32 to vector<16xi32>
          %add3A_615 = arith.addi %add3A_601, %add3A_614 : vector<16xi32>
          %gather3A_616 = tpu.vector_load_idx %arg12[%add3A_615] : memref<5120xf32, #tpu.memory_space<vmem>>[vector<16xi32>], vector<16xf32>,
          %add3A_617 = arith.addf %gather3A_616, %broadcast_in_dim3A_43 : vector<16xf32>
          %lt3A_618 = arith.cmpf olt, %add3A_617, %select_n3A_607 : vector<16xf32>
          %select_n3A_619 = arith.select %lt3A_618, %add3A_617, %select_n3A_607 : vector<16xi1>, vector<16xf32>
          %broadcast_in_dim3A_620 = vector.broadcast %scan3A_594 : i32 to vector<16xi32>
          %select_n3A_621 = arith.select %lt3A_618, %broadcast_in_dim3A_620, %select_n3A_609 : vector<16xi1>, vector<16xi32>
          %jit3A_622 = arith.constant 1 : i32
          %broadcast_in_dim3A_623 = vector.broadcast %jit3A_622 : i32 to vector<16xi32>
          %select_n3A_624 = arith.select %lt3A_618, %broadcast_in_dim3A_623, %select_n3A_612 : vector<16xi1>, vector<16xi32>
          %add3A_625 = arith.constant 32 : i32
          %add3A_626 = vector.broadcast %add3A_625 : i32 to vector<16xi32>
          %add3A_627 = arith.addi %add3A_601, %add3A_626 : vector<16xi32>
          %gather3A_628 = tpu.vector_load_idx %arg12[%add3A_627] : memref<5120xf32, #tpu.memory_space<vmem>>[vector<16xi32>], vector<16xf32>,
          %add3A_629 = arith.addf %gather3A_628, %broadcast_in_dim3A_43 : vector<16xf32>
          %lt3A_630 = arith.cmpf olt, %add3A_629, %select_n3A_619 : vector<16xf32>
          %select_n3A_631 = arith.select %lt3A_630, %add3A_629, %select_n3A_619 : vector<16xi1>, vector<16xf32>
          %broadcast_in_dim3A_632 = vector.broadcast %scan3A_594 : i32 to vector<16xi32>
          %select_n3A_633 = arith.select %lt3A_630, %broadcast_in_dim3A_632, %select_n3A_621 : vector<16xi1>, vector<16xi32>
          %jit3A_634 = arith.constant 2 : i32
          %broadcast_in_dim3A_635 = vector.broadcast %jit3A_634 : i32 to vector<16xi32>
          %select_n3A_636 = arith.select %lt3A_630, %broadcast_in_dim3A_635, %select_n3A_624 : vector<16xi1>, vector<16xi32>
          %add3A_637 = arith.constant 48 : i32
          %add3A_638 = vector.broadcast %add3A_637 : i32 to vector<16xi32>
          %add3A_639 = arith.addi %add3A_601, %add3A_638 : vector<16xi32>
          %gather3A_640 = tpu.vector_load_idx %arg12[%add3A_639] : memref<5120xf32, #tpu.memory_space<vmem>>[vector<16xi32>], vector<16xf32>,
          %add3A_641 = arith.addf %gather3A_640, %broadcast_in_dim3A_43 : vector<16xf32>
          %lt3A_642 = arith.cmpf olt, %add3A_641, %select_n3A_631 : vector<16xf32>
          %select_n3A_643 = arith.select %lt3A_642, %add3A_641, %select_n3A_631 : vector<16xi1>, vector<16xf32>
          %broadcast_in_dim3A_644 = vector.broadcast %scan3A_594 : i32 to vector<16xi32>
          %select_n3A_645 = arith.select %lt3A_642, %broadcast_in_dim3A_644, %select_n3A_633 : vector<16xi1>, vector<16xi32>
          %jit3A_646 = arith.constant 3 : i32
          %broadcast_in_dim3A_647 = vector.broadcast %jit3A_646 : i32 to vector<16xi32>
          %select_n3A_648 = arith.select %lt3A_642, %broadcast_in_dim3A_647, %select_n3A_636 : vector<16xi1>, vector<16xi32>
          %add3A_649 = arith.constant 64 : i32
          %add3A_650 = vector.broadcast %add3A_649 : i32 to vector<16xi32>
          %add3A_651 = arith.addi %add3A_601, %add3A_650 : vector<16xi32>
          %gather3A_652 = tpu.vector_load_idx %arg12[%add3A_651] : memref<5120xf32, #tpu.memory_space<vmem>>[vector<16xi32>], vector<16xf32>,
          %add3A_653 = arith.addf %gather3A_652, %broadcast_in_dim3A_43 : vector<16xf32>
          %lt3A_654 = arith.cmpf olt, %add3A_653, %select_n3A_643 : vector<16xf32>
          %select_n3A_655 = arith.select %lt3A_654, %add3A_653, %select_n3A_643 : vector<16xi1>, vector<16xf32>
          %broadcast_in_dim3A_656 = vector.broadcast %scan3A_594 : i32 to vector<16xi32>
          %select_n3A_657 = arith.select %lt3A_654, %broadcast_in_dim3A_656, %select_n3A_645 : vector<16xi1>, vector<16xi32>
          %jit3A_658 = arith.constant 4 : i32
          %broadcast_in_dim3A_659 = vector.broadcast %jit3A_658 : i32 to vector<16xi32>
          %select_n3A_660 = arith.select %lt3A_654, %broadcast_in_dim3A_659, %select_n3A_648 : vector<16xi1>, vector<16xi32>
          scf.yield %select_n3A_655, %select_n3A_657, %select_n3A_660 : vector<16xf32>, vector<16xi32>, vector<16xi32>
        }
        %scan3A_153 = arith.constant 64 : i32
        %broadcast_in_dim3A_154 = arith.constant 1.000000e+30 : f32
        %broadcast_in_dim3A_155 = vector.broadcast %broadcast_in_dim3A_154 : f32 to vector<16xf32>
        %mul3A_156 = arith.constant 80 : i32
        %mul3A_157 = vector.broadcast %mul3A_156 : i32 to vector<16xi32>
        %mul3A_158 = arith.muli %scan3A_152#1, %mul3A_157 : vector<16xi32>
        %add3A_159 = arith.addi %mul3A_158, %iota3A : vector<16xi32>
        %add3A_160 = arith.constant 0 : i32
        %add3A_161 = vector.broadcast %add3A_160 : i32 to vector<16xi32>
        %add3A_162 = arith.addi %add3A_159, %add3A_161 : vector<16xi32>
        tpu.vector_store_idx %arg12[%add3A_162], %broadcast_in_dim3A_155 {add = true} : memref<5120xf32, #tpu.memory_space<vmem>>[vector<16xi32>], vector<16xf32>,
        %add3A_163 = arith.constant 16 : i32
        %add3A_164 = vector.broadcast %add3A_163 : i32 to vector<16xi32>
        %add3A_165 = arith.addi %add3A_159, %add3A_164 : vector<16xi32>
        tpu.vector_store_idx %arg12[%add3A_165], %broadcast_in_dim3A_155 {add = true} : memref<5120xf32, #tpu.memory_space<vmem>>[vector<16xi32>], vector<16xf32>,
        %add3A_166 = arith.constant 32 : i32
        %add3A_167 = vector.broadcast %add3A_166 : i32 to vector<16xi32>
        %add3A_168 = arith.addi %add3A_159, %add3A_167 : vector<16xi32>
        tpu.vector_store_idx %arg12[%add3A_168], %broadcast_in_dim3A_155 {add = true} : memref<5120xf32, #tpu.memory_space<vmem>>[vector<16xi32>], vector<16xf32>,
        %add3A_169 = arith.constant 48 : i32
        %add3A_170 = vector.broadcast %add3A_169 : i32 to vector<16xi32>
        %add3A_171 = arith.addi %add3A_159, %add3A_170 : vector<16xi32>
        tpu.vector_store_idx %arg12[%add3A_171], %broadcast_in_dim3A_155 {add = true} : memref<5120xf32, #tpu.memory_space<vmem>>[vector<16xi32>], vector<16xf32>,
        %add3A_172 = arith.constant 64 : i32
        %add3A_173 = vector.broadcast %add3A_172 : i32 to vector<16xi32>
        %add3A_174 = arith.addi %add3A_159, %add3A_173 : vector<16xi32>
        tpu.vector_store_idx %arg12[%add3A_174], %broadcast_in_dim3A_155 {add = true} : memref<5120xf32, #tpu.memory_space<vmem>>[vector<16xi32>], vector<16xf32>,
        %eq3A = arith.constant 0 : i32
        %eq3A_175 = vector.broadcast %eq3A : i32 to vector<16xi32>
        %eq3A_176 = arith.cmpi eq, %scan3A_152#2, %eq3A_175 : vector<16xi32>
        %jit3A = arith.constant 1.000000e+30 : f32
        %broadcast_in_dim3A_177 = vector.broadcast %jit3A : f32 to vector<16xf32>
        %select_n3A = arith.select %eq3A_176, %broadcast_in_dim3A_177, %broadcast_in_dim3A_43 : vector<16xi1>, vector<16xf32>
        %eq3A_178 = arith.constant 1 : i32
        %eq3A_179 = vector.broadcast %eq3A_178 : i32 to vector<16xi32>
        %eq3A_180 = arith.cmpi eq, %scan3A_152#2, %eq3A_179 : vector<16xi32>
        %jit3A_181 = arith.constant 1.000000e+30 : f32
        %broadcast_in_dim3A_182 = vector.broadcast %jit3A_181 : f32 to vector<16xf32>
        %select_n3A_183 = arith.select %eq3A_180, %broadcast_in_dim3A_182, %broadcast_in_dim3A_43 : vector<16xi1>, vector<16xf32>
        %eq3A_184 = arith.constant 2 : i32
        %eq3A_185 = vector.broadcast %eq3A_184 : i32 to vector<16xi32>
        %eq3A_186 = arith.cmpi eq, %scan3A_152#2, %eq3A_185 : vector<16xi32>
        %jit3A_187 = arith.constant 1.000000e+30 : f32
        %broadcast_in_dim3A_188 = vector.broadcast %jit3A_187 : f32 to vector<16xf32>
        %select_n3A_189 = arith.select %eq3A_186, %broadcast_in_dim3A_188, %broadcast_in_dim3A_43 : vector<16xi1>, vector<16xf32>
        %eq3A_190 = arith.constant 3 : i32
        %eq3A_191 = vector.broadcast %eq3A_190 : i32 to vector<16xi32>
        %eq3A_192 = arith.cmpi eq, %scan3A_152#2, %eq3A_191 : vector<16xi32>
        %jit3A_193 = arith.constant 1.000000e+30 : f32
        %broadcast_in_dim3A_194 = vector.broadcast %jit3A_193 : f32 to vector<16xf32>
        %select_n3A_195 = arith.select %eq3A_192, %broadcast_in_dim3A_194, %broadcast_in_dim3A_43 : vector<16xi1>, vector<16xf32>
        %eq3A_196 = arith.constant 4 : i32
        %eq3A_197 = vector.broadcast %eq3A_196 : i32 to vector<16xi32>
        %eq3A_198 = arith.cmpi eq, %scan3A_152#2, %eq3A_197 : vector<16xi32>
        %jit3A_199 = arith.constant 1.000000e+30 : f32
        %broadcast_in_dim3A_200 = vector.broadcast %jit3A_199 : f32 to vector<16xf32>
        %select_n3A_201 = arith.select %eq3A_198, %broadcast_in_dim3A_200, %broadcast_in_dim3A_43 : vector<16xi1>, vector<16xf32>
        %mul3A_202 = arith.constant 512 : i32
        %mul3A_203 = vector.broadcast %mul3A_202 : i32 to vector<16xi32>
        %mul3A_204 = arith.muli %scan3A_152#2, %mul3A_203 : vector<16xi32>
        %add3A_205 = arith.addi %mul3A_204, %add3A_76 : vector<16xi32>
        %gather3A_206 = tpu.vector_load_idx %arg11[%add3A_205] : memref<10240xf32, #tpu.memory_space<vmem>>[vector<16xi32>], vector<16xf32>,
        %add3A_207 = arith.constant 2560 : i32
        %add3A_208 = vector.broadcast %add3A_207 : i32 to vector<16xi32>
        %add3A_209 = arith.addi %add3A_205, %add3A_208 : vector<16xi32>
        %gather3A_210 = tpu.vector_load_idx %arg11[%add3A_209] : memref<10240xf32, #tpu.memory_space<vmem>>[vector<16xi32>], vector<16xf32>,
        %add3A_211 = arith.constant 5120 : i32
        %add3A_212 = vector.broadcast %add3A_211 : i32 to vector<16xi32>
        %add3A_213 = arith.addi %add3A_205, %add3A_212 : vector<16xi32>
        %gather3A_214 = tpu.vector_load_idx %arg11[%add3A_213] : memref<10240xf32, #tpu.memory_space<vmem>>[vector<16xi32>], vector<16xf32>,
        %add3A_215 = arith.constant 7680 : i32
        %add3A_216 = vector.broadcast %add3A_215 : i32 to vector<16xi32>
        %add3A_217 = arith.addi %add3A_205, %add3A_216 : vector<16xi32>
        %gather3A_218 = tpu.vector_load_idx %arg11[%add3A_217] : memref<10240xf32, #tpu.memory_space<vmem>>[vector<16xi32>], vector<16xf32>,
        %mul3A_219 = arith.constant 16 : i32
        %mul3A_220 = arith.muli %scan3A_69, %mul3A_219 : i32
        %add3A_221 = vector.broadcast %mul3A_220 : i32 to vector<16xi32>
        %add3A_222 = arith.addi %add3A_221, %iota3A : vector<16xi32>
        %mul3A_223 = arith.constant 64 : i32
        %mul3A_224 = vector.broadcast %mul3A_223 : i32 to vector<16xi32>
        %mul3A_225 = arith.muli %add3A_222, %mul3A_224 : vector<16xi32>
        %add3A_226 = arith.addi %mul3A_225, %scan3A_152#1 : vector<16xi32>
        %add3A_227 = arith.constant 1.000000e+00 : f32
        %add3A_228 = vector.broadcast %add3A_227 : f32 to vector<16xf32>
        %add3A_229 = arith.addf %gather3A_218, %add3A_228 : vector<16xf32>
        tpu.vector_store_idx %arg13[%add3A_226], %add3A_229 : memref<4096xf32, #tpu.memory_space<vmem>>[vector<16xi32>], vector<16xf32>,
        tpu.vector_store_idx %arg14[%add3A_226], %gather3A_206 : memref<4096xf32, #tpu.memory_space<vmem>>[vector<16xi32>], vector<16xf32>,
        tpu.vector_store_idx %arg15[%add3A_226], %gather3A_210 : memref<4096xf32, #tpu.memory_space<vmem>>[vector<16xi32>], vector<16xf32>,
        tpu.vector_store_idx %arg16[%add3A_226], %gather3A_214 : memref<4096xf32, #tpu.memory_space<vmem>>[vector<16xi32>], vector<16xf32>,
        %broadcast_in_dim3A_230 = arith.constant 1.000000e+30 : f32
        %broadcast_in_dim3A_231 = vector.broadcast %broadcast_in_dim3A_230 : f32 to vector<16xf32>
        %broadcast_in_dim3A_232 = arith.constant 0 : i32
        %broadcast_in_dim3A_233 = vector.broadcast %broadcast_in_dim3A_232 : i32 to vector<16xi32>
        %broadcast_in_dim3A_234 = arith.constant 0 : i32
        %broadcast_in_dim3A_235 = vector.broadcast %broadcast_in_dim3A_234 : i32 to vector<16xi32>
        %scan3A_236 = arith.constant 0 : i32
        %scan3A_237 = arith.constant 64 : i32
        %scan3A_238 = arith.addi %scan3A_236, %scan3A_237 : i32
        %scan3A_239 = arith.constant 1 : i32
        %scan3A_240:3 = scf.for %scan3A_594 = %scan3A_236 to %scan3A_238 step %scan3A_239 iter_args(%scan3A_595 = %broadcast_in_dim3A_231, %scan3A_596 = %broadcast_in_dim3A_233, %scan3A_597 = %broadcast_in_dim3A_235) -> (vector<16xf32>, vector<16xi32>, vector<16xi32>)  : i32 {
          %mul3A_598 = arith.constant 80 : i32
          %mul3A_599 = arith.muli %scan3A_594, %mul3A_598 : i32
          %add3A_600 = vector.broadcast %mul3A_599 : i32 to vector<16xi32>
          %add3A_601 = arith.addi %add3A_600, %iota3A : vector<16xi32>
          %add3A_602 = arith.constant 0 : i32
          %add3A_603 = vector.broadcast %add3A_602 : i32 to vector<16xi32>
          %add3A_604 = arith.addi %add3A_601, %add3A_603 : vector<16xi32>
          %gather3A_605 = tpu.vector_load_idx %arg12[%add3A_604] : memref<5120xf32, #tpu.memory_space<vmem>>[vector<16xi32>], vector<16xf32>,
          %add3A_606 = arith.addf %gather3A_605, %select_n3A : vector<16xf32>
          %lt3A = arith.cmpf olt, %add3A_606, %scan3A_595 : vector<16xf32>
          %select_n3A_607 = arith.select %lt3A, %add3A_606, %scan3A_595 : vector<16xi1>, vector<16xf32>
          %broadcast_in_dim3A_608 = vector.broadcast %scan3A_594 : i32 to vector<16xi32>
          %select_n3A_609 = arith.select %lt3A, %broadcast_in_dim3A_608, %scan3A_596 : vector<16xi1>, vector<16xi32>
          %jit3A_610 = arith.constant 0 : i32
          %broadcast_in_dim3A_611 = vector.broadcast %jit3A_610 : i32 to vector<16xi32>
          %select_n3A_612 = arith.select %lt3A, %broadcast_in_dim3A_611, %scan3A_597 : vector<16xi1>, vector<16xi32>
          %add3A_613 = arith.constant 16 : i32
          %add3A_614 = vector.broadcast %add3A_613 : i32 to vector<16xi32>
          %add3A_615 = arith.addi %add3A_601, %add3A_614 : vector<16xi32>
          %gather3A_616 = tpu.vector_load_idx %arg12[%add3A_615] : memref<5120xf32, #tpu.memory_space<vmem>>[vector<16xi32>], vector<16xf32>,
          %add3A_617 = arith.addf %gather3A_616, %select_n3A_183 : vector<16xf32>
          %lt3A_618 = arith.cmpf olt, %add3A_617, %select_n3A_607 : vector<16xf32>
          %select_n3A_619 = arith.select %lt3A_618, %add3A_617, %select_n3A_607 : vector<16xi1>, vector<16xf32>
          %broadcast_in_dim3A_620 = vector.broadcast %scan3A_594 : i32 to vector<16xi32>
          %select_n3A_621 = arith.select %lt3A_618, %broadcast_in_dim3A_620, %select_n3A_609 : vector<16xi1>, vector<16xi32>
          %jit3A_622 = arith.constant 1 : i32
          %broadcast_in_dim3A_623 = vector.broadcast %jit3A_622 : i32 to vector<16xi32>
          %select_n3A_624 = arith.select %lt3A_618, %broadcast_in_dim3A_623, %select_n3A_612 : vector<16xi1>, vector<16xi32>
          %add3A_625 = arith.constant 32 : i32
          %add3A_626 = vector.broadcast %add3A_625 : i32 to vector<16xi32>
          %add3A_627 = arith.addi %add3A_601, %add3A_626 : vector<16xi32>
          %gather3A_628 = tpu.vector_load_idx %arg12[%add3A_627] : memref<5120xf32, #tpu.memory_space<vmem>>[vector<16xi32>], vector<16xf32>,
          %add3A_629 = arith.addf %gather3A_628, %select_n3A_189 : vector<16xf32>
          %lt3A_630 = arith.cmpf olt, %add3A_629, %select_n3A_619 : vector<16xf32>
          %select_n3A_631 = arith.select %lt3A_630, %add3A_629, %select_n3A_619 : vector<16xi1>, vector<16xf32>
          %broadcast_in_dim3A_632 = vector.broadcast %scan3A_594 : i32 to vector<16xi32>
          %select_n3A_633 = arith.select %lt3A_630, %broadcast_in_dim3A_632, %select_n3A_621 : vector<16xi1>, vector<16xi32>
          %jit3A_634 = arith.constant 2 : i32
          %broadcast_in_dim3A_635 = vector.broadcast %jit3A_634 : i32 to vector<16xi32>
          %select_n3A_636 = arith.select %lt3A_630, %broadcast_in_dim3A_635, %select_n3A_624 : vector<16xi1>, vector<16xi32>
          %add3A_637 = arith.constant 48 : i32
          %add3A_638 = vector.broadcast %add3A_637 : i32 to vector<16xi32>
          %add3A_639 = arith.addi %add3A_601, %add3A_638 : vector<16xi32>
          %gather3A_640 = tpu.vector_load_idx %arg12[%add3A_639] : memref<5120xf32, #tpu.memory_space<vmem>>[vector<16xi32>], vector<16xf32>,
          %add3A_641 = arith.addf %gather3A_640, %select_n3A_195 : vector<16xf32>
          %lt3A_642 = arith.cmpf olt, %add3A_641, %select_n3A_631 : vector<16xf32>
          %select_n3A_643 = arith.select %lt3A_642, %add3A_641, %select_n3A_631 : vector<16xi1>, vector<16xf32>
          %broadcast_in_dim3A_644 = vector.broadcast %scan3A_594 : i32 to vector<16xi32>
          %select_n3A_645 = arith.select %lt3A_642, %broadcast_in_dim3A_644, %select_n3A_633 : vector<16xi1>, vector<16xi32>
          %jit3A_646 = arith.constant 3 : i32
          %broadcast_in_dim3A_647 = vector.broadcast %jit3A_646 : i32 to vector<16xi32>
          %select_n3A_648 = arith.select %lt3A_642, %broadcast_in_dim3A_647, %select_n3A_636 : vector<16xi1>, vector<16xi32>
          %add3A_649 = arith.constant 64 : i32
          %add3A_650 = vector.broadcast %add3A_649 : i32 to vector<16xi32>
          %add3A_651 = arith.addi %add3A_601, %add3A_650 : vector<16xi32>
          %gather3A_652 = tpu.vector_load_idx %arg12[%add3A_651] : memref<5120xf32, #tpu.memory_space<vmem>>[vector<16xi32>], vector<16xf32>,
          %add3A_653 = arith.addf %gather3A_652, %select_n3A_201 : vector<16xf32>
          %lt3A_654 = arith.cmpf olt, %add3A_653, %select_n3A_643 : vector<16xf32>
          %select_n3A_655 = arith.select %lt3A_654, %add3A_653, %select_n3A_643 : vector<16xi1>, vector<16xf32>
          %broadcast_in_dim3A_656 = vector.broadcast %scan3A_594 : i32 to vector<16xi32>
          %select_n3A_657 = arith.select %lt3A_654, %broadcast_in_dim3A_656, %select_n3A_645 : vector<16xi1>, vector<16xi32>
          %jit3A_658 = arith.constant 4 : i32
          %broadcast_in_dim3A_659 = vector.broadcast %jit3A_658 : i32 to vector<16xi32>
          %select_n3A_660 = arith.select %lt3A_654, %broadcast_in_dim3A_659, %select_n3A_648 : vector<16xi1>, vector<16xi32>
          scf.yield %select_n3A_655, %select_n3A_657, %select_n3A_660 : vector<16xf32>, vector<16xi32>, vector<16xi32>
        }
        %scan3A_241 = arith.constant 64 : i32
        %broadcast_in_dim3A_242 = arith.constant 1.000000e+30 : f32
        %broadcast_in_dim3A_243 = vector.broadcast %broadcast_in_dim3A_242 : f32 to vector<16xf32>
        %mul3A_244 = arith.constant 80 : i32
        %mul3A_245 = vector.broadcast %mul3A_244 : i32 to vector<16xi32>
        %mul3A_246 = arith.muli %scan3A_240#1, %mul3A_245 : vector<16xi32>
        %add3A_247 = arith.addi %mul3A_246, %iota3A : vector<16xi32>
        %add3A_248 = arith.constant 0 : i32
        %add3A_249 = vector.broadcast %add3A_248 : i32 to vector<16xi32>
        %add3A_250 = arith.addi %add3A_247, %add3A_249 : vector<16xi32>
        tpu.vector_store_idx %arg12[%add3A_250], %broadcast_in_dim3A_243 {add = true} : memref<5120xf32, #tpu.memory_space<vmem>>[vector<16xi32>], vector<16xf32>,
        %add3A_251 = arith.constant 16 : i32
        %add3A_252 = vector.broadcast %add3A_251 : i32 to vector<16xi32>
        %add3A_253 = arith.addi %add3A_247, %add3A_252 : vector<16xi32>
        tpu.vector_store_idx %arg12[%add3A_253], %broadcast_in_dim3A_243 {add = true} : memref<5120xf32, #tpu.memory_space<vmem>>[vector<16xi32>], vector<16xf32>,
        %add3A_254 = arith.constant 32 : i32
        %add3A_255 = vector.broadcast %add3A_254 : i32 to vector<16xi32>
        %add3A_256 = arith.addi %add3A_247, %add3A_255 : vector<16xi32>
        tpu.vector_store_idx %arg12[%add3A_256], %broadcast_in_dim3A_243 {add = true} : memref<5120xf32, #tpu.memory_space<vmem>>[vector<16xi32>], vector<16xf32>,
        %add3A_257 = arith.constant 48 : i32
        %add3A_258 = vector.broadcast %add3A_257 : i32 to vector<16xi32>
        %add3A_259 = arith.addi %add3A_247, %add3A_258 : vector<16xi32>
        tpu.vector_store_idx %arg12[%add3A_259], %broadcast_in_dim3A_243 {add = true} : memref<5120xf32, #tpu.memory_space<vmem>>[vector<16xi32>], vector<16xf32>,
        %add3A_260 = arith.constant 64 : i32
        %add3A_261 = vector.broadcast %add3A_260 : i32 to vector<16xi32>
        %add3A_262 = arith.addi %add3A_247, %add3A_261 : vector<16xi32>
        tpu.vector_store_idx %arg12[%add3A_262], %broadcast_in_dim3A_243 {add = true} : memref<5120xf32, #tpu.memory_space<vmem>>[vector<16xi32>], vector<16xf32>,
        %eq3A_263 = arith.constant 0 : i32
        %eq3A_264 = vector.broadcast %eq3A_263 : i32 to vector<16xi32>
        %eq3A_265 = arith.cmpi eq, %scan3A_240#2, %eq3A_264 : vector<16xi32>
        %jit3A_266 = arith.constant 1.000000e+30 : f32
        %broadcast_in_dim3A_267 = vector.broadcast %jit3A_266 : f32 to vector<16xf32>
        %select_n3A_268 = arith.select %eq3A_265, %broadcast_in_dim3A_267, %select_n3A : vector<16xi1>, vector<16xf32>
        %eq3A_269 = arith.constant 1 : i32
        %eq3A_270 = vector.broadcast %eq3A_269 : i32 to vector<16xi32>
        %eq3A_271 = arith.cmpi eq, %scan3A_240#2, %eq3A_270 : vector<16xi32>
        %jit3A_272 = arith.constant 1.000000e+30 : f32
        %broadcast_in_dim3A_273 = vector.broadcast %jit3A_272 : f32 to vector<16xf32>
        %select_n3A_274 = arith.select %eq3A_271, %broadcast_in_dim3A_273, %select_n3A_183 : vector<16xi1>, vector<16xf32>
        %eq3A_275 = arith.constant 2 : i32
        %eq3A_276 = vector.broadcast %eq3A_275 : i32 to vector<16xi32>
        %eq3A_277 = arith.cmpi eq, %scan3A_240#2, %eq3A_276 : vector<16xi32>
        %jit3A_278 = arith.constant 1.000000e+30 : f32
        %broadcast_in_dim3A_279 = vector.broadcast %jit3A_278 : f32 to vector<16xf32>
        %select_n3A_280 = arith.select %eq3A_277, %broadcast_in_dim3A_279, %select_n3A_189 : vector<16xi1>, vector<16xf32>
        %eq3A_281 = arith.constant 3 : i32
        %eq3A_282 = vector.broadcast %eq3A_281 : i32 to vector<16xi32>
        %eq3A_283 = arith.cmpi eq, %scan3A_240#2, %eq3A_282 : vector<16xi32>
        %jit3A_284 = arith.constant 1.000000e+30 : f32
        %broadcast_in_dim3A_285 = vector.broadcast %jit3A_284 : f32 to vector<16xf32>
        %select_n3A_286 = arith.select %eq3A_283, %broadcast_in_dim3A_285, %select_n3A_195 : vector<16xi1>, vector<16xf32>
        %eq3A_287 = arith.constant 4 : i32
        %eq3A_288 = vector.broadcast %eq3A_287 : i32 to vector<16xi32>
        %eq3A_289 = arith.cmpi eq, %scan3A_240#2, %eq3A_288 : vector<16xi32>
        %jit3A_290 = arith.constant 1.000000e+30 : f32
        %broadcast_in_dim3A_291 = vector.broadcast %jit3A_290 : f32 to vector<16xf32>
        %select_n3A_292 = arith.select %eq3A_289, %broadcast_in_dim3A_291, %select_n3A_201 : vector<16xi1>, vector<16xf32>
        %mul3A_293 = arith.constant 512 : i32
        %mul3A_294 = vector.broadcast %mul3A_293 : i32 to vector<16xi32>
        %mul3A_295 = arith.muli %scan3A_240#2, %mul3A_294 : vector<16xi32>
        %add3A_296 = arith.addi %mul3A_295, %add3A_76 : vector<16xi32>
        %gather3A_297 = tpu.vector_load_idx %arg11[%add3A_296] : memref<10240xf32, #tpu.memory_space<vmem>>[vector<16xi32>], vector<16xf32>,
        %add3A_298 = arith.constant 2560 : i32
        %add3A_299 = vector.broadcast %add3A_298 : i32 to vector<16xi32>
        %add3A_300 = arith.addi %add3A_296, %add3A_299 : vector<16xi32>
        %gather3A_301 = tpu.vector_load_idx %arg11[%add3A_300] : memref<10240xf32, #tpu.memory_space<vmem>>[vector<16xi32>], vector<16xf32>,
        %add3A_302 = arith.constant 5120 : i32
        %add3A_303 = vector.broadcast %add3A_302 : i32 to vector<16xi32>
        %add3A_304 = arith.addi %add3A_296, %add3A_303 : vector<16xi32>
        %gather3A_305 = tpu.vector_load_idx %arg11[%add3A_304] : memref<10240xf32, #tpu.memory_space<vmem>>[vector<16xi32>], vector<16xf32>,
        %add3A_306 = arith.constant 7680 : i32
        %add3A_307 = vector.broadcast %add3A_306 : i32 to vector<16xi32>
        %add3A_308 = arith.addi %add3A_296, %add3A_307 : vector<16xi32>
        %gather3A_309 = tpu.vector_load_idx %arg11[%add3A_308] : memref<10240xf32, #tpu.memory_space<vmem>>[vector<16xi32>], vector<16xf32>,
        %mul3A_310 = arith.constant 16 : i32
        %mul3A_311 = arith.muli %scan3A_69, %mul3A_310 : i32
        %add3A_312 = vector.broadcast %mul3A_311 : i32 to vector<16xi32>
        %add3A_313 = arith.addi %add3A_312, %iota3A : vector<16xi32>
        %mul3A_314 = arith.constant 64 : i32
        %mul3A_315 = vector.broadcast %mul3A_314 : i32 to vector<16xi32>
        %mul3A_316 = arith.muli %add3A_313, %mul3A_315 : vector<16xi32>
        %add3A_317 = arith.addi %mul3A_316, %scan3A_240#1 : vector<16xi32>
        %add3A_318 = arith.constant 1.000000e+00 : f32
        %add3A_319 = vector.broadcast %add3A_318 : f32 to vector<16xf32>
        %add3A_320 = arith.addf %gather3A_309, %add3A_319 : vector<16xf32>
        tpu.vector_store_idx %arg13[%add3A_317], %add3A_320 : memref<4096xf32, #tpu.memory_space<vmem>>[vector<16xi32>], vector<16xf32>,
        tpu.vector_store_idx %arg14[%add3A_317], %gather3A_297 : memref<4096xf32, #tpu.memory_space<vmem>>[vector<16xi32>], vector<16xf32>,
        tpu.vector_store_idx %arg15[%add3A_317], %gather3A_301 : memref<4096xf32, #tpu.memory_space<vmem>>[vector<16xi32>], vector<16xf32>,
        tpu.vector_store_idx %arg16[%add3A_317], %gather3A_305 : memref<4096xf32, #tpu.memory_space<vmem>>[vector<16xi32>], vector<16xf32>,
        %broadcast_in_dim3A_321 = arith.constant 1.000000e+30 : f32
        %broadcast_in_dim3A_322 = vector.broadcast %broadcast_in_dim3A_321 : f32 to vector<16xf32>
        %broadcast_in_dim3A_323 = arith.constant 0 : i32
        %broadcast_in_dim3A_324 = vector.broadcast %broadcast_in_dim3A_323 : i32 to vector<16xi32>
        %broadcast_in_dim3A_325 = arith.constant 0 : i32
        %broadcast_in_dim3A_326 = vector.broadcast %broadcast_in_dim3A_325 : i32 to vector<16xi32>
        %scan3A_327 = arith.constant 0 : i32
        %scan3A_328 = arith.constant 64 : i32
        %scan3A_329 = arith.addi %scan3A_327, %scan3A_328 : i32
        %scan3A_330 = arith.constant 1 : i32
        %scan3A_331:3 = scf.for %scan3A_594 = %scan3A_327 to %scan3A_329 step %scan3A_330 iter_args(%scan3A_595 = %broadcast_in_dim3A_322, %scan3A_596 = %broadcast_in_dim3A_324, %scan3A_597 = %broadcast_in_dim3A_326) -> (vector<16xf32>, vector<16xi32>, vector<16xi32>)  : i32 {
          %mul3A_598 = arith.constant 80 : i32
          %mul3A_599 = arith.muli %scan3A_594, %mul3A_598 : i32
          %add3A_600 = vector.broadcast %mul3A_599 : i32 to vector<16xi32>
          %add3A_601 = arith.addi %add3A_600, %iota3A : vector<16xi32>
          %add3A_602 = arith.constant 0 : i32
          %add3A_603 = vector.broadcast %add3A_602 : i32 to vector<16xi32>
          %add3A_604 = arith.addi %add3A_601, %add3A_603 : vector<16xi32>
          %gather3A_605 = tpu.vector_load_idx %arg12[%add3A_604] : memref<5120xf32, #tpu.memory_space<vmem>>[vector<16xi32>], vector<16xf32>,
          %add3A_606 = arith.addf %gather3A_605, %select_n3A_268 : vector<16xf32>
          %lt3A = arith.cmpf olt, %add3A_606, %scan3A_595 : vector<16xf32>
          %select_n3A_607 = arith.select %lt3A, %add3A_606, %scan3A_595 : vector<16xi1>, vector<16xf32>
          %broadcast_in_dim3A_608 = vector.broadcast %scan3A_594 : i32 to vector<16xi32>
          %select_n3A_609 = arith.select %lt3A, %broadcast_in_dim3A_608, %scan3A_596 : vector<16xi1>, vector<16xi32>
          %jit3A_610 = arith.constant 0 : i32
          %broadcast_in_dim3A_611 = vector.broadcast %jit3A_610 : i32 to vector<16xi32>
          %select_n3A_612 = arith.select %lt3A, %broadcast_in_dim3A_611, %scan3A_597 : vector<16xi1>, vector<16xi32>
          %add3A_613 = arith.constant 16 : i32
          %add3A_614 = vector.broadcast %add3A_613 : i32 to vector<16xi32>
          %add3A_615 = arith.addi %add3A_601, %add3A_614 : vector<16xi32>
          %gather3A_616 = tpu.vector_load_idx %arg12[%add3A_615] : memref<5120xf32, #tpu.memory_space<vmem>>[vector<16xi32>], vector<16xf32>,
          %add3A_617 = arith.addf %gather3A_616, %select_n3A_274 : vector<16xf32>
          %lt3A_618 = arith.cmpf olt, %add3A_617, %select_n3A_607 : vector<16xf32>
          %select_n3A_619 = arith.select %lt3A_618, %add3A_617, %select_n3A_607 : vector<16xi1>, vector<16xf32>
          %broadcast_in_dim3A_620 = vector.broadcast %scan3A_594 : i32 to vector<16xi32>
          %select_n3A_621 = arith.select %lt3A_618, %broadcast_in_dim3A_620, %select_n3A_609 : vector<16xi1>, vector<16xi32>
          %jit3A_622 = arith.constant 1 : i32
          %broadcast_in_dim3A_623 = vector.broadcast %jit3A_622 : i32 to vector<16xi32>
          %select_n3A_624 = arith.select %lt3A_618, %broadcast_in_dim3A_623, %select_n3A_612 : vector<16xi1>, vector<16xi32>
          %add3A_625 = arith.constant 32 : i32
          %add3A_626 = vector.broadcast %add3A_625 : i32 to vector<16xi32>
          %add3A_627 = arith.addi %add3A_601, %add3A_626 : vector<16xi32>
          %gather3A_628 = tpu.vector_load_idx %arg12[%add3A_627] : memref<5120xf32, #tpu.memory_space<vmem>>[vector<16xi32>], vector<16xf32>,
          %add3A_629 = arith.addf %gather3A_628, %select_n3A_280 : vector<16xf32>
          %lt3A_630 = arith.cmpf olt, %add3A_629, %select_n3A_619 : vector<16xf32>
          %select_n3A_631 = arith.select %lt3A_630, %add3A_629, %select_n3A_619 : vector<16xi1>, vector<16xf32>
          %broadcast_in_dim3A_632 = vector.broadcast %scan3A_594 : i32 to vector<16xi32>
          %select_n3A_633 = arith.select %lt3A_630, %broadcast_in_dim3A_632, %select_n3A_621 : vector<16xi1>, vector<16xi32>
          %jit3A_634 = arith.constant 2 : i32
          %broadcast_in_dim3A_635 = vector.broadcast %jit3A_634 : i32 to vector<16xi32>
          %select_n3A_636 = arith.select %lt3A_630, %broadcast_in_dim3A_635, %select_n3A_624 : vector<16xi1>, vector<16xi32>
          %add3A_637 = arith.constant 48 : i32
          %add3A_638 = vector.broadcast %add3A_637 : i32 to vector<16xi32>
          %add3A_639 = arith.addi %add3A_601, %add3A_638 : vector<16xi32>
          %gather3A_640 = tpu.vector_load_idx %arg12[%add3A_639] : memref<5120xf32, #tpu.memory_space<vmem>>[vector<16xi32>], vector<16xf32>,
          %add3A_641 = arith.addf %gather3A_640, %select_n3A_286 : vector<16xf32>
          %lt3A_642 = arith.cmpf olt, %add3A_641, %select_n3A_631 : vector<16xf32>
          %select_n3A_643 = arith.select %lt3A_642, %add3A_641, %select_n3A_631 : vector<16xi1>, vector<16xf32>
          %broadcast_in_dim3A_644 = vector.broadcast %scan3A_594 : i32 to vector<16xi32>
          %select_n3A_645 = arith.select %lt3A_642, %broadcast_in_dim3A_644, %select_n3A_633 : vector<16xi1>, vector<16xi32>
          %jit3A_646 = arith.constant 3 : i32
          %broadcast_in_dim3A_647 = vector.broadcast %jit3A_646 : i32 to vector<16xi32>
          %select_n3A_648 = arith.select %lt3A_642, %broadcast_in_dim3A_647, %select_n3A_636 : vector<16xi1>, vector<16xi32>
          %add3A_649 = arith.constant 64 : i32
          %add3A_650 = vector.broadcast %add3A_649 : i32 to vector<16xi32>
          %add3A_651 = arith.addi %add3A_601, %add3A_650 : vector<16xi32>
          %gather3A_652 = tpu.vector_load_idx %arg12[%add3A_651] : memref<5120xf32, #tpu.memory_space<vmem>>[vector<16xi32>], vector<16xf32>,
          %add3A_653 = arith.addf %gather3A_652, %select_n3A_292 : vector<16xf32>
          %lt3A_654 = arith.cmpf olt, %add3A_653, %select_n3A_643 : vector<16xf32>
          %select_n3A_655 = arith.select %lt3A_654, %add3A_653, %select_n3A_643 : vector<16xi1>, vector<16xf32>
          %broadcast_in_dim3A_656 = vector.broadcast %scan3A_594 : i32 to vector<16xi32>
          %select_n3A_657 = arith.select %lt3A_654, %broadcast_in_dim3A_656, %select_n3A_645 : vector<16xi1>, vector<16xi32>
          %jit3A_658 = arith.constant 4 : i32
          %broadcast_in_dim3A_659 = vector.broadcast %jit3A_658 : i32 to vector<16xi32>
          %select_n3A_660 = arith.select %lt3A_654, %broadcast_in_dim3A_659, %select_n3A_648 : vector<16xi1>, vector<16xi32>
          scf.yield %select_n3A_655, %select_n3A_657, %select_n3A_660 : vector<16xf32>, vector<16xi32>, vector<16xi32>
        }
        %scan3A_332 = arith.constant 64 : i32
        %broadcast_in_dim3A_333 = arith.constant 1.000000e+30 : f32
        %broadcast_in_dim3A_334 = vector.broadcast %broadcast_in_dim3A_333 : f32 to vector<16xf32>
        %mul3A_335 = arith.constant 80 : i32
        %mul3A_336 = vector.broadcast %mul3A_335 : i32 to vector<16xi32>
        %mul3A_337 = arith.muli %scan3A_331#1, %mul3A_336 : vector<16xi32>
        %add3A_338 = arith.addi %mul3A_337, %iota3A : vector<16xi32>
        %add3A_339 = arith.constant 0 : i32
        %add3A_340 = vector.broadcast %add3A_339 : i32 to vector<16xi32>
        %add3A_341 = arith.addi %add3A_338, %add3A_340 : vector<16xi32>
        tpu.vector_store_idx %arg12[%add3A_341], %broadcast_in_dim3A_334 {add = true} : memref<5120xf32, #tpu.memory_space<vmem>>[vector<16xi32>], vector<16xf32>,
        %add3A_342 = arith.constant 16 : i32
        %add3A_343 = vector.broadcast %add3A_342 : i32 to vector<16xi32>
        %add3A_344 = arith.addi %add3A_338, %add3A_343 : vector<16xi32>
        tpu.vector_store_idx %arg12[%add3A_344], %broadcast_in_dim3A_334 {add = true} : memref<5120xf32, #tpu.memory_space<vmem>>[vector<16xi32>], vector<16xf32>,
        %add3A_345 = arith.constant 32 : i32
        %add3A_346 = vector.broadcast %add3A_345 : i32 to vector<16xi32>
        %add3A_347 = arith.addi %add3A_338, %add3A_346 : vector<16xi32>
        tpu.vector_store_idx %arg12[%add3A_347], %broadcast_in_dim3A_334 {add = true} : memref<5120xf32, #tpu.memory_space<vmem>>[vector<16xi32>], vector<16xf32>,
        %add3A_348 = arith.constant 48 : i32
        %add3A_349 = vector.broadcast %add3A_348 : i32 to vector<16xi32>
        %add3A_350 = arith.addi %add3A_338, %add3A_349 : vector<16xi32>
        tpu.vector_store_idx %arg12[%add3A_350], %broadcast_in_dim3A_334 {add = true} : memref<5120xf32, #tpu.memory_space<vmem>>[vector<16xi32>], vector<16xf32>,
        %add3A_351 = arith.constant 64 : i32
        %add3A_352 = vector.broadcast %add3A_351 : i32 to vector<16xi32>
        %add3A_353 = arith.addi %add3A_338, %add3A_352 : vector<16xi32>
        tpu.vector_store_idx %arg12[%add3A_353], %broadcast_in_dim3A_334 {add = true} : memref<5120xf32, #tpu.memory_space<vmem>>[vector<16xi32>], vector<16xf32>,
        %eq3A_354 = arith.constant 0 : i32
        %eq3A_355 = vector.broadcast %eq3A_354 : i32 to vector<16xi32>
        %eq3A_356 = arith.cmpi eq, %scan3A_331#2, %eq3A_355 : vector<16xi32>
        %jit3A_357 = arith.constant 1.000000e+30 : f32
        %broadcast_in_dim3A_358 = vector.broadcast %jit3A_357 : f32 to vector<16xf32>
        %select_n3A_359 = arith.select %eq3A_356, %broadcast_in_dim3A_358, %select_n3A_268 : vector<16xi1>, vector<16xf32>
        %eq3A_360 = arith.constant 1 : i32
        %eq3A_361 = vector.broadcast %eq3A_360 : i32 to vector<16xi32>
        %eq3A_362 = arith.cmpi eq, %scan3A_331#2, %eq3A_361 : vector<16xi32>
        %jit3A_363 = arith.constant 1.000000e+30 : f32
        %broadcast_in_dim3A_364 = vector.broadcast %jit3A_363 : f32 to vector<16xf32>
        %select_n3A_365 = arith.select %eq3A_362, %broadcast_in_dim3A_364, %select_n3A_274 : vector<16xi1>, vector<16xf32>
        %eq3A_366 = arith.constant 2 : i32
        %eq3A_367 = vector.broadcast %eq3A_366 : i32 to vector<16xi32>
        %eq3A_368 = arith.cmpi eq, %scan3A_331#2, %eq3A_367 : vector<16xi32>
        %jit3A_369 = arith.constant 1.000000e+30 : f32
        %broadcast_in_dim3A_370 = vector.broadcast %jit3A_369 : f32 to vector<16xf32>
        %select_n3A_371 = arith.select %eq3A_368, %broadcast_in_dim3A_370, %select_n3A_280 : vector<16xi1>, vector<16xf32>
        %eq3A_372 = arith.constant 3 : i32
        %eq3A_373 = vector.broadcast %eq3A_372 : i32 to vector<16xi32>
        %eq3A_374 = arith.cmpi eq, %scan3A_331#2, %eq3A_373 : vector<16xi32>
        %jit3A_375 = arith.constant 1.000000e+30 : f32
        %broadcast_in_dim3A_376 = vector.broadcast %jit3A_375 : f32 to vector<16xf32>
        %select_n3A_377 = arith.select %eq3A_374, %broadcast_in_dim3A_376, %select_n3A_286 : vector<16xi1>, vector<16xf32>
        %eq3A_378 = arith.constant 4 : i32
        %eq3A_379 = vector.broadcast %eq3A_378 : i32 to vector<16xi32>
        %eq3A_380 = arith.cmpi eq, %scan3A_331#2, %eq3A_379 : vector<16xi32>
        %jit3A_381 = arith.constant 1.000000e+30 : f32
        %broadcast_in_dim3A_382 = vector.broadcast %jit3A_381 : f32 to vector<16xf32>
        %select_n3A_383 = arith.select %eq3A_380, %broadcast_in_dim3A_382, %select_n3A_292 : vector<16xi1>, vector<16xf32>
        %mul3A_384 = arith.constant 512 : i32
        %mul3A_385 = vector.broadcast %mul3A_384 : i32 to vector<16xi32>
        %mul3A_386 = arith.muli %scan3A_331#2, %mul3A_385 : vector<16xi32>
        %add3A_387 = arith.addi %mul3A_386, %add3A_76 : vector<16xi32>
        %gather3A_388 = tpu.vector_load_idx %arg11[%add3A_387] : memref<10240xf32, #tpu.memory_space<vmem>>[vector<16xi32>], vector<16xf32>,
        %add3A_389 = arith.constant 2560 : i32
        %add3A_390 = vector.broadcast %add3A_389 : i32 to vector<16xi32>
        %add3A_391 = arith.addi %add3A_387, %add3A_390 : vector<16xi32>
        %gather3A_392 = tpu.vector_load_idx %arg11[%add3A_391] : memref<10240xf32, #tpu.memory_space<vmem>>[vector<16xi32>], vector<16xf32>,
        %add3A_393 = arith.constant 5120 : i32
        %add3A_394 = vector.broadcast %add3A_393 : i32 to vector<16xi32>
        %add3A_395 = arith.addi %add3A_387, %add3A_394 : vector<16xi32>
        %gather3A_396 = tpu.vector_load_idx %arg11[%add3A_395] : memref<10240xf32, #tpu.memory_space<vmem>>[vector<16xi32>], vector<16xf32>,
        %add3A_397 = arith.constant 7680 : i32
        %add3A_398 = vector.broadcast %add3A_397 : i32 to vector<16xi32>
        %add3A_399 = arith.addi %add3A_387, %add3A_398 : vector<16xi32>
        %gather3A_400 = tpu.vector_load_idx %arg11[%add3A_399] : memref<10240xf32, #tpu.memory_space<vmem>>[vector<16xi32>], vector<16xf32>,
        %mul3A_401 = arith.constant 16 : i32
        %mul3A_402 = arith.muli %scan3A_69, %mul3A_401 : i32
        %add3A_403 = vector.broadcast %mul3A_402 : i32 to vector<16xi32>
        %add3A_404 = arith.addi %add3A_403, %iota3A : vector<16xi32>
        %mul3A_405 = arith.constant 64 : i32
        %mul3A_406 = vector.broadcast %mul3A_405 : i32 to vector<16xi32>
        %mul3A_407 = arith.muli %add3A_404, %mul3A_406 : vector<16xi32>
        %add3A_408 = arith.addi %mul3A_407, %scan3A_331#1 : vector<16xi32>
        %add3A_409 = arith.constant 1.000000e+00 : f32
        %add3A_410 = vector.broadcast %add3A_409 : f32 to vector<16xf32>
        %add3A_411 = arith.addf %gather3A_400, %add3A_410 : vector<16xf32>
        tpu.vector_store_idx %arg13[%add3A_408], %add3A_411 : memref<4096xf32, #tpu.memory_space<vmem>>[vector<16xi32>], vector<16xf32>,
        tpu.vector_store_idx %arg14[%add3A_408], %gather3A_388 : memref<4096xf32, #tpu.memory_space<vmem>>[vector<16xi32>], vector<16xf32>,
        tpu.vector_store_idx %arg15[%add3A_408], %gather3A_392 : memref<4096xf32, #tpu.memory_space<vmem>>[vector<16xi32>], vector<16xf32>,
        tpu.vector_store_idx %arg16[%add3A_408], %gather3A_396 : memref<4096xf32, #tpu.memory_space<vmem>>[vector<16xi32>], vector<16xf32>,
        %broadcast_in_dim3A_412 = arith.constant 1.000000e+30 : f32
        %broadcast_in_dim3A_413 = vector.broadcast %broadcast_in_dim3A_412 : f32 to vector<16xf32>
        %broadcast_in_dim3A_414 = arith.constant 0 : i32
        %broadcast_in_dim3A_415 = vector.broadcast %broadcast_in_dim3A_414 : i32 to vector<16xi32>
        %broadcast_in_dim3A_416 = arith.constant 0 : i32
        %broadcast_in_dim3A_417 = vector.broadcast %broadcast_in_dim3A_416 : i32 to vector<16xi32>
        %scan3A_418 = arith.constant 0 : i32
        %scan3A_419 = arith.constant 64 : i32
        %scan3A_420 = arith.addi %scan3A_418, %scan3A_419 : i32
        %scan3A_421 = arith.constant 1 : i32
        %scan3A_422:3 = scf.for %scan3A_594 = %scan3A_418 to %scan3A_420 step %scan3A_421 iter_args(%scan3A_595 = %broadcast_in_dim3A_413, %scan3A_596 = %broadcast_in_dim3A_415, %scan3A_597 = %broadcast_in_dim3A_417) -> (vector<16xf32>, vector<16xi32>, vector<16xi32>)  : i32 {
          %mul3A_598 = arith.constant 80 : i32
          %mul3A_599 = arith.muli %scan3A_594, %mul3A_598 : i32
          %add3A_600 = vector.broadcast %mul3A_599 : i32 to vector<16xi32>
          %add3A_601 = arith.addi %add3A_600, %iota3A : vector<16xi32>
          %add3A_602 = arith.constant 0 : i32
          %add3A_603 = vector.broadcast %add3A_602 : i32 to vector<16xi32>
          %add3A_604 = arith.addi %add3A_601, %add3A_603 : vector<16xi32>
          %gather3A_605 = tpu.vector_load_idx %arg12[%add3A_604] : memref<5120xf32, #tpu.memory_space<vmem>>[vector<16xi32>], vector<16xf32>,
          %add3A_606 = arith.addf %gather3A_605, %select_n3A_359 : vector<16xf32>
          %lt3A = arith.cmpf olt, %add3A_606, %scan3A_595 : vector<16xf32>
          %select_n3A_607 = arith.select %lt3A, %add3A_606, %scan3A_595 : vector<16xi1>, vector<16xf32>
          %broadcast_in_dim3A_608 = vector.broadcast %scan3A_594 : i32 to vector<16xi32>
          %select_n3A_609 = arith.select %lt3A, %broadcast_in_dim3A_608, %scan3A_596 : vector<16xi1>, vector<16xi32>
          %jit3A_610 = arith.constant 0 : i32
          %broadcast_in_dim3A_611 = vector.broadcast %jit3A_610 : i32 to vector<16xi32>
          %select_n3A_612 = arith.select %lt3A, %broadcast_in_dim3A_611, %scan3A_597 : vector<16xi1>, vector<16xi32>
          %add3A_613 = arith.constant 16 : i32
          %add3A_614 = vector.broadcast %add3A_613 : i32 to vector<16xi32>
          %add3A_615 = arith.addi %add3A_601, %add3A_614 : vector<16xi32>
          %gather3A_616 = tpu.vector_load_idx %arg12[%add3A_615] : memref<5120xf32, #tpu.memory_space<vmem>>[vector<16xi32>], vector<16xf32>,
          %add3A_617 = arith.addf %gather3A_616, %select_n3A_365 : vector<16xf32>
          %lt3A_618 = arith.cmpf olt, %add3A_617, %select_n3A_607 : vector<16xf32>
          %select_n3A_619 = arith.select %lt3A_618, %add3A_617, %select_n3A_607 : vector<16xi1>, vector<16xf32>
          %broadcast_in_dim3A_620 = vector.broadcast %scan3A_594 : i32 to vector<16xi32>
          %select_n3A_621 = arith.select %lt3A_618, %broadcast_in_dim3A_620, %select_n3A_609 : vector<16xi1>, vector<16xi32>
          %jit3A_622 = arith.constant 1 : i32
          %broadcast_in_dim3A_623 = vector.broadcast %jit3A_622 : i32 to vector<16xi32>
          %select_n3A_624 = arith.select %lt3A_618, %broadcast_in_dim3A_623, %select_n3A_612 : vector<16xi1>, vector<16xi32>
          %add3A_625 = arith.constant 32 : i32
          %add3A_626 = vector.broadcast %add3A_625 : i32 to vector<16xi32>
          %add3A_627 = arith.addi %add3A_601, %add3A_626 : vector<16xi32>
          %gather3A_628 = tpu.vector_load_idx %arg12[%add3A_627] : memref<5120xf32, #tpu.memory_space<vmem>>[vector<16xi32>], vector<16xf32>,
          %add3A_629 = arith.addf %gather3A_628, %select_n3A_371 : vector<16xf32>
          %lt3A_630 = arith.cmpf olt, %add3A_629, %select_n3A_619 : vector<16xf32>
          %select_n3A_631 = arith.select %lt3A_630, %add3A_629, %select_n3A_619 : vector<16xi1>, vector<16xf32>
          %broadcast_in_dim3A_632 = vector.broadcast %scan3A_594 : i32 to vector<16xi32>
          %select_n3A_633 = arith.select %lt3A_630, %broadcast_in_dim3A_632, %select_n3A_621 : vector<16xi1>, vector<16xi32>
          %jit3A_634 = arith.constant 2 : i32
          %broadcast_in_dim3A_635 = vector.broadcast %jit3A_634 : i32 to vector<16xi32>
          %select_n3A_636 = arith.select %lt3A_630, %broadcast_in_dim3A_635, %select_n3A_624 : vector<16xi1>, vector<16xi32>
          %add3A_637 = arith.constant 48 : i32
          %add3A_638 = vector.broadcast %add3A_637 : i32 to vector<16xi32>
          %add3A_639 = arith.addi %add3A_601, %add3A_638 : vector<16xi32>
          %gather3A_640 = tpu.vector_load_idx %arg12[%add3A_639] : memref<5120xf32, #tpu.memory_space<vmem>>[vector<16xi32>], vector<16xf32>,
          %add3A_641 = arith.addf %gather3A_640, %select_n3A_377 : vector<16xf32>
          %lt3A_642 = arith.cmpf olt, %add3A_641, %select_n3A_631 : vector<16xf32>
          %select_n3A_643 = arith.select %lt3A_642, %add3A_641, %select_n3A_631 : vector<16xi1>, vector<16xf32>
          %broadcast_in_dim3A_644 = vector.broadcast %scan3A_594 : i32 to vector<16xi32>
          %select_n3A_645 = arith.select %lt3A_642, %broadcast_in_dim3A_644, %select_n3A_633 : vector<16xi1>, vector<16xi32>
          %jit3A_646 = arith.constant 3 : i32
          %broadcast_in_dim3A_647 = vector.broadcast %jit3A_646 : i32 to vector<16xi32>
          %select_n3A_648 = arith.select %lt3A_642, %broadcast_in_dim3A_647, %select_n3A_636 : vector<16xi1>, vector<16xi32>
          %add3A_649 = arith.constant 64 : i32
          %add3A_650 = vector.broadcast %add3A_649 : i32 to vector<16xi32>
          %add3A_651 = arith.addi %add3A_601, %add3A_650 : vector<16xi32>
          %gather3A_652 = tpu.vector_load_idx %arg12[%add3A_651] : memref<5120xf32, #tpu.memory_space<vmem>>[vector<16xi32>], vector<16xf32>,
          %add3A_653 = arith.addf %gather3A_652, %select_n3A_383 : vector<16xf32>
          %lt3A_654 = arith.cmpf olt, %add3A_653, %select_n3A_643 : vector<16xf32>
          %select_n3A_655 = arith.select %lt3A_654, %add3A_653, %select_n3A_643 : vector<16xi1>, vector<16xf32>
          %broadcast_in_dim3A_656 = vector.broadcast %scan3A_594 : i32 to vector<16xi32>
          %select_n3A_657 = arith.select %lt3A_654, %broadcast_in_dim3A_656, %select_n3A_645 : vector<16xi1>, vector<16xi32>
          %jit3A_658 = arith.constant 4 : i32
          %broadcast_in_dim3A_659 = vector.broadcast %jit3A_658 : i32 to vector<16xi32>
          %select_n3A_660 = arith.select %lt3A_654, %broadcast_in_dim3A_659, %select_n3A_648 : vector<16xi1>, vector<16xi32>
          scf.yield %select_n3A_655, %select_n3A_657, %select_n3A_660 : vector<16xf32>, vector<16xi32>, vector<16xi32>
        }
        %scan3A_423 = arith.constant 64 : i32
        %broadcast_in_dim3A_424 = arith.constant 1.000000e+30 : f32
        %broadcast_in_dim3A_425 = vector.broadcast %broadcast_in_dim3A_424 : f32 to vector<16xf32>
        %mul3A_426 = arith.constant 80 : i32
        %mul3A_427 = vector.broadcast %mul3A_426 : i32 to vector<16xi32>
        %mul3A_428 = arith.muli %scan3A_422#1, %mul3A_427 : vector<16xi32>
        %add3A_429 = arith.addi %mul3A_428, %iota3A : vector<16xi32>
        %add3A_430 = arith.constant 0 : i32
        %add3A_431 = vector.broadcast %add3A_430 : i32 to vector<16xi32>
        %add3A_432 = arith.addi %add3A_429, %add3A_431 : vector<16xi32>
        tpu.vector_store_idx %arg12[%add3A_432], %broadcast_in_dim3A_425 {add = true} : memref<5120xf32, #tpu.memory_space<vmem>>[vector<16xi32>], vector<16xf32>,
        %add3A_433 = arith.constant 16 : i32
        %add3A_434 = vector.broadcast %add3A_433 : i32 to vector<16xi32>
        %add3A_435 = arith.addi %add3A_429, %add3A_434 : vector<16xi32>
        tpu.vector_store_idx %arg12[%add3A_435], %broadcast_in_dim3A_425 {add = true} : memref<5120xf32, #tpu.memory_space<vmem>>[vector<16xi32>], vector<16xf32>,
        %add3A_436 = arith.constant 32 : i32
        %add3A_437 = vector.broadcast %add3A_436 : i32 to vector<16xi32>
        %add3A_438 = arith.addi %add3A_429, %add3A_437 : vector<16xi32>
        tpu.vector_store_idx %arg12[%add3A_438], %broadcast_in_dim3A_425 {add = true} : memref<5120xf32, #tpu.memory_space<vmem>>[vector<16xi32>], vector<16xf32>,
        %add3A_439 = arith.constant 48 : i32
        %add3A_440 = vector.broadcast %add3A_439 : i32 to vector<16xi32>
        %add3A_441 = arith.addi %add3A_429, %add3A_440 : vector<16xi32>
        tpu.vector_store_idx %arg12[%add3A_441], %broadcast_in_dim3A_425 {add = true} : memref<5120xf32, #tpu.memory_space<vmem>>[vector<16xi32>], vector<16xf32>,
        %add3A_442 = arith.constant 64 : i32
        %add3A_443 = vector.broadcast %add3A_442 : i32 to vector<16xi32>
        %add3A_444 = arith.addi %add3A_429, %add3A_443 : vector<16xi32>
        tpu.vector_store_idx %arg12[%add3A_444], %broadcast_in_dim3A_425 {add = true} : memref<5120xf32, #tpu.memory_space<vmem>>[vector<16xi32>], vector<16xf32>,
        %eq3A_445 = arith.constant 0 : i32
        %eq3A_446 = vector.broadcast %eq3A_445 : i32 to vector<16xi32>
        %eq3A_447 = arith.cmpi eq, %scan3A_422#2, %eq3A_446 : vector<16xi32>
        %jit3A_448 = arith.constant 1.000000e+30 : f32
        %broadcast_in_dim3A_449 = vector.broadcast %jit3A_448 : f32 to vector<16xf32>
        %select_n3A_450 = arith.select %eq3A_447, %broadcast_in_dim3A_449, %select_n3A_359 : vector<16xi1>, vector<16xf32>
        %eq3A_451 = arith.constant 1 : i32
        %eq3A_452 = vector.broadcast %eq3A_451 : i32 to vector<16xi32>
        %eq3A_453 = arith.cmpi eq, %scan3A_422#2, %eq3A_452 : vector<16xi32>
        %jit3A_454 = arith.constant 1.000000e+30 : f32
        %broadcast_in_dim3A_455 = vector.broadcast %jit3A_454 : f32 to vector<16xf32>
        %select_n3A_456 = arith.select %eq3A_453, %broadcast_in_dim3A_455, %select_n3A_365 : vector<16xi1>, vector<16xf32>
        %eq3A_457 = arith.constant 2 : i32
        %eq3A_458 = vector.broadcast %eq3A_457 : i32 to vector<16xi32>
        %eq3A_459 = arith.cmpi eq, %scan3A_422#2, %eq3A_458 : vector<16xi32>
        %jit3A_460 = arith.constant 1.000000e+30 : f32
        %broadcast_in_dim3A_461 = vector.broadcast %jit3A_460 : f32 to vector<16xf32>
        %select_n3A_462 = arith.select %eq3A_459, %broadcast_in_dim3A_461, %select_n3A_371 : vector<16xi1>, vector<16xf32>
        %eq3A_463 = arith.constant 3 : i32
        %eq3A_464 = vector.broadcast %eq3A_463 : i32 to vector<16xi32>
        %eq3A_465 = arith.cmpi eq, %scan3A_422#2, %eq3A_464 : vector<16xi32>
        %jit3A_466 = arith.constant 1.000000e+30 : f32
        %broadcast_in_dim3A_467 = vector.broadcast %jit3A_466 : f32 to vector<16xf32>
        %select_n3A_468 = arith.select %eq3A_465, %broadcast_in_dim3A_467, %select_n3A_377 : vector<16xi1>, vector<16xf32>
        %eq3A_469 = arith.constant 4 : i32
        %eq3A_470 = vector.broadcast %eq3A_469 : i32 to vector<16xi32>
        %eq3A_471 = arith.cmpi eq, %scan3A_422#2, %eq3A_470 : vector<16xi32>
        %jit3A_472 = arith.constant 1.000000e+30 : f32
        %broadcast_in_dim3A_473 = vector.broadcast %jit3A_472 : f32 to vector<16xf32>
        %select_n3A_474 = arith.select %eq3A_471, %broadcast_in_dim3A_473, %select_n3A_383 : vector<16xi1>, vector<16xf32>
        %mul3A_475 = arith.constant 512 : i32
        %mul3A_476 = vector.broadcast %mul3A_475 : i32 to vector<16xi32>
        %mul3A_477 = arith.muli %scan3A_422#2, %mul3A_476 : vector<16xi32>
        %add3A_478 = arith.addi %mul3A_477, %add3A_76 : vector<16xi32>
        %gather3A_479 = tpu.vector_load_idx %arg11[%add3A_478] : memref<10240xf32, #tpu.memory_space<vmem>>[vector<16xi32>], vector<16xf32>,
        %add3A_480 = arith.constant 2560 : i32
        %add3A_481 = vector.broadcast %add3A_480 : i32 to vector<16xi32>
        %add3A_482 = arith.addi %add3A_478, %add3A_481 : vector<16xi32>
        %gather3A_483 = tpu.vector_load_idx %arg11[%add3A_482] : memref<10240xf32, #tpu.memory_space<vmem>>[vector<16xi32>], vector<16xf32>,
        %add3A_484 = arith.constant 5120 : i32
        %add3A_485 = vector.broadcast %add3A_484 : i32 to vector<16xi32>
        %add3A_486 = arith.addi %add3A_478, %add3A_485 : vector<16xi32>
        %gather3A_487 = tpu.vector_load_idx %arg11[%add3A_486] : memref<10240xf32, #tpu.memory_space<vmem>>[vector<16xi32>], vector<16xf32>,
        %add3A_488 = arith.constant 7680 : i32
        %add3A_489 = vector.broadcast %add3A_488 : i32 to vector<16xi32>
        %add3A_490 = arith.addi %add3A_478, %add3A_489 : vector<16xi32>
        %gather3A_491 = tpu.vector_load_idx %arg11[%add3A_490] : memref<10240xf32, #tpu.memory_space<vmem>>[vector<16xi32>], vector<16xf32>,
        %mul3A_492 = arith.constant 16 : i32
        %mul3A_493 = arith.muli %scan3A_69, %mul3A_492 : i32
        %add3A_494 = vector.broadcast %mul3A_493 : i32 to vector<16xi32>
        %add3A_495 = arith.addi %add3A_494, %iota3A : vector<16xi32>
        %mul3A_496 = arith.constant 64 : i32
        %mul3A_497 = vector.broadcast %mul3A_496 : i32 to vector<16xi32>
        %mul3A_498 = arith.muli %add3A_495, %mul3A_497 : vector<16xi32>
        %add3A_499 = arith.addi %mul3A_498, %scan3A_422#1 : vector<16xi32>
        %add3A_500 = arith.constant 1.000000e+00 : f32
        %add3A_501 = vector.broadcast %add3A_500 : f32 to vector<16xf32>
        %add3A_502 = arith.addf %gather3A_491, %add3A_501 : vector<16xf32>
        tpu.vector_store_idx %arg13[%add3A_499], %add3A_502 : memref<4096xf32, #tpu.memory_space<vmem>>[vector<16xi32>], vector<16xf32>,
        tpu.vector_store_idx %arg14[%add3A_499], %gather3A_479 : memref<4096xf32, #tpu.memory_space<vmem>>[vector<16xi32>], vector<16xf32>,
        tpu.vector_store_idx %arg15[%add3A_499], %gather3A_483 : memref<4096xf32, #tpu.memory_space<vmem>>[vector<16xi32>], vector<16xf32>,
        tpu.vector_store_idx %arg16[%add3A_499], %gather3A_487 : memref<4096xf32, #tpu.memory_space<vmem>>[vector<16xi32>], vector<16xf32>,
        %broadcast_in_dim3A_503 = arith.constant 1.000000e+30 : f32
        %broadcast_in_dim3A_504 = vector.broadcast %broadcast_in_dim3A_503 : f32 to vector<16xf32>
        %broadcast_in_dim3A_505 = arith.constant 0 : i32
        %broadcast_in_dim3A_506 = vector.broadcast %broadcast_in_dim3A_505 : i32 to vector<16xi32>
        %broadcast_in_dim3A_507 = arith.constant 0 : i32
        %broadcast_in_dim3A_508 = vector.broadcast %broadcast_in_dim3A_507 : i32 to vector<16xi32>
        %scan3A_509 = arith.constant 0 : i32
        %scan3A_510 = arith.constant 64 : i32
        %scan3A_511 = arith.addi %scan3A_509, %scan3A_510 : i32
        %scan3A_512 = arith.constant 1 : i32
        %scan3A_513:3 = scf.for %scan3A_594 = %scan3A_509 to %scan3A_511 step %scan3A_512 iter_args(%scan3A_595 = %broadcast_in_dim3A_504, %scan3A_596 = %broadcast_in_dim3A_506, %scan3A_597 = %broadcast_in_dim3A_508) -> (vector<16xf32>, vector<16xi32>, vector<16xi32>)  : i32 {
          %mul3A_598 = arith.constant 80 : i32
          %mul3A_599 = arith.muli %scan3A_594, %mul3A_598 : i32
          %add3A_600 = vector.broadcast %mul3A_599 : i32 to vector<16xi32>
          %add3A_601 = arith.addi %add3A_600, %iota3A : vector<16xi32>
          %add3A_602 = arith.constant 0 : i32
          %add3A_603 = vector.broadcast %add3A_602 : i32 to vector<16xi32>
          %add3A_604 = arith.addi %add3A_601, %add3A_603 : vector<16xi32>
          %gather3A_605 = tpu.vector_load_idx %arg12[%add3A_604] : memref<5120xf32, #tpu.memory_space<vmem>>[vector<16xi32>], vector<16xf32>,
          %add3A_606 = arith.addf %gather3A_605, %select_n3A_450 : vector<16xf32>
          %lt3A = arith.cmpf olt, %add3A_606, %scan3A_595 : vector<16xf32>
          %select_n3A_607 = arith.select %lt3A, %add3A_606, %scan3A_595 : vector<16xi1>, vector<16xf32>
          %broadcast_in_dim3A_608 = vector.broadcast %scan3A_594 : i32 to vector<16xi32>
          %select_n3A_609 = arith.select %lt3A, %broadcast_in_dim3A_608, %scan3A_596 : vector<16xi1>, vector<16xi32>
          %jit3A_610 = arith.constant 0 : i32
          %broadcast_in_dim3A_611 = vector.broadcast %jit3A_610 : i32 to vector<16xi32>
          %select_n3A_612 = arith.select %lt3A, %broadcast_in_dim3A_611, %scan3A_597 : vector<16xi1>, vector<16xi32>
          %add3A_613 = arith.constant 16 : i32
          %add3A_614 = vector.broadcast %add3A_613 : i32 to vector<16xi32>
          %add3A_615 = arith.addi %add3A_601, %add3A_614 : vector<16xi32>
          %gather3A_616 = tpu.vector_load_idx %arg12[%add3A_615] : memref<5120xf32, #tpu.memory_space<vmem>>[vector<16xi32>], vector<16xf32>,
          %add3A_617 = arith.addf %gather3A_616, %select_n3A_456 : vector<16xf32>
          %lt3A_618 = arith.cmpf olt, %add3A_617, %select_n3A_607 : vector<16xf32>
          %select_n3A_619 = arith.select %lt3A_618, %add3A_617, %select_n3A_607 : vector<16xi1>, vector<16xf32>
          %broadcast_in_dim3A_620 = vector.broadcast %scan3A_594 : i32 to vector<16xi32>
          %select_n3A_621 = arith.select %lt3A_618, %broadcast_in_dim3A_620, %select_n3A_609 : vector<16xi1>, vector<16xi32>
          %jit3A_622 = arith.constant 1 : i32
          %broadcast_in_dim3A_623 = vector.broadcast %jit3A_622 : i32 to vector<16xi32>
          %select_n3A_624 = arith.select %lt3A_618, %broadcast_in_dim3A_623, %select_n3A_612 : vector<16xi1>, vector<16xi32>
          %add3A_625 = arith.constant 32 : i32
          %add3A_626 = vector.broadcast %add3A_625 : i32 to vector<16xi32>
          %add3A_627 = arith.addi %add3A_601, %add3A_626 : vector<16xi32>
          %gather3A_628 = tpu.vector_load_idx %arg12[%add3A_627] : memref<5120xf32, #tpu.memory_space<vmem>>[vector<16xi32>], vector<16xf32>,
          %add3A_629 = arith.addf %gather3A_628, %select_n3A_462 : vector<16xf32>
          %lt3A_630 = arith.cmpf olt, %add3A_629, %select_n3A_619 : vector<16xf32>
          %select_n3A_631 = arith.select %lt3A_630, %add3A_629, %select_n3A_619 : vector<16xi1>, vector<16xf32>
          %broadcast_in_dim3A_632 = vector.broadcast %scan3A_594 : i32 to vector<16xi32>
          %select_n3A_633 = arith.select %lt3A_630, %broadcast_in_dim3A_632, %select_n3A_621 : vector<16xi1>, vector<16xi32>
          %jit3A_634 = arith.constant 2 : i32
          %broadcast_in_dim3A_635 = vector.broadcast %jit3A_634 : i32 to vector<16xi32>
          %select_n3A_636 = arith.select %lt3A_630, %broadcast_in_dim3A_635, %select_n3A_624 : vector<16xi1>, vector<16xi32>
          %add3A_637 = arith.constant 48 : i32
          %add3A_638 = vector.broadcast %add3A_637 : i32 to vector<16xi32>
          %add3A_639 = arith.addi %add3A_601, %add3A_638 : vector<16xi32>
          %gather3A_640 = tpu.vector_load_idx %arg12[%add3A_639] : memref<5120xf32, #tpu.memory_space<vmem>>[vector<16xi32>], vector<16xf32>,
          %add3A_641 = arith.addf %gather3A_640, %select_n3A_468 : vector<16xf32>
          %lt3A_642 = arith.cmpf olt, %add3A_641, %select_n3A_631 : vector<16xf32>
          %select_n3A_643 = arith.select %lt3A_642, %add3A_641, %select_n3A_631 : vector<16xi1>, vector<16xf32>
          %broadcast_in_dim3A_644 = vector.broadcast %scan3A_594 : i32 to vector<16xi32>
          %select_n3A_645 = arith.select %lt3A_642, %broadcast_in_dim3A_644, %select_n3A_633 : vector<16xi1>, vector<16xi32>
          %jit3A_646 = arith.constant 3 : i32
          %broadcast_in_dim3A_647 = vector.broadcast %jit3A_646 : i32 to vector<16xi32>
          %select_n3A_648 = arith.select %lt3A_642, %broadcast_in_dim3A_647, %select_n3A_636 : vector<16xi1>, vector<16xi32>
          %add3A_649 = arith.constant 64 : i32
          %add3A_650 = vector.broadcast %add3A_649 : i32 to vector<16xi32>
          %add3A_651 = arith.addi %add3A_601, %add3A_650 : vector<16xi32>
          %gather3A_652 = tpu.vector_load_idx %arg12[%add3A_651] : memref<5120xf32, #tpu.memory_space<vmem>>[vector<16xi32>], vector<16xf32>,
          %add3A_653 = arith.addf %gather3A_652, %select_n3A_474 : vector<16xf32>
          %lt3A_654 = arith.cmpf olt, %add3A_653, %select_n3A_643 : vector<16xf32>
          %select_n3A_655 = arith.select %lt3A_654, %add3A_653, %select_n3A_643 : vector<16xi1>, vector<16xf32>
          %broadcast_in_dim3A_656 = vector.broadcast %scan3A_594 : i32 to vector<16xi32>
          %select_n3A_657 = arith.select %lt3A_654, %broadcast_in_dim3A_656, %select_n3A_645 : vector<16xi1>, vector<16xi32>
          %jit3A_658 = arith.constant 4 : i32
          %broadcast_in_dim3A_659 = vector.broadcast %jit3A_658 : i32 to vector<16xi32>
          %select_n3A_660 = arith.select %lt3A_654, %broadcast_in_dim3A_659, %select_n3A_648 : vector<16xi1>, vector<16xi32>
          scf.yield %select_n3A_655, %select_n3A_657, %select_n3A_660 : vector<16xf32>, vector<16xi32>, vector<16xi32>
        }
        %scan3A_514 = arith.constant 64 : i32
        %broadcast_in_dim3A_515 = arith.constant 1.000000e+30 : f32
        %broadcast_in_dim3A_516 = vector.broadcast %broadcast_in_dim3A_515 : f32 to vector<16xf32>
        %mul3A_517 = arith.constant 80 : i32
        %mul3A_518 = vector.broadcast %mul3A_517 : i32 to vector<16xi32>
        %mul3A_519 = arith.muli %scan3A_513#1, %mul3A_518 : vector<16xi32>
        %add3A_520 = arith.addi %mul3A_519, %iota3A : vector<16xi32>
        %add3A_521 = arith.constant 0 : i32
        %add3A_522 = vector.broadcast %add3A_521 : i32 to vector<16xi32>
        %add3A_523 = arith.addi %add3A_520, %add3A_522 : vector<16xi32>
        tpu.vector_store_idx %arg12[%add3A_523], %broadcast_in_dim3A_516 {add = true} : memref<5120xf32, #tpu.memory_space<vmem>>[vector<16xi32>], vector<16xf32>,
        %add3A_524 = arith.constant 16 : i32
        %add3A_525 = vector.broadcast %add3A_524 : i32 to vector<16xi32>
        %add3A_526 = arith.addi %add3A_520, %add3A_525 : vector<16xi32>
        tpu.vector_store_idx %arg12[%add3A_526], %broadcast_in_dim3A_516 {add = true} : memref<5120xf32, #tpu.memory_space<vmem>>[vector<16xi32>], vector<16xf32>,
        %add3A_527 = arith.constant 32 : i32
        %add3A_528 = vector.broadcast %add3A_527 : i32 to vector<16xi32>
        %add3A_529 = arith.addi %add3A_520, %add3A_528 : vector<16xi32>
        tpu.vector_store_idx %arg12[%add3A_529], %broadcast_in_dim3A_516 {add = true} : memref<5120xf32, #tpu.memory_space<vmem>>[vector<16xi32>], vector<16xf32>,
        %add3A_530 = arith.constant 48 : i32
        %add3A_531 = vector.broadcast %add3A_530 : i32 to vector<16xi32>
        %add3A_532 = arith.addi %add3A_520, %add3A_531 : vector<16xi32>
        tpu.vector_store_idx %arg12[%add3A_532], %broadcast_in_dim3A_516 {add = true} : memref<5120xf32, #tpu.memory_space<vmem>>[vector<16xi32>], vector<16xf32>,
        %add3A_533 = arith.constant 64 : i32
        %add3A_534 = vector.broadcast %add3A_533 : i32 to vector<16xi32>
        %add3A_535 = arith.addi %add3A_520, %add3A_534 : vector<16xi32>
        tpu.vector_store_idx %arg12[%add3A_535], %broadcast_in_dim3A_516 {add = true} : memref<5120xf32, #tpu.memory_space<vmem>>[vector<16xi32>], vector<16xf32>,
        %eq3A_536 = arith.constant 0 : i32
        %eq3A_537 = vector.broadcast %eq3A_536 : i32 to vector<16xi32>
        %eq3A_538 = arith.cmpi eq, %scan3A_513#2, %eq3A_537 : vector<16xi32>
        %jit3A_539 = arith.constant 1.000000e+30 : f32
        %broadcast_in_dim3A_540 = vector.broadcast %jit3A_539 : f32 to vector<16xf32>
        %select_n3A_541 = arith.select %eq3A_538, %broadcast_in_dim3A_540, %select_n3A_450 : vector<16xi1>, vector<16xf32>
        %eq3A_542 = arith.constant 1 : i32
        %eq3A_543 = vector.broadcast %eq3A_542 : i32 to vector<16xi32>
        %eq3A_544 = arith.cmpi eq, %scan3A_513#2, %eq3A_543 : vector<16xi32>
        %jit3A_545 = arith.constant 1.000000e+30 : f32
        %broadcast_in_dim3A_546 = vector.broadcast %jit3A_545 : f32 to vector<16xf32>
        %select_n3A_547 = arith.select %eq3A_544, %broadcast_in_dim3A_546, %select_n3A_456 : vector<16xi1>, vector<16xf32>
        %eq3A_548 = arith.constant 2 : i32
        %eq3A_549 = vector.broadcast %eq3A_548 : i32 to vector<16xi32>
        %eq3A_550 = arith.cmpi eq, %scan3A_513#2, %eq3A_549 : vector<16xi32>
        %jit3A_551 = arith.constant 1.000000e+30 : f32
        %broadcast_in_dim3A_552 = vector.broadcast %jit3A_551 : f32 to vector<16xf32>
        %select_n3A_553 = arith.select %eq3A_550, %broadcast_in_dim3A_552, %select_n3A_462 : vector<16xi1>, vector<16xf32>
        %eq3A_554 = arith.constant 3 : i32
        %eq3A_555 = vector.broadcast %eq3A_554 : i32 to vector<16xi32>
        %eq3A_556 = arith.cmpi eq, %scan3A_513#2, %eq3A_555 : vector<16xi32>
        %jit3A_557 = arith.constant 1.000000e+30 : f32
        %broadcast_in_dim3A_558 = vector.broadcast %jit3A_557 : f32 to vector<16xf32>
        %select_n3A_559 = arith.select %eq3A_556, %broadcast_in_dim3A_558, %select_n3A_468 : vector<16xi1>, vector<16xf32>
        %eq3A_560 = arith.constant 4 : i32
        %eq3A_561 = vector.broadcast %eq3A_560 : i32 to vector<16xi32>
        %eq3A_562 = arith.cmpi eq, %scan3A_513#2, %eq3A_561 : vector<16xi32>
        %jit3A_563 = arith.constant 1.000000e+30 : f32
        %broadcast_in_dim3A_564 = vector.broadcast %jit3A_563 : f32 to vector<16xf32>
        %select_n3A_565 = arith.select %eq3A_562, %broadcast_in_dim3A_564, %select_n3A_474 : vector<16xi1>, vector<16xf32>
        %mul3A_566 = arith.constant 512 : i32
        %mul3A_567 = vector.broadcast %mul3A_566 : i32 to vector<16xi32>
        %mul3A_568 = arith.muli %scan3A_513#2, %mul3A_567 : vector<16xi32>
        %add3A_569 = arith.addi %mul3A_568, %add3A_76 : vector<16xi32>
        %gather3A_570 = tpu.vector_load_idx %arg11[%add3A_569] : memref<10240xf32, #tpu.memory_space<vmem>>[vector<16xi32>], vector<16xf32>,
        %add3A_571 = arith.constant 2560 : i32
        %add3A_572 = vector.broadcast %add3A_571 : i32 to vector<16xi32>
        %add3A_573 = arith.addi %add3A_569, %add3A_572 : vector<16xi32>
        %gather3A_574 = tpu.vector_load_idx %arg11[%add3A_573] : memref<10240xf32, #tpu.memory_space<vmem>>[vector<16xi32>], vector<16xf32>,
        %add3A_575 = arith.constant 5120 : i32
        %add3A_576 = vector.broadcast %add3A_575 : i32 to vector<16xi32>
        %add3A_577 = arith.addi %add3A_569, %add3A_576 : vector<16xi32>
        %gather3A_578 = tpu.vector_load_idx %arg11[%add3A_577] : memref<10240xf32, #tpu.memory_space<vmem>>[vector<16xi32>], vector<16xf32>,
        %add3A_579 = arith.constant 7680 : i32
        %add3A_580 = vector.broadcast %add3A_579 : i32 to vector<16xi32>
        %add3A_581 = arith.addi %add3A_569, %add3A_580 : vector<16xi32>
        %gather3A_582 = tpu.vector_load_idx %arg11[%add3A_581] : memref<10240xf32, #tpu.memory_space<vmem>>[vector<16xi32>], vector<16xf32>,
        %mul3A_583 = arith.constant 16 : i32
        %mul3A_584 = arith.muli %scan3A_69, %mul3A_583 : i32
        %add3A_585 = vector.broadcast %mul3A_584 : i32 to vector<16xi32>
        %add3A_586 = arith.addi %add3A_585, %iota3A : vector<16xi32>
        %mul3A_587 = arith.constant 64 : i32
        %mul3A_588 = vector.broadcast %mul3A_587 : i32 to vector<16xi32>
        %mul3A_589 = arith.muli %add3A_586, %mul3A_588 : vector<16xi32>
        %add3A_590 = arith.addi %mul3A_589, %scan3A_513#1 : vector<16xi32>
        %add3A_591 = arith.constant 1.000000e+00 : f32
        %add3A_592 = vector.broadcast %add3A_591 : f32 to vector<16xf32>
        %add3A_593 = arith.addf %gather3A_582, %add3A_592 : vector<16xf32>
        tpu.vector_store_idx %arg13[%add3A_590], %add3A_593 : memref<4096xf32, #tpu.memory_space<vmem>>[vector<16xi32>], vector<16xf32>,
        tpu.vector_store_idx %arg14[%add3A_590], %gather3A_570 : memref<4096xf32, #tpu.memory_space<vmem>>[vector<16xi32>], vector<16xf32>,
        tpu.vector_store_idx %arg15[%add3A_590], %gather3A_574 : memref<4096xf32, #tpu.memory_space<vmem>>[vector<16xi32>], vector<16xf32>,
        tpu.vector_store_idx %arg16[%add3A_590], %gather3A_578 : memref<4096xf32, #tpu.memory_space<vmem>>[vector<16xi32>], vector<16xf32>,
      }
      %scan3A_61 = arith.constant 4 : i32
      %mul3A_62 = arith.constant 512 : i32
      %mul3A_63 = arith.muli %add3A, %mul3A_62 : i32
      %mul3A_64 = arith.constant 64 : i32
      %mul3A_65 = arith.muli %scan3A_49, %mul3A_64 : i32
      %add3A_66 = arith.addi %mul3A_63, %mul3A_65 : i32
      %mul3A_67 = arith.constant 64 : i32
      %mul3A_68 = arith.muli %add3A_66, %mul3A_67 : i32
      "tpu.region"() ({
        %run_scoped3A = tpu.sem_alloc : memref<!tpu.dma_semaphore, #tpu.memory_space<semaphore_mem>>
        %dma_start3A = tpu.memref_slice %arg4[%mul3A_68] : memref<1048576xf32, #tpu.memory_space<hbm>> -> memref<4096xf32, #tpu.memory_space<hbm>>
        %dma_start3A_69 = tpu.memref_slice %arg4[%mul3A_68] : memref<1048576xf32, #tpu.memory_space<hbm>> -> memref<4096xf32, #tpu.memory_space<hbm>>
        tpu.enqueue_dma source(%arg13 : memref<4096xf32, #tpu.memory_space<vmem>>) target(%dma_start3A_69 : memref<4096xf32, #tpu.memory_space<hbm>>) target_semaphore(%run_scoped3A : memref<!tpu.dma_semaphore, #tpu.memory_space<semaphore_mem>>)
        %dma_wait3A = tpu.memref_slice %arg4[%mul3A_68] : memref<1048576xf32, #tpu.memory_space<hbm>> -> memref<4096xf32, #tpu.memory_space<hbm>>
        %dma_wait3A_70 = tpu.memref_slice %arg4[%mul3A_68] : memref<1048576xf32, #tpu.memory_space<hbm>> -> memref<4096xf32, #tpu.memory_space<hbm>>
        tpu.wait_dma2 semaphore(%run_scoped3A : memref<!tpu.dma_semaphore, #tpu.memory_space<semaphore_mem>>) src(%arg13 : memref<4096xf32, #tpu.memory_space<vmem>>) dst(%dma_wait3A_70 : memref<4096xf32, #tpu.memory_space<hbm>>)
        tpu.yield
      }) : () -> ()
      "tpu.region"() ({
        %run_scoped3A = tpu.sem_alloc : memref<!tpu.dma_semaphore, #tpu.memory_space<semaphore_mem>>
        %dma_start3A = tpu.memref_slice %arg5[%mul3A_68] : memref<1048576xf32, #tpu.memory_space<hbm>> -> memref<4096xf32, #tpu.memory_space<hbm>>
        %dma_start3A_69 = tpu.memref_slice %arg5[%mul3A_68] : memref<1048576xf32, #tpu.memory_space<hbm>> -> memref<4096xf32, #tpu.memory_space<hbm>>
        tpu.enqueue_dma source(%arg14 : memref<4096xf32, #tpu.memory_space<vmem>>) target(%dma_start3A_69 : memref<4096xf32, #tpu.memory_space<hbm>>) target_semaphore(%run_scoped3A : memref<!tpu.dma_semaphore, #tpu.memory_space<semaphore_mem>>)
        %dma_wait3A = tpu.memref_slice %arg5[%mul3A_68] : memref<1048576xf32, #tpu.memory_space<hbm>> -> memref<4096xf32, #tpu.memory_space<hbm>>
        %dma_wait3A_70 = tpu.memref_slice %arg5[%mul3A_68] : memref<1048576xf32, #tpu.memory_space<hbm>> -> memref<4096xf32, #tpu.memory_space<hbm>>
        tpu.wait_dma2 semaphore(%run_scoped3A : memref<!tpu.dma_semaphore, #tpu.memory_space<semaphore_mem>>) src(%arg14 : memref<4096xf32, #tpu.memory_space<vmem>>) dst(%dma_wait3A_70 : memref<4096xf32, #tpu.memory_space<hbm>>)
        tpu.yield
      }) : () -> ()
      "tpu.region"() ({
        %run_scoped3A = tpu.sem_alloc : memref<!tpu.dma_semaphore, #tpu.memory_space<semaphore_mem>>
        %dma_start3A = tpu.memref_slice %arg6[%mul3A_68] : memref<1048576xf32, #tpu.memory_space<hbm>> -> memref<4096xf32, #tpu.memory_space<hbm>>
        %dma_start3A_69 = tpu.memref_slice %arg6[%mul3A_68] : memref<1048576xf32, #tpu.memory_space<hbm>> -> memref<4096xf32, #tpu.memory_space<hbm>>
        tpu.enqueue_dma source(%arg15 : memref<4096xf32, #tpu.memory_space<vmem>>) target(%dma_start3A_69 : memref<4096xf32, #tpu.memory_space<hbm>>) target_semaphore(%run_scoped3A : memref<!tpu.dma_semaphore, #tpu.memory_space<semaphore_mem>>)
        %dma_wait3A = tpu.memref_slice %arg6[%mul3A_68] : memref<1048576xf32, #tpu.memory_space<hbm>> -> memref<4096xf32, #tpu.memory_space<hbm>>
        %dma_wait3A_70 = tpu.memref_slice %arg6[%mul3A_68] : memref<1048576xf32, #tpu.memory_space<hbm>> -> memref<4096xf32, #tpu.memory_space<hbm>>
        tpu.wait_dma2 semaphore(%run_scoped3A : memref<!tpu.dma_semaphore, #tpu.memory_space<semaphore_mem>>) src(%arg15 : memref<4096xf32, #tpu.memory_space<vmem>>) dst(%dma_wait3A_70 : memref<4096xf32, #tpu.memory_space<hbm>>)
        tpu.yield
      }) : () -> ()
      "tpu.region"() ({
        %run_scoped3A = tpu.sem_alloc : memref<!tpu.dma_semaphore, #tpu.memory_space<semaphore_mem>>
        %dma_start3A = tpu.memref_slice %arg7[%mul3A_68] : memref<1048576xf32, #tpu.memory_space<hbm>> -> memref<4096xf32, #tpu.memory_space<hbm>>
        %dma_start3A_69 = tpu.memref_slice %arg7[%mul3A_68] : memref<1048576xf32, #tpu.memory_space<hbm>> -> memref<4096xf32, #tpu.memory_space<hbm>>
        tpu.enqueue_dma source(%arg16 : memref<4096xf32, #tpu.memory_space<vmem>>) target(%dma_start3A_69 : memref<4096xf32, #tpu.memory_space<hbm>>) target_semaphore(%run_scoped3A : memref<!tpu.dma_semaphore, #tpu.memory_space<semaphore_mem>>)
        %dma_wait3A = tpu.memref_slice %arg7[%mul3A_68] : memref<1048576xf32, #tpu.memory_space<hbm>> -> memref<4096xf32, #tpu.memory_space<hbm>>
        %dma_wait3A_70 = tpu.memref_slice %arg7[%mul3A_68] : memref<1048576xf32, #tpu.memory_space<hbm>> -> memref<4096xf32, #tpu.memory_space<hbm>>
        tpu.wait_dma2 semaphore(%run_scoped3A : memref<!tpu.dma_semaphore, #tpu.memory_space<semaphore_mem>>) src(%arg16 : memref<4096xf32, #tpu.memory_space<vmem>>) dst(%dma_wait3A_70 : memref<4096xf32, #tpu.memory_space<hbm>>)
        tpu.yield
      }) : () -> ()
    }
    %scan3A_48 = arith.constant 8 : i32
    return
  }
}

module attributes {stable_mosaic.version = 14 : i64} {
  func.func @_tc_loss_body(%arg0: i32, %arg1: memref<1x14x64x512xf32, #tpu.memory_space<vmem>>, %arg2: memref<1x4x5x512xf32, #tpu.memory_space<vmem>>, %arg3: memref<1x512x64xf32, #tpu.memory_space<vmem>>, %arg4: memref<1x512x64xf32, #tpu.memory_space<vmem>>, %arg5: memref<1x512x64xf32, #tpu.memory_space<vmem>>, %arg6: memref<1x512x64xf32, #tpu.memory_space<vmem>>, %arg7: memref<1x128xf32, #tpu.memory_space<vmem>>, %arg8: memref<1x128xf32, #tpu.memory_space<vmem>>) attributes {dimension_semantics = [#tpu.dimension_semantics<arbitrary>], iteration_bounds = array<i64: 32>, scalar_prefetch = 0 : i64, scratch_operands = 0 : i64, tpu.core_type = #tpu.core_type<tc>, window_params = [{transform_indices = @transform_0, window_bounds = array<i64: 1, 14, 64, 512>}, {transform_indices = @transform_1, window_bounds = array<i64: 1, 4, 5, 512>}, {transform_indices = @transform_2, window_bounds = array<i64: 1, 512, 64>}, {transform_indices = @transform_3, window_bounds = array<i64: 1, 512, 64>}, {transform_indices = @transform_4, window_bounds = array<i64: 1, 512, 64>}, {transform_indices = @transform_5, window_bounds = array<i64: 1, 512, 64>}, {pipeline_mode = #tpu.pipeline_mode<synchronous>, transform_indices = @transform_6, window_bounds = array<i64: 1, 128>}, {pipeline_mode = #tpu.pipeline_mode<synchronous>, transform_indices = @transform_7, window_bounds = array<i64: 1, 128>}]} {
    %get3A = arith.constant 0 : index
    %get3A_0 = arith.constant 0 : index
    %get3A_1 = arith.constant 0 : index
    %get3A_2 = arith.constant 0 : index
    %get3A_3 = vector.load %arg1[%get3A, %get3A_0, %get3A_1, %get3A_2] : memref<1x14x64x512xf32, #tpu.memory_space<vmem>>, vector<1x14x64x512xf32>
    %get3A_4 = vector.shape_cast %get3A_3 : vector<1x14x64x512xf32> to vector<14x64x512xf32>
    %slice3A = vector.extract_strided_slice %get3A_4 {offsets = [0, 0, 0], sizes = [1, 64, 512], strides = [1, 1, 1]} : vector<14x64x512xf32> to vector<1x64x512xf32>
    %squeeze3A = vector.shape_cast %slice3A : vector<1x64x512xf32> to vector<64x512xf32>
    %slice3A_5 = vector.extract_strided_slice %get3A_4 {offsets = [1, 0, 0], sizes = [1, 64, 512], strides = [1, 1, 1]} : vector<14x64x512xf32> to vector<1x64x512xf32>
    %squeeze3A_6 = vector.shape_cast %slice3A_5 : vector<1x64x512xf32> to vector<64x512xf32>
    %slice3A_7 = vector.extract_strided_slice %get3A_4 {offsets = [2, 0, 0], sizes = [1, 64, 512], strides = [1, 1, 1]} : vector<14x64x512xf32> to vector<1x64x512xf32>
    %squeeze3A_8 = vector.shape_cast %slice3A_7 : vector<1x64x512xf32> to vector<64x512xf32>
    %slice3A_9 = vector.extract_strided_slice %get3A_4 {offsets = [3, 0, 0], sizes = [1, 64, 512], strides = [1, 1, 1]} : vector<14x64x512xf32> to vector<1x64x512xf32>
    %squeeze3A_10 = vector.shape_cast %slice3A_9 : vector<1x64x512xf32> to vector<64x512xf32>
    %get3A_11 = arith.constant 0 : index
    %get3A_12 = arith.constant 0 : index
    %get3A_13 = arith.constant 0 : index
    %get3A_14 = arith.constant 0 : index
    %get3A_15 = vector.load %arg2[%get3A_11, %get3A_12, %get3A_13, %get3A_14] : memref<1x4x5x512xf32, #tpu.memory_space<vmem>>, vector<1x4x5x512xf32>
    %get3A_16 = vector.shape_cast %get3A_15 : vector<1x4x5x512xf32> to vector<4x5x512xf32>
    %slice3A_17 = vector.extract_strided_slice %get3A_16 {offsets = [3, 0, 0], sizes = [1, 5, 512], strides = [1, 1, 1]} : vector<4x5x512xf32> to vector<1x5x512xf32>
    %squeeze3A_18 = vector.shape_cast %slice3A_17 : vector<1x5x512xf32> to vector<5x512xf32>
    %get3A_19 = arith.constant 0 : index
    %get3A_20 = arith.constant 0 : index
    %get3A_21 = vector.load %arg7[%get3A_19, %get3A_20] : memref<1x128xf32, #tpu.memory_space<vmem>>, vector<1x128xf32>
    %slice3A_22 = vector.extract_strided_slice %get3A_21 {offsets = [0, 64], sizes = [1, 1], strides = [1, 1]} : vector<1x128xf32> to vector<1x1xf32>
    %get3A_23 = arith.constant 0 : index
    %get3A_24 = arith.constant 0 : index
    %get3A_25 = arith.constant 0 : index
    %get3A_26 = vector.load %arg3[%get3A_23, %get3A_24, %get3A_25] : memref<1x512x64xf32, #tpu.memory_space<vmem>>, vector<1x512x64xf32>
    %get3A_27 = vector.shape_cast %get3A_26 : vector<1x512x64xf32> to vector<512x64xf32>
    %transpose3A = tpu.transpose %get3A_27, [1, 0] : vector<512x64xf32> -> vector<64x512xf32>
    %get3A_28 = arith.constant 0 : index
    %get3A_29 = arith.constant 0 : index
    %get3A_30 = arith.constant 0 : index
    %get3A_31 = vector.load %arg4[%get3A_28, %get3A_29, %get3A_30] : memref<1x512x64xf32, #tpu.memory_space<vmem>>, vector<1x512x64xf32>
    %get3A_32 = vector.shape_cast %get3A_31 : vector<1x512x64xf32> to vector<512x64xf32>
    %transpose3A_33 = tpu.transpose %get3A_32, [1, 0] : vector<512x64xf32> -> vector<64x512xf32>
    %get3A_34 = arith.constant 0 : index
    %get3A_35 = arith.constant 0 : index
    %get3A_36 = arith.constant 0 : index
    %get3A_37 = vector.load %arg5[%get3A_34, %get3A_35, %get3A_36] : memref<1x512x64xf32, #tpu.memory_space<vmem>>, vector<1x512x64xf32>
    %get3A_38 = vector.shape_cast %get3A_37 : vector<1x512x64xf32> to vector<512x64xf32>
    %transpose3A_39 = tpu.transpose %get3A_38, [1, 0] : vector<512x64xf32> -> vector<64x512xf32>
    %get3A_40 = arith.constant 0 : index
    %get3A_41 = arith.constant 0 : index
    %get3A_42 = arith.constant 0 : index
    %get3A_43 = vector.load %arg6[%get3A_40, %get3A_41, %get3A_42] : memref<1x512x64xf32, #tpu.memory_space<vmem>>, vector<1x512x64xf32>
    %get3A_44 = vector.shape_cast %get3A_43 : vector<1x512x64xf32> to vector<512x64xf32>
    %transpose3A_45 = tpu.transpose %get3A_44, [1, 0] : vector<512x64xf32> -> vector<64x512xf32>
    %reduce_max3A = arith.constant dense<0xFF800000> : vector<512xf32>
    %reduce_max3A_46 = vector.multi_reduction <maximumf>, %squeeze3A_18, %reduce_max3A [0] : vector<5x512xf32> to vector<512xf32>
    %broadcast_in_dim3A = vector.shape_cast %reduce_max3A_46 : vector<512xf32> to vector<1x512xf32>
    %gt3A = arith.constant 0.000000e+00 : f32
    %gt3A_47 = vector.broadcast %gt3A : f32 to vector<1x512xf32>
    %gt3A_48 = arith.cmpf ogt, %broadcast_in_dim3A, %gt3A_47 : vector<1x512xf32>
    %convert_element_type3A = arith.extui %gt3A_48 : vector<1x512xi1> to vector<1x512xi32>
    %convert_element_type3A_49 = arith.sitofp %convert_element_type3A : vector<1x512xi32> to vector<1x512xf32>
    %gt3A_50 = arith.constant 0.000000e+00 : f32
    %gt3A_51 = vector.broadcast %gt3A_50 : f32 to vector<64x512xf32>
    %gt3A_52 = arith.cmpf ogt, %transpose3A, %gt3A_51 : vector<64x512xf32>
    %sub3A = arith.constant 1.000000e+00 : f32
    %sub3A_53 = vector.broadcast %sub3A : f32 to vector<64x512xf32>
    %sub3A_54 = arith.subf %transpose3A, %sub3A_53 : vector<64x512xf32>
    %max3A = arith.constant 0.000000e+00 : f32
    %max3A_55 = vector.broadcast %max3A : f32 to vector<64x512xf32>
    %max3A_56 = arith.maximumf %squeeze3A_10, %max3A_55 : vector<64x512xf32>
    %abs3A = math.absf %squeeze3A_10 : vector<64x512xf32>
    %neg3A = arith.constant 0.000000e+00 : f32
    %neg3A_57 = vector.broadcast %neg3A : f32 to vector<64x512xf32>
    %neg3A_58 = arith.subf %neg3A_57, %abs3A : vector<64x512xf32>
    %exp3A = math.exp %neg3A_58 : vector<64x512xf32>
    %log1p3A = math.log1p %exp3A : vector<64x512xf32>
    %add3A = arith.addf %max3A_56, %log1p3A : vector<64x512xf32>
    %reduce_sum3A = arith.constant dense<0.000000e+00> : vector<512xf32>
    %reduce_sum3A_59 = vector.multi_reduction <add>, %add3A, %reduce_sum3A [0] : vector<64x512xf32> to vector<512xf32>
    %broadcast_in_dim3A_60 = vector.shape_cast %reduce_sum3A_59 : vector<512xf32> to vector<1x512xf32>
    %sub3A_61 = arith.constant 1.000000e+00 : f32
    %sub3A_62 = vector.broadcast %sub3A_61 : f32 to vector<1x1xf32>
    %sub3A_63 = arith.subf %slice3A_22, %sub3A_62 : vector<1x1xf32>
    %mul3A = vector.broadcast %sub3A_63 : vector<1x1xf32> to vector<64x512xf32>
    %mul3A_64 = arith.mulf %mul3A, %add3A : vector<64x512xf32>
    %mul3A_65 = vector.broadcast %slice3A_22 : vector<1x1xf32> to vector<64x512xf32>
    %mul3A_66 = arith.mulf %mul3A_65, %squeeze3A_10 : vector<64x512xf32>
    %sub3A_67 = arith.subf %mul3A_64, %mul3A_66 : vector<64x512xf32>
    %jit3A = arith.constant 0.000000e+00 : f32
    %broadcast_in_dim3A_68 = vector.broadcast %jit3A : f32 to vector<64x512xf32>
    %select_n3A = arith.select %gt3A_52, %sub3A_67, %broadcast_in_dim3A_68 : vector<64x512xi1>, vector<64x512xf32>
    %reduce_sum3A_69 = arith.constant dense<0.000000e+00> : vector<512xf32>
    %reduce_sum3A_70 = vector.multi_reduction <add>, %select_n3A, %reduce_sum3A_69 [0] : vector<64x512xf32> to vector<512xf32>
    %broadcast_in_dim3A_71 = vector.shape_cast %reduce_sum3A_70 : vector<512xf32> to vector<1x512xf32>
    %sub3A_72 = arith.subf %squeeze3A, %transpose3A_33 : vector<64x512xf32>
    %abs3A_73 = math.absf %sub3A_72 : vector<64x512xf32>
    %sub3A_74 = arith.subf %squeeze3A_6, %transpose3A_39 : vector<64x512xf32>
    %abs3A_75 = math.absf %sub3A_74 : vector<64x512xf32>
    %sub3A_76 = arith.subf %squeeze3A_8, %transpose3A_45 : vector<64x512xf32>
    %abs3A_77 = math.absf %sub3A_76 : vector<64x512xf32>
    %lt3A = arith.constant 1.000000e+00 : f32
    %lt3A_78 = vector.broadcast %lt3A : f32 to vector<64x512xf32>
    %lt3A_79 = arith.cmpf olt, %abs3A_73, %lt3A_78 : vector<64x512xf32>
    %mul3A_80 = arith.constant 5.000000e-01 : f32
    %mul3A_81 = vector.broadcast %mul3A_80 : f32 to vector<64x512xf32>
    %mul3A_82 = arith.mulf %mul3A_81, %abs3A_73 : vector<64x512xf32>
    %mul3A_83 = arith.mulf %mul3A_82, %abs3A_73 : vector<64x512xf32>
    %sub3A_84 = arith.constant 5.000000e-01 : f32
    %sub3A_85 = vector.broadcast %sub3A_84 : f32 to vector<64x512xf32>
    %sub3A_86 = arith.subf %abs3A_73, %sub3A_85 : vector<64x512xf32>
    %select_n3A_87 = arith.select %lt3A_79, %mul3A_83, %sub3A_86 : vector<64x512xi1>, vector<64x512xf32>
    %lt3A_88 = arith.constant 1.000000e+00 : f32
    %lt3A_89 = vector.broadcast %lt3A_88 : f32 to vector<64x512xf32>
    %lt3A_90 = arith.cmpf olt, %abs3A_75, %lt3A_89 : vector<64x512xf32>
    %mul3A_91 = arith.constant 5.000000e-01 : f32
    %mul3A_92 = vector.broadcast %mul3A_91 : f32 to vector<64x512xf32>
    %mul3A_93 = arith.mulf %mul3A_92, %abs3A_75 : vector<64x512xf32>
    %mul3A_94 = arith.mulf %mul3A_93, %abs3A_75 : vector<64x512xf32>
    %sub3A_95 = arith.constant 5.000000e-01 : f32
    %sub3A_96 = vector.broadcast %sub3A_95 : f32 to vector<64x512xf32>
    %sub3A_97 = arith.subf %abs3A_75, %sub3A_96 : vector<64x512xf32>
    %select_n3A_98 = arith.select %lt3A_90, %mul3A_94, %sub3A_97 : vector<64x512xi1>, vector<64x512xf32>
    %add3A_99 = arith.addf %select_n3A_87, %select_n3A_98 : vector<64x512xf32>
    %lt3A_100 = arith.constant 1.000000e+00 : f32
    %lt3A_101 = vector.broadcast %lt3A_100 : f32 to vector<64x512xf32>
    %lt3A_102 = arith.cmpf olt, %abs3A_77, %lt3A_101 : vector<64x512xf32>
    %mul3A_103 = arith.constant 5.000000e-01 : f32
    %mul3A_104 = vector.broadcast %mul3A_103 : f32 to vector<64x512xf32>
    %mul3A_105 = arith.mulf %mul3A_104, %abs3A_77 : vector<64x512xf32>
    %mul3A_106 = arith.mulf %mul3A_105, %abs3A_77 : vector<64x512xf32>
    %sub3A_107 = arith.constant 5.000000e-01 : f32
    %sub3A_108 = vector.broadcast %sub3A_107 : f32 to vector<64x512xf32>
    %sub3A_109 = arith.subf %abs3A_77, %sub3A_108 : vector<64x512xf32>
    %select_n3A_110 = arith.select %lt3A_102, %mul3A_106, %sub3A_109 : vector<64x512xi1>, vector<64x512xf32>
    %add3A_111 = arith.addf %add3A_99, %select_n3A_110 : vector<64x512xf32>
    %jit3A_112 = arith.constant 0.000000e+00 : f32
    %broadcast_in_dim3A_113 = vector.broadcast %jit3A_112 : f32 to vector<64x512xf32>
    %select_n3A_114 = arith.select %gt3A_52, %add3A_111, %broadcast_in_dim3A_113 : vector<64x512xi1>, vector<64x512xf32>
    %reduce_sum3A_115 = arith.constant dense<0.000000e+00> : vector<512xf32>
    %reduce_sum3A_116 = vector.multi_reduction <add>, %select_n3A_114, %reduce_sum3A_115 [0] : vector<64x512xf32> to vector<512xf32>
    %broadcast_in_dim3A_117 = vector.shape_cast %reduce_sum3A_116 : vector<512xf32> to vector<1x512xf32>
    %slice3A_118 = vector.extract_strided_slice %get3A_4 {offsets = [4, 0, 0], sizes = [1, 64, 512], strides = [1, 1, 1]} : vector<14x64x512xf32> to vector<1x64x512xf32>
    %squeeze3A_119 = vector.shape_cast %slice3A_118 : vector<1x64x512xf32> to vector<64x512xf32>
    %exp3A_120 = math.exp %squeeze3A_119 : vector<64x512xf32>
    %slice3A_121 = vector.extract_strided_slice %get3A_4 {offsets = [5, 0, 0], sizes = [1, 64, 512], strides = [1, 1, 1]} : vector<14x64x512xf32> to vector<1x64x512xf32>
    %squeeze3A_122 = vector.shape_cast %slice3A_121 : vector<1x64x512xf32> to vector<64x512xf32>
    %exp3A_123 = math.exp %squeeze3A_122 : vector<64x512xf32>
    %add3A_124 = arith.addf %exp3A_120, %exp3A_123 : vector<64x512xf32>
    %slice3A_125 = vector.extract_strided_slice %get3A_4 {offsets = [6, 0, 0], sizes = [1, 64, 512], strides = [1, 1, 1]} : vector<14x64x512xf32> to vector<1x64x512xf32>
    %squeeze3A_126 = vector.shape_cast %slice3A_125 : vector<1x64x512xf32> to vector<64x512xf32>
    %exp3A_127 = math.exp %squeeze3A_126 : vector<64x512xf32>
    %add3A_128 = arith.addf %add3A_124, %exp3A_127 : vector<64x512xf32>
    %slice3A_129 = vector.extract_strided_slice %get3A_4 {offsets = [7, 0, 0], sizes = [1, 64, 512], strides = [1, 1, 1]} : vector<14x64x512xf32> to vector<1x64x512xf32>
    %squeeze3A_130 = vector.shape_cast %slice3A_129 : vector<1x64x512xf32> to vector<64x512xf32>
    %exp3A_131 = math.exp %squeeze3A_130 : vector<64x512xf32>
    %add3A_132 = arith.addf %add3A_128, %exp3A_131 : vector<64x512xf32>
    %slice3A_133 = vector.extract_strided_slice %get3A_4 {offsets = [8, 0, 0], sizes = [1, 64, 512], strides = [1, 1, 1]} : vector<14x64x512xf32> to vector<1x64x512xf32>
    %squeeze3A_134 = vector.shape_cast %slice3A_133 : vector<1x64x512xf32> to vector<64x512xf32>
    %exp3A_135 = math.exp %squeeze3A_134 : vector<64x512xf32>
    %add3A_136 = arith.addf %add3A_132, %exp3A_135 : vector<64x512xf32>
    %slice3A_137 = vector.extract_strided_slice %get3A_4 {offsets = [9, 0, 0], sizes = [1, 64, 512], strides = [1, 1, 1]} : vector<14x64x512xf32> to vector<1x64x512xf32>
    %squeeze3A_138 = vector.shape_cast %slice3A_137 : vector<1x64x512xf32> to vector<64x512xf32>
    %exp3A_139 = math.exp %squeeze3A_138 : vector<64x512xf32>
    %add3A_140 = arith.addf %add3A_136, %exp3A_139 : vector<64x512xf32>
    %slice3A_141 = vector.extract_strided_slice %get3A_4 {offsets = [10, 0, 0], sizes = [1, 64, 512], strides = [1, 1, 1]} : vector<14x64x512xf32> to vector<1x64x512xf32>
    %squeeze3A_142 = vector.shape_cast %slice3A_141 : vector<1x64x512xf32> to vector<64x512xf32>
    %exp3A_143 = math.exp %squeeze3A_142 : vector<64x512xf32>
    %add3A_144 = arith.addf %add3A_140, %exp3A_143 : vector<64x512xf32>
    %slice3A_145 = vector.extract_strided_slice %get3A_4 {offsets = [11, 0, 0], sizes = [1, 64, 512], strides = [1, 1, 1]} : vector<14x64x512xf32> to vector<1x64x512xf32>
    %squeeze3A_146 = vector.shape_cast %slice3A_145 : vector<1x64x512xf32> to vector<64x512xf32>
    %exp3A_147 = math.exp %squeeze3A_146 : vector<64x512xf32>
    %add3A_148 = arith.addf %add3A_144, %exp3A_147 : vector<64x512xf32>
    %slice3A_149 = vector.extract_strided_slice %get3A_4 {offsets = [12, 0, 0], sizes = [1, 64, 512], strides = [1, 1, 1]} : vector<14x64x512xf32> to vector<1x64x512xf32>
    %squeeze3A_150 = vector.shape_cast %slice3A_149 : vector<1x64x512xf32> to vector<64x512xf32>
    %exp3A_151 = math.exp %squeeze3A_150 : vector<64x512xf32>
    %add3A_152 = arith.addf %add3A_148, %exp3A_151 : vector<64x512xf32>
    %slice3A_153 = vector.extract_strided_slice %get3A_4 {offsets = [13, 0, 0], sizes = [1, 64, 512], strides = [1, 1, 1]} : vector<14x64x512xf32> to vector<1x64x512xf32>
    %squeeze3A_154 = vector.shape_cast %slice3A_153 : vector<1x64x512xf32> to vector<64x512xf32>
    %exp3A_155 = math.exp %squeeze3A_154 : vector<64x512xf32>
    %add3A_156 = arith.addf %add3A_152, %exp3A_155 : vector<64x512xf32>
    %log3A = math.log %add3A_156 : vector<64x512xf32>
    %broadcast_in_dim3A_157 = arith.constant 0.000000e+00 : f32
    %broadcast_in_dim3A_158 = vector.broadcast %broadcast_in_dim3A_157 : f32 to vector<64x512xf32>
    %broadcast_in_dim3A_159 = arith.constant 0.000000e+00 : f32
    %broadcast_in_dim3A_160 = vector.broadcast %broadcast_in_dim3A_159 : f32 to vector<64x512xf32>
    %eq3A = arith.constant 0.000000e+00 : f32
    %eq3A_161 = vector.broadcast %eq3A : f32 to vector<64x512xf32>
    %eq3A_162 = arith.cmpf oeq, %sub3A_54, %eq3A_161 : vector<64x512xf32>
    %slice3A_163 = vector.extract_strided_slice %get3A_4 {offsets = [4, 0, 0], sizes = [1, 64, 512], strides = [1, 1, 1]} : vector<14x64x512xf32> to vector<1x64x512xf32>
    %squeeze3A_164 = vector.shape_cast %slice3A_163 : vector<1x64x512xf32> to vector<64x512xf32>
    %jit3A_165 = arith.constant 0.000000e+00 : f32
    %broadcast_in_dim3A_166 = vector.broadcast %jit3A_165 : f32 to vector<64x512xf32>
    %select_n3A_167 = arith.select %eq3A_162, %squeeze3A_164, %broadcast_in_dim3A_166 : vector<64x512xi1>, vector<64x512xf32>
    %add3A_168 = arith.addf %broadcast_in_dim3A_158, %select_n3A_167 : vector<64x512xf32>
    %slice3A_169 = vector.extract_strided_slice %get3A_21 {offsets = [0, 0], sizes = [1, 1], strides = [1, 1]} : vector<1x128xf32> to vector<1x1xf32>
    %squeeze3A_170 = vector.extract %slice3A_169[0, 0] : f32 from vector<1x1xf32>
    %jit3A_171 = arith.constant 0.000000e+00 : f32
    %broadcast_in_dim3A_172 = vector.broadcast %squeeze3A_170 : f32 to vector<64x512xf32>
    %broadcast_in_dim3A_173 = vector.broadcast %jit3A_171 : f32 to vector<64x512xf32>
    %select_n3A_174 = arith.select %eq3A_162, %broadcast_in_dim3A_172, %broadcast_in_dim3A_173 : vector<64x512xi1>, vector<64x512xf32>
    %add3A_175 = arith.addf %broadcast_in_dim3A_160, %select_n3A_174 : vector<64x512xf32>
    %eq3A_176 = arith.constant 1.000000e+00 : f32
    %eq3A_177 = vector.broadcast %eq3A_176 : f32 to vector<64x512xf32>
    %eq3A_178 = arith.cmpf oeq, %sub3A_54, %eq3A_177 : vector<64x512xf32>
    %slice3A_179 = vector.extract_strided_slice %get3A_4 {offsets = [5, 0, 0], sizes = [1, 64, 512], strides = [1, 1, 1]} : vector<14x64x512xf32> to vector<1x64x512xf32>
    %squeeze3A_180 = vector.shape_cast %slice3A_179 : vector<1x64x512xf32> to vector<64x512xf32>
    %jit3A_181 = arith.constant 0.000000e+00 : f32
    %broadcast_in_dim3A_182 = vector.broadcast %jit3A_181 : f32 to vector<64x512xf32>
    %select_n3A_183 = arith.select %eq3A_178, %squeeze3A_180, %broadcast_in_dim3A_182 : vector<64x512xi1>, vector<64x512xf32>
    %add3A_184 = arith.addf %add3A_168, %select_n3A_183 : vector<64x512xf32>
    %slice3A_185 = vector.extract_strided_slice %get3A_21 {offsets = [0, 1], sizes = [1, 1], strides = [1, 1]} : vector<1x128xf32> to vector<1x1xf32>
    %squeeze3A_186 = vector.extract %slice3A_185[0, 0] : f32 from vector<1x1xf32>
    %jit3A_187 = arith.constant 0.000000e+00 : f32
    %broadcast_in_dim3A_188 = vector.broadcast %squeeze3A_186 : f32 to vector<64x512xf32>
    %broadcast_in_dim3A_189 = vector.broadcast %jit3A_187 : f32 to vector<64x512xf32>
    %select_n3A_190 = arith.select %eq3A_178, %broadcast_in_dim3A_188, %broadcast_in_dim3A_189 : vector<64x512xi1>, vector<64x512xf32>
    %add3A_191 = arith.addf %add3A_175, %select_n3A_190 : vector<64x512xf32>
    %eq3A_192 = arith.constant 2.000000e+00 : f32
    %eq3A_193 = vector.broadcast %eq3A_192 : f32 to vector<64x512xf32>
    %eq3A_194 = arith.cmpf oeq, %sub3A_54, %eq3A_193 : vector<64x512xf32>
    %slice3A_195 = vector.extract_strided_slice %get3A_4 {offsets = [6, 0, 0], sizes = [1, 64, 512], strides = [1, 1, 1]} : vector<14x64x512xf32> to vector<1x64x512xf32>
    %squeeze3A_196 = vector.shape_cast %slice3A_195 : vector<1x64x512xf32> to vector<64x512xf32>
    %jit3A_197 = arith.constant 0.000000e+00 : f32
    %broadcast_in_dim3A_198 = vector.broadcast %jit3A_197 : f32 to vector<64x512xf32>
    %select_n3A_199 = arith.select %eq3A_194, %squeeze3A_196, %broadcast_in_dim3A_198 : vector<64x512xi1>, vector<64x512xf32>
    %add3A_200 = arith.addf %add3A_184, %select_n3A_199 : vector<64x512xf32>
    %slice3A_201 = vector.extract_strided_slice %get3A_21 {offsets = [0, 2], sizes = [1, 1], strides = [1, 1]} : vector<1x128xf32> to vector<1x1xf32>
    %squeeze3A_202 = vector.extract %slice3A_201[0, 0] : f32 from vector<1x1xf32>
    %jit3A_203 = arith.constant 0.000000e+00 : f32
    %broadcast_in_dim3A_204 = vector.broadcast %squeeze3A_202 : f32 to vector<64x512xf32>
    %broadcast_in_dim3A_205 = vector.broadcast %jit3A_203 : f32 to vector<64x512xf32>
    %select_n3A_206 = arith.select %eq3A_194, %broadcast_in_dim3A_204, %broadcast_in_dim3A_205 : vector<64x512xi1>, vector<64x512xf32>
    %add3A_207 = arith.addf %add3A_191, %select_n3A_206 : vector<64x512xf32>
    %eq3A_208 = arith.constant 3.000000e+00 : f32
    %eq3A_209 = vector.broadcast %eq3A_208 : f32 to vector<64x512xf32>
    %eq3A_210 = arith.cmpf oeq, %sub3A_54, %eq3A_209 : vector<64x512xf32>
    %slice3A_211 = vector.extract_strided_slice %get3A_4 {offsets = [7, 0, 0], sizes = [1, 64, 512], strides = [1, 1, 1]} : vector<14x64x512xf32> to vector<1x64x512xf32>
    %squeeze3A_212 = vector.shape_cast %slice3A_211 : vector<1x64x512xf32> to vector<64x512xf32>
    %jit3A_213 = arith.constant 0.000000e+00 : f32
    %broadcast_in_dim3A_214 = vector.broadcast %jit3A_213 : f32 to vector<64x512xf32>
    %select_n3A_215 = arith.select %eq3A_210, %squeeze3A_212, %broadcast_in_dim3A_214 : vector<64x512xi1>, vector<64x512xf32>
    %add3A_216 = arith.addf %add3A_200, %select_n3A_215 : vector<64x512xf32>
    %slice3A_217 = vector.extract_strided_slice %get3A_21 {offsets = [0, 3], sizes = [1, 1], strides = [1, 1]} : vector<1x128xf32> to vector<1x1xf32>
    %squeeze3A_218 = vector.extract %slice3A_217[0, 0] : f32 from vector<1x1xf32>
    %jit3A_219 = arith.constant 0.000000e+00 : f32
    %broadcast_in_dim3A_220 = vector.broadcast %squeeze3A_218 : f32 to vector<64x512xf32>
    %broadcast_in_dim3A_221 = vector.broadcast %jit3A_219 : f32 to vector<64x512xf32>
    %select_n3A_222 = arith.select %eq3A_210, %broadcast_in_dim3A_220, %broadcast_in_dim3A_221 : vector<64x512xi1>, vector<64x512xf32>
    %add3A_223 = arith.addf %add3A_207, %select_n3A_222 : vector<64x512xf32>
    %eq3A_224 = arith.constant 4.000000e+00 : f32
    %eq3A_225 = vector.broadcast %eq3A_224 : f32 to vector<64x512xf32>
    %eq3A_226 = arith.cmpf oeq, %sub3A_54, %eq3A_225 : vector<64x512xf32>
    %slice3A_227 = vector.extract_strided_slice %get3A_4 {offsets = [8, 0, 0], sizes = [1, 64, 512], strides = [1, 1, 1]} : vector<14x64x512xf32> to vector<1x64x512xf32>
    %squeeze3A_228 = vector.shape_cast %slice3A_227 : vector<1x64x512xf32> to vector<64x512xf32>
    %jit3A_229 = arith.constant 0.000000e+00 : f32
    %broadcast_in_dim3A_230 = vector.broadcast %jit3A_229 : f32 to vector<64x512xf32>
    %select_n3A_231 = arith.select %eq3A_226, %squeeze3A_228, %broadcast_in_dim3A_230 : vector<64x512xi1>, vector<64x512xf32>
    %add3A_232 = arith.addf %add3A_216, %select_n3A_231 : vector<64x512xf32>
    %slice3A_233 = vector.extract_strided_slice %get3A_21 {offsets = [0, 4], sizes = [1, 1], strides = [1, 1]} : vector<1x128xf32> to vector<1x1xf32>
    %squeeze3A_234 = vector.extract %slice3A_233[0, 0] : f32 from vector<1x1xf32>
    %jit3A_235 = arith.constant 0.000000e+00 : f32
    %broadcast_in_dim3A_236 = vector.broadcast %squeeze3A_234 : f32 to vector<64x512xf32>
    %broadcast_in_dim3A_237 = vector.broadcast %jit3A_235 : f32 to vector<64x512xf32>
    %select_n3A_238 = arith.select %eq3A_226, %broadcast_in_dim3A_236, %broadcast_in_dim3A_237 : vector<64x512xi1>, vector<64x512xf32>
    %add3A_239 = arith.addf %add3A_223, %select_n3A_238 : vector<64x512xf32>
    %eq3A_240 = arith.constant 5.000000e+00 : f32
    %eq3A_241 = vector.broadcast %eq3A_240 : f32 to vector<64x512xf32>
    %eq3A_242 = arith.cmpf oeq, %sub3A_54, %eq3A_241 : vector<64x512xf32>
    %slice3A_243 = vector.extract_strided_slice %get3A_4 {offsets = [9, 0, 0], sizes = [1, 64, 512], strides = [1, 1, 1]} : vector<14x64x512xf32> to vector<1x64x512xf32>
    %squeeze3A_244 = vector.shape_cast %slice3A_243 : vector<1x64x512xf32> to vector<64x512xf32>
    %jit3A_245 = arith.constant 0.000000e+00 : f32
    %broadcast_in_dim3A_246 = vector.broadcast %jit3A_245 : f32 to vector<64x512xf32>
    %select_n3A_247 = arith.select %eq3A_242, %squeeze3A_244, %broadcast_in_dim3A_246 : vector<64x512xi1>, vector<64x512xf32>
    %add3A_248 = arith.addf %add3A_232, %select_n3A_247 : vector<64x512xf32>
    %slice3A_249 = vector.extract_strided_slice %get3A_21 {offsets = [0, 5], sizes = [1, 1], strides = [1, 1]} : vector<1x128xf32> to vector<1x1xf32>
    %squeeze3A_250 = vector.extract %slice3A_249[0, 0] : f32 from vector<1x1xf32>
    %jit3A_251 = arith.constant 0.000000e+00 : f32
    %broadcast_in_dim3A_252 = vector.broadcast %squeeze3A_250 : f32 to vector<64x512xf32>
    %broadcast_in_dim3A_253 = vector.broadcast %jit3A_251 : f32 to vector<64x512xf32>
    %select_n3A_254 = arith.select %eq3A_242, %broadcast_in_dim3A_252, %broadcast_in_dim3A_253 : vector<64x512xi1>, vector<64x512xf32>
    %add3A_255 = arith.addf %add3A_239, %select_n3A_254 : vector<64x512xf32>
    %eq3A_256 = arith.constant 6.000000e+00 : f32
    %eq3A_257 = vector.broadcast %eq3A_256 : f32 to vector<64x512xf32>
    %eq3A_258 = arith.cmpf oeq, %sub3A_54, %eq3A_257 : vector<64x512xf32>
    %slice3A_259 = vector.extract_strided_slice %get3A_4 {offsets = [10, 0, 0], sizes = [1, 64, 512], strides = [1, 1, 1]} : vector<14x64x512xf32> to vector<1x64x512xf32>
    %squeeze3A_260 = vector.shape_cast %slice3A_259 : vector<1x64x512xf32> to vector<64x512xf32>
    %jit3A_261 = arith.constant 0.000000e+00 : f32
    %broadcast_in_dim3A_262 = vector.broadcast %jit3A_261 : f32 to vector<64x512xf32>
    %select_n3A_263 = arith.select %eq3A_258, %squeeze3A_260, %broadcast_in_dim3A_262 : vector<64x512xi1>, vector<64x512xf32>
    %add3A_264 = arith.addf %add3A_248, %select_n3A_263 : vector<64x512xf32>
    %slice3A_265 = vector.extract_strided_slice %get3A_21 {offsets = [0, 6], sizes = [1, 1], strides = [1, 1]} : vector<1x128xf32> to vector<1x1xf32>
    %squeeze3A_266 = vector.extract %slice3A_265[0, 0] : f32 from vector<1x1xf32>
    %jit3A_267 = arith.constant 0.000000e+00 : f32
    %broadcast_in_dim3A_268 = vector.broadcast %squeeze3A_266 : f32 to vector<64x512xf32>
    %broadcast_in_dim3A_269 = vector.broadcast %jit3A_267 : f32 to vector<64x512xf32>
    %select_n3A_270 = arith.select %eq3A_258, %broadcast_in_dim3A_268, %broadcast_in_dim3A_269 : vector<64x512xi1>, vector<64x512xf32>
    %add3A_271 = arith.addf %add3A_255, %select_n3A_270 : vector<64x512xf32>
    %eq3A_272 = arith.constant 7.000000e+00 : f32
    %eq3A_273 = vector.broadcast %eq3A_272 : f32 to vector<64x512xf32>
    %eq3A_274 = arith.cmpf oeq, %sub3A_54, %eq3A_273 : vector<64x512xf32>
    %slice3A_275 = vector.extract_strided_slice %get3A_4 {offsets = [11, 0, 0], sizes = [1, 64, 512], strides = [1, 1, 1]} : vector<14x64x512xf32> to vector<1x64x512xf32>
    %squeeze3A_276 = vector.shape_cast %slice3A_275 : vector<1x64x512xf32> to vector<64x512xf32>
    %jit3A_277 = arith.constant 0.000000e+00 : f32
    %broadcast_in_dim3A_278 = vector.broadcast %jit3A_277 : f32 to vector<64x512xf32>
    %select_n3A_279 = arith.select %eq3A_274, %squeeze3A_276, %broadcast_in_dim3A_278 : vector<64x512xi1>, vector<64x512xf32>
    %add3A_280 = arith.addf %add3A_264, %select_n3A_279 : vector<64x512xf32>
    %slice3A_281 = vector.extract_strided_slice %get3A_21 {offsets = [0, 7], sizes = [1, 1], strides = [1, 1]} : vector<1x128xf32> to vector<1x1xf32>
    %squeeze3A_282 = vector.extract %slice3A_281[0, 0] : f32 from vector<1x1xf32>
    %jit3A_283 = arith.constant 0.000000e+00 : f32
    %broadcast_in_dim3A_284 = vector.broadcast %squeeze3A_282 : f32 to vector<64x512xf32>
    %broadcast_in_dim3A_285 = vector.broadcast %jit3A_283 : f32 to vector<64x512xf32>
    %select_n3A_286 = arith.select %eq3A_274, %broadcast_in_dim3A_284, %broadcast_in_dim3A_285 : vector<64x512xi1>, vector<64x512xf32>
    %add3A_287 = arith.addf %add3A_271, %select_n3A_286 : vector<64x512xf32>
    %eq3A_288 = arith.constant 8.000000e+00 : f32
    %eq3A_289 = vector.broadcast %eq3A_288 : f32 to vector<64x512xf32>
    %eq3A_290 = arith.cmpf oeq, %sub3A_54, %eq3A_289 : vector<64x512xf32>
    %slice3A_291 = vector.extract_strided_slice %get3A_4 {offsets = [12, 0, 0], sizes = [1, 64, 512], strides = [1, 1, 1]} : vector<14x64x512xf32> to vector<1x64x512xf32>
    %squeeze3A_292 = vector.shape_cast %slice3A_291 : vector<1x64x512xf32> to vector<64x512xf32>
    %jit3A_293 = arith.constant 0.000000e+00 : f32
    %broadcast_in_dim3A_294 = vector.broadcast %jit3A_293 : f32 to vector<64x512xf32>
    %select_n3A_295 = arith.select %eq3A_290, %squeeze3A_292, %broadcast_in_dim3A_294 : vector<64x512xi1>, vector<64x512xf32>
    %add3A_296 = arith.addf %add3A_280, %select_n3A_295 : vector<64x512xf32>
    %slice3A_297 = vector.extract_strided_slice %get3A_21 {offsets = [0, 8], sizes = [1, 1], strides = [1, 1]} : vector<1x128xf32> to vector<1x1xf32>
    %squeeze3A_298 = vector.extract %slice3A_297[0, 0] : f32 from vector<1x1xf32>
    %jit3A_299 = arith.constant 0.000000e+00 : f32
    %broadcast_in_dim3A_300 = vector.broadcast %squeeze3A_298 : f32 to vector<64x512xf32>
    %broadcast_in_dim3A_301 = vector.broadcast %jit3A_299 : f32 to vector<64x512xf32>
    %select_n3A_302 = arith.select %eq3A_290, %broadcast_in_dim3A_300, %broadcast_in_dim3A_301 : vector<64x512xi1>, vector<64x512xf32>
    %add3A_303 = arith.addf %add3A_287, %select_n3A_302 : vector<64x512xf32>
    %eq3A_304 = arith.constant 9.000000e+00 : f32
    %eq3A_305 = vector.broadcast %eq3A_304 : f32 to vector<64x512xf32>
    %eq3A_306 = arith.cmpf oeq, %sub3A_54, %eq3A_305 : vector<64x512xf32>
    %slice3A_307 = vector.extract_strided_slice %get3A_4 {offsets = [13, 0, 0], sizes = [1, 64, 512], strides = [1, 1, 1]} : vector<14x64x512xf32> to vector<1x64x512xf32>
    %squeeze3A_308 = vector.shape_cast %slice3A_307 : vector<1x64x512xf32> to vector<64x512xf32>
    %jit3A_309 = arith.constant 0.000000e+00 : f32
    %broadcast_in_dim3A_310 = vector.broadcast %jit3A_309 : f32 to vector<64x512xf32>
    %select_n3A_311 = arith.select %eq3A_306, %squeeze3A_308, %broadcast_in_dim3A_310 : vector<64x512xi1>, vector<64x512xf32>
    %add3A_312 = arith.addf %add3A_296, %select_n3A_311 : vector<64x512xf32>
    %slice3A_313 = vector.extract_strided_slice %get3A_21 {offsets = [0, 9], sizes = [1, 1], strides = [1, 1]} : vector<1x128xf32> to vector<1x1xf32>
    %squeeze3A_314 = vector.extract %slice3A_313[0, 0] : f32 from vector<1x1xf32>
    %jit3A_315 = arith.constant 0.000000e+00 : f32
    %broadcast_in_dim3A_316 = vector.broadcast %squeeze3A_314 : f32 to vector<64x512xf32>
    %broadcast_in_dim3A_317 = vector.broadcast %jit3A_315 : f32 to vector<64x512xf32>
    %select_n3A_318 = arith.select %eq3A_306, %broadcast_in_dim3A_316, %broadcast_in_dim3A_317 : vector<64x512xi1>, vector<64x512xf32>
    %add3A_319 = arith.addf %add3A_303, %select_n3A_318 : vector<64x512xf32>
    %sub3A_320 = arith.subf %log3A, %add3A_312 : vector<64x512xf32>
    %mul3A_321 = arith.mulf %add3A_319, %sub3A_320 : vector<64x512xf32>
    %jit3A_322 = arith.constant 0.000000e+00 : f32
    %broadcast_in_dim3A_323 = vector.broadcast %jit3A_322 : f32 to vector<64x512xf32>
    %select_n3A_324 = arith.select %gt3A_52, %mul3A_321, %broadcast_in_dim3A_323 : vector<64x512xi1>, vector<64x512xf32>
    %reduce_sum3A_325 = arith.constant dense<0.000000e+00> : vector<512xf32>
    %reduce_sum3A_326 = vector.multi_reduction <add>, %select_n3A_324, %reduce_sum3A_325 [0] : vector<64x512xf32> to vector<512xf32>
    %broadcast_in_dim3A_327 = vector.shape_cast %reduce_sum3A_326 : vector<512xf32> to vector<1x512xf32>
    %jit3A_328 = arith.constant 0.000000e+00 : f32
    %broadcast_in_dim3A_329 = vector.broadcast %jit3A_328 : f32 to vector<64x512xf32>
    %select_n3A_330 = arith.select %gt3A_52, %add3A_319, %broadcast_in_dim3A_329 : vector<64x512xi1>, vector<64x512xf32>
    %reduce_sum3A_331 = arith.constant dense<0.000000e+00> : vector<512xf32>
    %reduce_sum3A_332 = vector.multi_reduction <add>, %select_n3A_330, %reduce_sum3A_331 [0] : vector<64x512xf32> to vector<512xf32>
    %broadcast_in_dim3A_333 = vector.shape_cast %reduce_sum3A_332 : vector<512xf32> to vector<1x512xf32>
    %add3A_334 = arith.addf %broadcast_in_dim3A_60, %broadcast_in_dim3A_71 : vector<1x512xf32>
    %mul3A_335 = arith.mulf %convert_element_type3A_49, %add3A_334 : vector<1x512xf32>
    %reduce_sum3A_336 = vector.shape_cast %mul3A_335 : vector<1x512xf32> to vector<1x1x512xf32>
    %reduce_sum3A_337 = arith.constant dense<0.000000e+00> : vector<1xf32>
    %reduce_sum3A_338 = vector.multi_reduction <add>, %reduce_sum3A_336, %reduce_sum3A_337 [1, 2] : vector<1x1x512xf32> to vector<1xf32>
    %reduce_sum3A_339 = vector.shape_cast %reduce_sum3A_338 : vector<1xf32> to vector<1x1x1xf32>
    %reduce_sum3A_340 = vector.extract %reduce_sum3A_339[0, 0, 0] : f32 from vector<1x1x1xf32>
    %sub3A_341 = arith.constant 1.000000e+00 : f32
    %sub3A_342 = vector.broadcast %sub3A_341 : f32 to vector<1x512xf32>
    %sub3A_343 = arith.subf %sub3A_342, %convert_element_type3A_49 : vector<1x512xf32>
    %mul3A_344 = arith.mulf %sub3A_343, %broadcast_in_dim3A_60 : vector<1x512xf32>
    %reduce_sum3A_345 = vector.shape_cast %mul3A_344 : vector<1x512xf32> to vector<1x1x512xf32>
    %reduce_sum3A_346 = arith.constant dense<0.000000e+00> : vector<1xf32>
    %reduce_sum3A_347 = vector.multi_reduction <add>, %reduce_sum3A_345, %reduce_sum3A_346 [1, 2] : vector<1x1x512xf32> to vector<1xf32>
    %reduce_sum3A_348 = vector.shape_cast %reduce_sum3A_347 : vector<1xf32> to vector<1x1x1xf32>
    %reduce_sum3A_349 = vector.extract %reduce_sum3A_348[0, 0, 0] : f32 from vector<1x1x1xf32>
    %reduce_sum3A_350 = vector.shape_cast %convert_element_type3A_49 : vector<1x512xf32> to vector<1x1x512xf32>
    %reduce_sum3A_351 = arith.constant dense<0.000000e+00> : vector<1xf32>
    %reduce_sum3A_352 = vector.multi_reduction <add>, %reduce_sum3A_350, %reduce_sum3A_351 [1, 2] : vector<1x1x512xf32> to vector<1xf32>
    %reduce_sum3A_353 = vector.shape_cast %reduce_sum3A_352 : vector<1xf32> to vector<1x1x1xf32>
    %reduce_sum3A_354 = vector.extract %reduce_sum3A_353[0, 0, 0] : f32 from vector<1x1x1xf32>
    %mul3A_355 = arith.mulf %convert_element_type3A_49, %broadcast_in_dim3A_117 : vector<1x512xf32>
    %reduce_sum3A_356 = vector.shape_cast %mul3A_355 : vector<1x512xf32> to vector<1x1x512xf32>
    %reduce_sum3A_357 = arith.constant dense<0.000000e+00> : vector<1xf32>
    %reduce_sum3A_358 = vector.multi_reduction <add>, %reduce_sum3A_356, %reduce_sum3A_357 [1, 2] : vector<1x1x512xf32> to vector<1xf32>
    %reduce_sum3A_359 = vector.shape_cast %reduce_sum3A_358 : vector<1xf32> to vector<1x1x1xf32>
    %reduce_sum3A_360 = vector.extract %reduce_sum3A_359[0, 0, 0] : f32 from vector<1x1x1xf32>
    %mul3A_361 = arith.mulf %convert_element_type3A_49, %broadcast_in_dim3A_327 : vector<1x512xf32>
    %reduce_sum3A_362 = vector.shape_cast %mul3A_361 : vector<1x512xf32> to vector<1x1x512xf32>
    %reduce_sum3A_363 = arith.constant dense<0.000000e+00> : vector<1xf32>
    %reduce_sum3A_364 = vector.multi_reduction <add>, %reduce_sum3A_362, %reduce_sum3A_363 [1, 2] : vector<1x1x512xf32> to vector<1xf32>
    %reduce_sum3A_365 = vector.shape_cast %reduce_sum3A_364 : vector<1xf32> to vector<1x1x1xf32>
    %reduce_sum3A_366 = vector.extract %reduce_sum3A_365[0, 0, 0] : f32 from vector<1x1x1xf32>
    %mul3A_367 = arith.mulf %convert_element_type3A_49, %broadcast_in_dim3A_333 : vector<1x512xf32>
    %reduce_sum3A_368 = vector.shape_cast %mul3A_367 : vector<1x512xf32> to vector<1x1x512xf32>
    %reduce_sum3A_369 = arith.constant dense<0.000000e+00> : vector<1xf32>
    %reduce_sum3A_370 = vector.multi_reduction <add>, %reduce_sum3A_368, %reduce_sum3A_369 [1, 2] : vector<1x1x512xf32> to vector<1xf32>
    %reduce_sum3A_371 = vector.shape_cast %reduce_sum3A_370 : vector<1xf32> to vector<1x1x1xf32>
    %reduce_sum3A_372 = vector.extract %reduce_sum3A_371[0, 0, 0] : f32 from vector<1x1x1xf32>
    %iota3A = tpu.iota {dimensions = array<i32: 1>} : vector<1x128xi32>
    %broadcast_in_dim3A_373 = arith.constant 0.000000e+00 : f32
    %broadcast_in_dim3A_374 = vector.broadcast %broadcast_in_dim3A_373 : f32 to vector<1x128xf32>
    %eq3A_375 = arith.constant 0 : i32
    %eq3A_376 = vector.broadcast %eq3A_375 : i32 to vector<1x128xi32>
    %eq3A_377 = arith.cmpi eq, %iota3A, %eq3A_376 : vector<1x128xi32>
    %jit3A_378 = arith.constant 0.000000e+00 : f32
    %broadcast_in_dim3A_379 = vector.broadcast %reduce_sum3A_340 : f32 to vector<1x128xf32>
    %broadcast_in_dim3A_380 = vector.broadcast %jit3A_378 : f32 to vector<1x128xf32>
    %select_n3A_381 = arith.select %eq3A_377, %broadcast_in_dim3A_379, %broadcast_in_dim3A_380 : vector<1x128xi1>, vector<1x128xf32>
    %add3A_382 = arith.addf %broadcast_in_dim3A_374, %select_n3A_381 : vector<1x128xf32>
    %eq3A_383 = arith.constant 1 : i32
    %eq3A_384 = vector.broadcast %eq3A_383 : i32 to vector<1x128xi32>
    %eq3A_385 = arith.cmpi eq, %iota3A, %eq3A_384 : vector<1x128xi32>
    %jit3A_386 = arith.constant 0.000000e+00 : f32
    %broadcast_in_dim3A_387 = vector.broadcast %reduce_sum3A_349 : f32 to vector<1x128xf32>
    %broadcast_in_dim3A_388 = vector.broadcast %jit3A_386 : f32 to vector<1x128xf32>
    %select_n3A_389 = arith.select %eq3A_385, %broadcast_in_dim3A_387, %broadcast_in_dim3A_388 : vector<1x128xi1>, vector<1x128xf32>
    %add3A_390 = arith.addf %add3A_382, %select_n3A_389 : vector<1x128xf32>
    %eq3A_391 = arith.constant 2 : i32
    %eq3A_392 = vector.broadcast %eq3A_391 : i32 to vector<1x128xi32>
    %eq3A_393 = arith.cmpi eq, %iota3A, %eq3A_392 : vector<1x128xi32>
    %jit3A_394 = arith.constant 0.000000e+00 : f32
    %broadcast_in_dim3A_395 = vector.broadcast %reduce_sum3A_354 : f32 to vector<1x128xf32>
    %broadcast_in_dim3A_396 = vector.broadcast %jit3A_394 : f32 to vector<1x128xf32>
    %select_n3A_397 = arith.select %eq3A_393, %broadcast_in_dim3A_395, %broadcast_in_dim3A_396 : vector<1x128xi1>, vector<1x128xf32>
    %add3A_398 = arith.addf %add3A_390, %select_n3A_397 : vector<1x128xf32>
    %eq3A_399 = arith.constant 3 : i32
    %eq3A_400 = vector.broadcast %eq3A_399 : i32 to vector<1x128xi32>
    %eq3A_401 = arith.cmpi eq, %iota3A, %eq3A_400 : vector<1x128xi32>
    %jit3A_402 = arith.constant 0.000000e+00 : f32
    %broadcast_in_dim3A_403 = vector.broadcast %reduce_sum3A_360 : f32 to vector<1x128xf32>
    %broadcast_in_dim3A_404 = vector.broadcast %jit3A_402 : f32 to vector<1x128xf32>
    %select_n3A_405 = arith.select %eq3A_401, %broadcast_in_dim3A_403, %broadcast_in_dim3A_404 : vector<1x128xi1>, vector<1x128xf32>
    %add3A_406 = arith.addf %add3A_398, %select_n3A_405 : vector<1x128xf32>
    %eq3A_407 = arith.constant 4 : i32
    %eq3A_408 = vector.broadcast %eq3A_407 : i32 to vector<1x128xi32>
    %eq3A_409 = arith.cmpi eq, %iota3A, %eq3A_408 : vector<1x128xi32>
    %jit3A_410 = arith.constant 0.000000e+00 : f32
    %broadcast_in_dim3A_411 = vector.broadcast %reduce_sum3A_366 : f32 to vector<1x128xf32>
    %broadcast_in_dim3A_412 = vector.broadcast %jit3A_410 : f32 to vector<1x128xf32>
    %select_n3A_413 = arith.select %eq3A_409, %broadcast_in_dim3A_411, %broadcast_in_dim3A_412 : vector<1x128xi1>, vector<1x128xf32>
    %add3A_414 = arith.addf %add3A_406, %select_n3A_413 : vector<1x128xf32>
    %eq3A_415 = arith.constant 5 : i32
    %eq3A_416 = vector.broadcast %eq3A_415 : i32 to vector<1x128xi32>
    %eq3A_417 = arith.cmpi eq, %iota3A, %eq3A_416 : vector<1x128xi32>
    %jit3A_418 = arith.constant 0.000000e+00 : f32
    %broadcast_in_dim3A_419 = vector.broadcast %reduce_sum3A_372 : f32 to vector<1x128xf32>
    %broadcast_in_dim3A_420 = vector.broadcast %jit3A_418 : f32 to vector<1x128xf32>
    %select_n3A_421 = arith.select %eq3A_417, %broadcast_in_dim3A_419, %broadcast_in_dim3A_420 : vector<1x128xi1>, vector<1x128xf32>
    %add3A_422 = arith.addf %add3A_414, %select_n3A_421 : vector<1x128xf32>
    %eq3A_423 = arith.constant 0 : i32
    %eq3A_424 = arith.cmpi eq, %arg0, %eq3A_423 : i32
    %convert_element_type3A_425 = arith.extui %eq3A_424 : i1 to i32
    %cond3A = arith.constant 0 : i32
    %cond3A_426 = arith.cmpi ne, %convert_element_type3A_425, %cond3A : i32
    scf.if %cond3A_426 {
      %broadcast_in_dim3A_433 = arith.constant 0.000000e+00 : f32
      %broadcast_in_dim3A_434 = vector.broadcast %broadcast_in_dim3A_433 : f32 to vector<1x128xf32>
      %swap3A_435 = arith.constant 0 : index
      %swap3A_436 = arith.constant 0 : index
      %swap3A_437 = vector.load %arg8[%swap3A_435, %swap3A_436] : memref<1x128xf32, #tpu.memory_space<vmem>>, vector<1x128xf32>
      tpu.vector_store %arg8[%swap3A_435, %swap3A_436], %broadcast_in_dim3A_434 {strides = array<i32>} : memref<1x128xf32, #tpu.memory_space<vmem>>, vector<1x128xf32>,
    } else {
    }
    %get3A_427 = arith.constant 0 : index
    %get3A_428 = arith.constant 0 : index
    %get3A_429 = vector.load %arg8[%get3A_427, %get3A_428] : memref<1x128xf32, #tpu.memory_space<vmem>>, vector<1x128xf32>
    %add3A_430 = arith.addf %get3A_429, %add3A_422 : vector<1x128xf32>
    %swap3A = arith.constant 0 : index
    %swap3A_431 = arith.constant 0 : index
    %swap3A_432 = vector.load %arg8[%swap3A, %swap3A_431] : memref<1x128xf32, #tpu.memory_space<vmem>>, vector<1x128xf32>
    tpu.vector_store %arg8[%swap3A, %swap3A_431], %add3A_430 {strides = array<i32>} : memref<1x128xf32, #tpu.memory_space<vmem>>, vector<1x128xf32>,
    return
  }
  func.func @transform_0(%arg0: i32) -> (i32, i32, i32, i32) {
    %c0_i32 = arith.constant 0 : i32
    %c0_i32_0 = arith.constant 0 : i32
    %c0_i32_1 = arith.constant 0 : i32
    %c0_i32_2 = arith.constant 0 : i32
    return %arg0, %c0_i32, %c0_i32_0, %c0_i32_1 : i32, i32, i32, i32
  }
  func.func @transform_1(%arg0: i32) -> (i32, i32, i32, i32) {
    %c0_i32 = arith.constant 0 : i32
    %c0_i32_0 = arith.constant 0 : i32
    %c0_i32_1 = arith.constant 0 : i32
    %c0_i32_2 = arith.constant 0 : i32
    return %arg0, %c0_i32, %c0_i32_0, %c0_i32_1 : i32, i32, i32, i32
  }
  func.func @transform_2(%arg0: i32) -> (i32, i32, i32) {
    %c0_i32 = arith.constant 0 : i32
    %c0_i32_0 = arith.constant 0 : i32
    %c0_i32_1 = arith.constant 0 : i32
    return %arg0, %c0_i32, %c0_i32_0 : i32, i32, i32
  }
  func.func @transform_3(%arg0: i32) -> (i32, i32, i32) {
    %c0_i32 = arith.constant 0 : i32
    %c0_i32_0 = arith.constant 0 : i32
    %c0_i32_1 = arith.constant 0 : i32
    return %arg0, %c0_i32, %c0_i32_0 : i32, i32, i32
  }
  func.func @transform_4(%arg0: i32) -> (i32, i32, i32) {
    %c0_i32 = arith.constant 0 : i32
    %c0_i32_0 = arith.constant 0 : i32
    %c0_i32_1 = arith.constant 0 : i32
    return %arg0, %c0_i32, %c0_i32_0 : i32, i32, i32
  }
  func.func @transform_5(%arg0: i32) -> (i32, i32, i32) {
    %c0_i32 = arith.constant 0 : i32
    %c0_i32_0 = arith.constant 0 : i32
    %c0_i32_1 = arith.constant 0 : i32
    return %arg0, %c0_i32, %c0_i32_0 : i32, i32, i32
  }
  func.func @transform_6(%arg0: i32) -> (i32, i32) {
    %c0_i32 = arith.constant 0 : i32
    %c0_i32_0 = arith.constant 0 : i32
    %c0_i32_1 = arith.constant 0 : i32
    return %c0_i32, %c0_i32_0 : i32, i32
  }
  func.func @transform_7(%arg0: i32) -> (i32, i32) {
    %c0_i32 = arith.constant 0 : i32
    %c0_i32_0 = arith.constant 0 : i32
    %c0_i32_1 = arith.constant 0 : i32
    return %c0_i32, %c0_i32_0 : i32, i32
  }
}

</mosaic_0001>

<sc_bundles>
// kernel: kernel.4.cloned.1.call-start
scs
__scs_entry_jumppad:
0x0: {  	(pc) =	sbr.rel $0x88, $3  }
0x1: {  	(tag) =	ssettag $0x0;
	lr =	simm.s32 $0x1  }
0x2: {  	[smem:$0x3F9D] =	sst lr;
	_ =	strace $0xD0000000  }
0x3: {  	_ = 	snop  }
0x4: {  	_ = 	snop  }
0x5: {  	_ = 	snop  }
0x6: {  	_ = 	snop  }
0x7: {  	_ = 	snop  }
__scs_overlays_trampoline_lowered:
0x8: {  	[smem:$0x3FAC] =	sst s0  }
0x9: {  	[smem:$0x3FAD] =	sst s1  }
0xa: {  	[smem:$0x3FAE] =	sst s2  }
0xb: {  	[smem:$0x3FAF] =	sst s3  }
0xc: {  	[smem:$0x3FB0] =	sst s4  }
0xd: {  	[smem:$0x3FB1] =	sst s5  }
0xe: {  	[smem:$0x3FB2] =	sst s6  }
0xf: {  	[smem:$0x3FB3] =	sst s7  }
0x10: {  	[smem:$0x3FB4] =	sst s8  }
0x11: {  	[smem:$0x3FB5] =	sst s9;
	s0 =	simm.s32 @!p0 $0x0  }
0x12: {  	s1 =	sld [smem:$0x3F9B];
	s0 =	simm.s32 @p0 $0x1  }
0x13: {  	[smem:$0x3FB6] =	sst s0;
	s0 =	simm.s32 @!p1 $0x0  }
0x14: {  	s2 =	sld [smem:$0x3F9A];
	s0 =	simm.s32 @p1 $0x1  }
0x15: {  	[smem:$0x3FB7] =	sst s0;
	s0 =	simm.s32 @!p2 $0x0  }
0x16: {  	s3 =	sld [smem:$0x3FDB];
	s0 =	simm.s32 @p2 $0x1  }
0x17: {  	s4 =	simm.s32 $0x1BF5;
	[smem:$0x3FB9] =	sst s0  }
0x18: {  	s0 =	sld [smem:$0x3F9C];
	_ =	swait.ge [sflag:s4], $0x0  }
0x19: {  	s7 =	sld [smem:$0x3F9D]  }
0x1a: {  	s8 =	sadd.s32 $0xFFFFE003, lr  }
0x1b: {  	s9 =	sadd.s32 $0xFFFFFEF7, lr;
	s5 =	simm.s32 $0xFFFFFFFF;
	p2 =	slt.u32 s8, $0xFFFFF086  }
0x1c: {  	p1 =	slt.u32 s9, $0xF7A;
	s5 =	simm.s32 @!p2 $0x0  }
0x1d: {  	s5 =	simm.s32 @p1 $0x1;
	p0 =	seq.s32 s7, s2  }
0x1e: {  	s7 =	smul.u32 @!p0 $0xF7A, s2;
	p2 =	seq.s32 @!p0 s5, $0x0  }
0x1f: {  	s9 =	smul.u32 $0xF7A, s1;
	s8 =	simm.s32 @!p0 $0x1BF5;
	p2 =	por !p2, p0  }
0x20: {  	[sflag:s8] =	ssyncset.s32 @!p0 $0xFFFFF086;
	s6 =	sadd.s32 @!p0 s3, s7;
	s7 =	simm.s32 @!p0 $0x108  }
0x21: {  	s3 =	sadd.s32 s3, s9;
	s6 =	sadd.s32 @!p0 $0x88, s6;
	s7 =	simm.s32 @p2 $0x1082  }
0x22: {  	[simem:s7], [sflag:s8] =	dma.local @!p0 [hbm:s6], $0xF7A  }
0x23: {  	s9 =	sor.u32 $0xD0000000, s2;
	s6 =	simm.s32 $0x108;
	_ =	swait.ge @!p0 [sflag:s8], $0x0  }
0x24: {  	s3 =	sadd.s32 $0x88, s3;
	s6 =	simm.s32 @!p1 $0x1082;
	[sflag:s4] =	ssyncset.s32 $0xFFFFF086  }
0x25: {  	[simem:s6], [sflag:s4] =	dma.local [hbm:s3], $0xF7A  }
0x26: {  	[smem:$0x3F9D] =	sst s1;
	(tag) =	ssettag s2;
	_ =	strace s9  }
0x27: {  	s1 =	sld [smem:$0x3FAD]  }
0x28: {  	s2 =	sld [smem:$0x3FAE]  }
0x29: {  	s4 =	sld [smem:$0x3FB0]  }
0x2a: {  	p0 =	seq.s32 s5, $0x0;
	s5 =	sld [smem:$0x3FB1]  }
0x2b: {  	s6 =	sld [smem:$0x3FB2]  }
0x2c: {  	s7 =	sld [smem:$0x3FB3]  }
0x2d: {  	s3 =	simm.s32 $0x108;
	s8 =	sld [smem:$0x3FB4]  }
0x2e: {  	s3 =	simm.s32 @!p0 $0x1082;
	s9 =	sld [smem:$0x3FB5]  }
0x2f: {  	lr =	sadd.s32 s0, s3;
	s0 =	sld [smem:$0x3FAC]  }
0x30: {  	s3 =	sld [smem:$0x3FAF]  }
0x31: {  	[smem:$0x3FB8] =	sst s10  }
0x32: {  	s10 =	sld [smem:$0x3FB6];
	_ =	sdelay $0x3  }
0x33: {  	p0 =	seq.s32 s10, $0x1;
	s10 =	sld [smem:$0x3FB8];
	_ =	sdelay $0x3  }
0x34: {  	[smem:$0x3FB8] =	sst s10  }
0x35: {  	s10 =	sld [smem:$0x3FB7];
	_ =	sdelay $0x3  }
0x36: {  	p1 =	seq.s32 s10, $0x1;
	s10 =	sld [smem:$0x3FB8];
	_ =	sdelay $0x3  }
0x37: {  	[smem:$0x3FB8] =	sst s10  }
0x38: {  	s10 =	sld [smem:$0x3FB9]  }
0x39: {  	_ = 	snop;
	(pc) =	sbr.ind lr, $3  }
0x3a: {  	_ = 	snop  }
0x3b: {  	_ = 	snop  }
0x3c: {  	p2 =	seq.s32 s10, $0x1;
	s10 =	sld [smem:$0x3FB8]  }
0x3d: {  	_ =	shalt  }
0x3e: {  	_ =	shalt  }
0x3f: {  	_ =	shalt  }
0x40: {  	_ =	shalt  }
0x41: {  	_ =	shalt  }
0x42: {  	_ =	shalt  }
0x43: {  	_ =	shalt  }
0x44: {  	_ =	shalt  }
0x45: {  	_ =	shalt  }
0x46: {  	_ =	shalt  }
0x47: {  	_ =	shalt  }
0x48: {  	_ =	shalt  }
0x49: {  	_ =	shalt  }
0x4a: {  	_ =	shalt  }
0x4b: {  	_ =	shalt  }
0x4c: {  	_ =	shalt  }
0x4d: {  	_ =	shalt  }
0x4e: {  	_ =	shalt  }
0x4f: {  	_ =	shalt  }
0x50: {  	_ =	shalt  }
0x51: {  	_ =	shalt  }
0x52: {  	_ =	shalt  }
0x53: {  	_ =	shalt  }
0x54: {  	_ =	shalt  }
0x55: {  	_ =	shalt  }
0x56: {  	_ =	shalt  }
0x57: {  	_ =	shalt  }
0x58: {  	_ =	shalt  }
0x59: {  	_ =	shalt  }
0x5a: {  	_ =	shalt  }
0x5b: {  	_ =	shalt  }
0x5c: {  	_ =	shalt  }
0x5d: {  	_ =	shalt  }
0x5e: {  	_ =	shalt  }
0x5f: {  	_ =	shalt  }
0x60: {  	_ =	shalt  }
0x61: {  	_ =	shalt  }
0x62: {  	_ =	shalt  }
0x63: {  	_ =	shalt  }
0x64: {  	_ =	shalt  }
0x65: {  	_ =	shalt  }
0x66: {  	_ =	shalt  }
0x67: {  	_ =	shalt  }
0x68: {  	_ =	shalt  }
0x69: {  	_ =	shalt  }
0x6a: {  	_ =	shalt  }
0x6b: {  	_ =	shalt  }
0x6c: {  	_ =	shalt  }
0x6d: {  	_ =	shalt  }
0x6e: {  	_ =	shalt  }
0x6f: {  	_ =	shalt  }
0x70: {  	_ =	shalt  }
0x71: {  	_ =	shalt  }
0x72: {  	_ =	shalt  }
0x73: {  	_ =	shalt  }
0x74: {  	_ =	shalt  }
0x75: {  	_ =	shalt  }
0x76: {  	_ =	shalt  }
0x77: {  	_ =	shalt  }
0x78: {  	_ =	shalt  }
0x79: {  	_ =	shalt  }
0x7a: {  	_ =	shalt  }
0x7b: {  	_ =	shalt  }
0x7c: {  	_ =	shalt  }
0x7d: {  	_ =	shalt  }
0x7e: {  	_ =	shalt  }
0x7f: {  	_ =	shalt  }
0x80: {  	_ =	shalt  }
0x81: {  	_ =	shalt  }
0x82: {  	_ =	shalt  }
0x83: {  	_ =	shalt  }
0x84: {  	_ =	shalt  }
0x85: {  	_ =	shalt  }
0x86: {  	_ =	shalt  }
0x87: {  	_ =	shalt  }
.Lfunc_end0:
.L_simem_size_0:
called_computation_lowered:
.L_overlay_start_0:
0x88: {  	s2 =	sld [smem:$0x3FD9]  }
0x89: {  	s3 =	sld [smem:$0x3FFE];
	_ =	sdelay $0x1  }
0x8a: {  	s1 =	srdreg.scid  }
0x8b: {  	s0 =	sand.u32 $0x1, s1  }
0x8c: {  	s16 =	sshll.u32 s0, $0xA;
	s2 =	sadd.s32 s3, s2  }
0x8d: {  	s2 =	sadd.s32 s2, s16  }
0x8e: {  	[smem:$0x3FC4] =	sst s2  }
0x8f: {  	_ = 	snop  }
0x90: {  	(tm) =	ssettm $0x1  }
0x91: {  	s17 =	sld [smem:$0x3FFB];
	_ =	sdelay $0x3  }
0x92: {  	_ =	strace s17  }
0x93: {  	s2 =	sld [smem:$0x3FFC];
	_ =	sdelay $0x3  }
0x94: {  	_ =	strace s2  }
0x95: {  	s2 =	sld [smem:$0x3FFD];
	_ =	sdelay $0x3  }
0x96: {  	_ =	strace s2  }
0x97: {  	_ =	strace $0x8FFFFFFF  }
0x98: {  	s18 =	sld [smem:$0x3FDB];
	_ =	sdelay $0x1  }
0x99: {  	s19 =	simm.s32 $_scs_section_size  }
0x9a: {  	s4 =	simm.s32 $_size__tile_overlayer_lowered;
	s5 =	simm.s32 $_tile_overlayer_lowered  }
0x9b: {  	s22 =	simm.s32 $0x1BFF;
	s21 =	sshll.u32 s5, $0x1;
	s2 =	sadd.s32 s19, s18  }
0x9c: {  	s6 =	simm.s32 $0x0;
	s20 =	sshll.u32 s4, $0x1;
	s4 =	sadd.s32 s21, s2  }
0x9d: {  	[timem:s6], [sflag:s22] =	dma.local [hbm:s4], s20  }
0x9e: {  	_ =	swait.ge [sflag:s22], s20  }
0x9f: {  	s3 =	ssub.s32 $0x0, s20;
	[sflag:s22] =	ssyncset.done $0x0  }
0xa0: {  	[sflag:s22] =	ssyncadd.s32 s3;
	_ =	sdelay $0x1  }
0xa1: {  	s23 =	simm.s32 $0x1B8B  }
0xa2: {  	_ =	swait.ge [sflag:s23], $0x1  }
0xa3: {  	[sflag:s23] =	ssyncset.done $0x0  }
0xa4: {  	s25 =	simm.s32 $0x1B8E;
	s24 =	sld [smem:$0x3FFE];
	[sflag:s23] =	ssyncadd.s32 $0xFFFFFFFF  }
0xa5: {  	s26 =	simm.s32 $execute0_lowered;
	[smem:$0x3FD2] =	sst s25  }
0xa6: {  	s4 =	sshll.u32 s26, $0x1;
	_ =	strace $0x80000046;
	[dreg:$0x1] =	wrdreg $0xFFFFFFFF  }
0xa7: {  	s28 =	simm.s32 $_size_execute0_lowered;
	s2 =	sadd.s32 s2, s4;
	[dreg:$0x0] =	wrdreg $0x0  }
0xa8: {  	s4 =	sshll.u32 s28, $0x1;
	[dreg:$0x2] =	wrdreg s2  }
0xa9: {  	[dreg:$0x3] =	wrdreg s4  }
0xaa: {  	[dreg:$0x4] =	wrdreg $0xC0  }
0xab: {  	_ =	task [dreg:s6], $0x5FFFF  }
0xac: {  	[dreg:$0x1] =	wrdreg $0xFFFFFFFF  }
0xad: {  	[dreg:$0x0] =	wrdreg $0x60  }
0xae: {  	[dreg:$0x2] =	wrdreg s24  }
0xaf: {  	[dreg:$0x3] =	wrdreg $0x9  }
0xb0: {  	_ =	task.clear_ibuf [dreg:s6], $0x4FFFF;
	_ =	strace $0x90000046  }
0xb1: {  	s29 =	simm.s32 $0x9;
	_ =	strace $0x80000048  }
0xb2: {  	_ =	swait.ge [sflag:s29], $0x1  }
0xb3: {  	[sflag:s29] =	ssyncadd.s32 $0xFFFFFFFF  }
0xb4: {  	_ =	strace $0x90000048  }
0xb5: {  	_ =	sfence  }
0xb6: {  	s30 =	sld [smem:$0x0];
	_ =	sdelay $0x2  }
0xb7: {  	s31 =	sshll.u32 s1, $0xD;
	s1 =	sshrl.u32 s1, $0x2  }
0xb8: {  	s3 =	sand.u32 $0x4000, s31;
	s1 =	sadd.s32 s1, s30  }
0xb9: {  	s0 =	sor.u32 s3, s0;
	s1 =	sshll.u32 s1, $0x11  }
0xba: {  	s0 =	sor.u32 s1, s0  }
0xbb: {  	s0 =	sadd.s32 $0x8F2B, s0  }
0xbc: {  	[sflag:s0] =	ssyncadd.remote.s32 $0x1  }
0xbd: {  	_ =	sfence.sel $0xFFFF  }
0xbe: {  	[dreg:$0x0] =	wrdreg $0xFFFFFFFF;
	(pc) =	sbr.abs _section_cstart, $3  }
0xbf: {  	[dreg:$0x1] =	wrdreg $0xFFFFFFFF  }
0xc0: {  	_ =	task.clear_ibuf [dreg:s6], $0x2FFFF;
	_ =	strace $0x9FFFFFFF  }
0xc1: {  	(tm) =	ssettm $0x7FFFFFFF  }
tec
execute0_lowered:
.L_overlay_start_1:
0x0: {  	(tag) =	ssettag $0x1  }
0x1: {  	s0 =	rddreg [dreg:$0x0]  }
0x2: {  	s2 =	simm.s32 $0x0;
	s1 =	srdreg.scid;
	s3 =	stileid.u32  }
0x3: {  	s16 =	simm.s32 $0x1;
	s17 =	simm.s32 $0x8000;
	s18 =	simm.s32 $0x10000  }
0x4: {  	s19 =	simm.s32 $0x18000;
	s28 =	simm.s32 $0x1A800;
	s29 =	simm.s32 $0x0  }
0x5: {  	[smem:$0x7FF] =	sst s2;
	s1 =	sand.u32 $0x1, s1;
	s4 =	sshll.u32 s3, $0x1  }
0x6: {  	s7 =	sadd.s32 $0xC00, s0;
	s8 =	sadd.s32 $0x60C00, s0;
	s9 =	sor.u32 s1, s4  }
0x7: {  	s3 =	sadd.s32 $0x6AC00, s0;
	s5 =	sadd.s32 $0xAAC00, s0;
	s10 =	smul.u32 $0x18000, s9  }
0x8: {  	s6 =	sadd.s32 $0xCAC00, s0;
	_ =	strace $0x80000047;
	s23 =	smul.u32 $0x3000, s9  }
0x9: {  	s4 =	sadd.s32 $0x8AC00, s0;
	s22 =	ssub.s32 $0x2, s1;
	s12 =	smul.u32 $0x2800, s9  }
0xa: {  	v0 =	vlaneseq.u32;
	s11 =	sshrl.u32 s22, $0x1;
	s24 =	smul.u32 $0x500, s9;
	s14 =	sshll.u32 s9, $0xC  }
0xb: {  	v1 =	vimm.f32 $0.0e+00;
	v21 =	vimm.f32 $1.000000020e+30;
	v2 =	vor.u32 $0x200, v0;
	s0 =	ssub.s32 s22, s11;
	s10 =	sshrl.u32 s10, $0x3;
	s1 =	sadd.s32 s7, s23  }
0xc: {  	v3 =	vor.u32 $0x400, v0;
	v4 =	vor.u32 $0x600, v0;
	v5 =	vor.u32 $0x800, v0;
	s26 =	sshrl.u32 s12, $0x3;
	s31 =	sadd.s32 s8, s24;
	s15 =	smax.u32 s0, $0x1  }
0xd: {  	v6 =	vor.u32 $0xA00, v0;
	v7 =	vor.u32 $0xC00, v0;
	v8 =	vor.u32 $0xE00, v0;
	s23 =	simm.s32 $0x1BC00;
	s24 =	simm.s32 $0x1CC00;
	[dreg:$0x2] =	wrdreg s1  }
0xe: {  	v9 =	vor.u32 $0x1000, v0;
	v10 =	vor.u32 $0x1200, v0;
	v11 =	vor.u32 $0x1400, v0;
	s10 =	sadd.s32 s7, s10;
	[dreg:$0x5] =	wrdreg s31;
	s1 =	sadd.s32 s8, s26  }
0xf: {  	v12 =	vor.u32 $0x1600, v0;
	v13 =	vor.u32 $0x1800, v0;
	v14 =	vor.u32 $0x1A00, v0;
	s26 =	simm.s32 $0x1EC00;
	s25 =	sadd.s32 $0x1000, s10;
	s30 =	sadd.s32 $0x2000, s10  }
0x10: {  	v15 =	vor.u32 $0x1C00, v0;
	v16 =	vor.u32 $0x10, v0;
	v17 =	vor.u32 $0x20, v0;
	s11 =	sadd.s32 $0x140, s1;
	s12 =	sadd.s32 $0x280, s1;
	[dreg:$0x3] =	wrdreg s25  }
0x11: {  	v18 =	vor.u32 $0x30, v0;
	v19 =	vor.u32 $0x40, v0;
	v20 =	vmul.u32 $0x40, v0;
	s13 =	sadd.s32 $0x3C0, s1;
	[dreg:$0x4] =	wrdreg s30;
	s25 =	simm.s32 $0x1DC00  }
.LBB2_1:
0x12: {  	s0 =	rddreg [dreg:$0x2]  }
0x13: {  	[tilespmem:s2], [sflag:$0x1] =	stream.linear.gather [hbm4b:s0+s2], $0x8000, $0x38;
	[tilespmem:$0x1FC00] =	vst v63  }
0x14: {  	_ =	swait.ge [sflag:s16], $0x8000  }
0x15: {  	[sflag:s16] =	ssyncset.done $0x0  }
0x16: {  	s9 =	rddreg [dreg:$0x3];
	[sflag:s16] =	ssyncadd.s32 $0xFFFF8000  }
0x17: {  	[tilespmem:s17], [sflag:$0x1] =	stream.linear.gather [hbm4b:s9+s2], $0x8000, $0x38;
	[tilespmem:$0x1FC00] =	vst v63  }
0x18: {  	_ =	swait.ge [sflag:s16], $0x8000  }
0x19: {  	[sflag:s16] =	ssyncset.done $0x0  }
0x1a: {  	s10 =	rddreg [dreg:$0x4];
	[sflag:s16] =	ssyncadd.s32 $0xFFFF8000  }
0x1b: {  	[tilespmem:s18], [sflag:$0x1] =	stream.linear.gather [hbm4b:s10+s2], $0x8000, $0x38;
	[tilespmem:$0x1FC00] =	vst v63  }
0x1c: {  	_ =	swait.ge [sflag:s16], $0x8000  }
0x1d: {  	[sflag:s16] =	ssyncset.done $0x0  }
0x1e: {  	s20 =	rddreg [dreg:$0x5];
	[sflag:s16] =	ssyncadd.s32 $0xFFFF8000  }
0x1f: {  	[tilespmem:s19], [sflag:$0x1] =	stream.linear.gather [hbm4b:s20+s2], $0xA00, $0x38;
	[tilespmem:$0x1FC00] =	vst v63  }
0x20: {  	_ =	swait.ge [sflag:s16], $0xA00  }
0x21: {  	[sflag:s16] =	ssyncset.done $0x0  }
0x22: {  	s21 =	simm.s32 $0x18A00;
	[sflag:s16] =	ssyncadd.s32 $0xFFFFF600  }
0x23: {  	[tilespmem:s21], [sflag:$0x1] =	stream.linear.gather [hbm4b:s11+s2], $0xA00, $0x38;
	[tilespmem:$0x1FC00] =	vst v63  }
0x24: {  	_ =	swait.ge [sflag:s16], $0xA00  }
0x25: {  	[sflag:s16] =	ssyncset.done $0x0  }
0x26: {  	s22 =	simm.s32 $0x19400;
	[sflag:s16] =	ssyncadd.s32 $0xFFFFF600  }
0x27: {  	[tilespmem:s22], [sflag:$0x1] =	stream.linear.gather [hbm4b:s12+s2], $0xA00, $0x38;
	[tilespmem:$0x1FC00] =	vst v63  }
0x28: {  	_ =	swait.ge [sflag:s16], $0xA00  }
0x29: {  	[sflag:s16] =	ssyncset.done $0x0  }
0x2a: {  	s31 =	simm.s32 $0x19E00;
	[sflag:s16] =	ssyncadd.s32 $0xFFFFF600  }
0x2b: {  	[tilespmem:s31], [sflag:$0x1] =	stream.linear.gather [hbm4b:s13+s2], $0xA00, $0x38;
	[tilespmem:$0x1FC00] =	vst v63  }
0x2c: {  	_ =	swait.ge [sflag:s16], $0xA00  }
0x2d: {  	[sflag:s16] =	ssyncset.done $0x0  }
0x2e: {  	s30 =	simm.s32 $0x0;
	[sflag:s16] =	ssyncadd.s32 $0xFFFFF600  }
.LBB2_2:
0x2f: {  	s0 =	simm.s32 $0x0  }
0x30: {  	v22 =	vor.u32 s0, v0;
	_ =	sdelay $0x3  }
0x31: {  	v23 =	vmov v22  }
0x32: {  	s0 =	simm.s32 $0x10;
	[tilespmem:v22+s23+$0x0] =	vst.idx.msk $0xffff, v1  }
.LBB2_3:
0x33: {  	v24 =	vor.u32 s0, v0;
	p0 =	seq.s32 s0, $0xFF0  }
.Ltmp0:
0x34: {  	(pc) =	sbr.rel @!p0 .LBB2_3-.Ltmp0, $4  }
0x35: {  	[tilespmem:v22+s24+$0x0] =	vst.idx.msk $0xffff, v1;
	v22 =	vmov v24  }
0x36: {  	[tilespmem:v23+s25+$0x0] =	vst.idx.msk $0xffff, v1  }
0x37: {  	[tilespmem:v23+s26+$0x0] =	vst.idx.msk $0xffff, v1;
	v23 =	vmov v24  }
0x38: {  	s0 =	sadd.s32 $0x10, s0;
	[tilespmem:v24+s23+$0x0] =	vst.idx.msk $0xffff, v1  }
0x39: {  	_ =	sdelay $0x3  }
0x3a: {  	[tilespmem:v22+s24+$0x0] =	vst.idx.msk $0xffff, v1  }
0x3b: {  	[tilespmem:v23+s25+$0x0] =	vst.idx.msk $0xffff, v1  }
0x3c: {  	s31 =	sshll.u32 s30, $0x6;
	s0 =	simm.s32 $0x0;
	s1 =	simm.s32 $0x0;
	[tilespmem:v23+s26+$0x0] =	vst.idx.msk $0xffff, v1  }
.LBB2_5:
0x3d: {  	s20 =	sshll.u32 s1, $0x4  }
0x3e: {  	s7 =	sadd.s32 s31, s20  }
0x3f: {  	v22 =	vor.u32 s7, v0  }
0x40: {  	v24 =	vor.u32 s7, v2  }
0x41: {  	v25 =	vor.u32 s7, v3  }
0x42: {  	v26 =	vor.u32 s7, v6  }
0x43: {  	v27 =	vor.u32 s7, v7  }
0x44: {  	v28 =	vor.u32 s7, v8;
	v23 =	vld.idx.msk [tilespmem:v22+s19+$0x0], $0xffff  }
0x45: {  	v29 =	vor.u32 s7, v11;
	v24 =	vld.idx.msk [tilespmem:v24+s19+$0x0], $0xffff  }
0x46: {  	v31 =	vor.u32 s0, v22;
	v25 =	vld.idx.msk [tilespmem:v25+s19+$0x0], $0xffff  }
0x47: {  	v26 =	vld.idx.msk [tilespmem:v26+s19+$0x0], $0xffff  }
0x48: {  	v27 =	vld.idx.msk [tilespmem:v27+s19+$0x0], $0xffff  }
0x49: {  	v32 =	vor.u32 s7, v4;
	v28 =	vld.idx.msk [tilespmem:v28+s19+$0x0], $0xffff  }
0x4a: {  	v34 =	vor.u32 s7, v9;
	v30 =	vld.idx.msk [tilespmem:v29+s19+$0x0], $0xffff  }
0x4b: {  	v36 =	vor.u32 s7, v5;
	v54 =	vld.idx.msk [tilespmem:v31+s17+$0x0], $0xffff  }
0x4c: {  	v35 =	vor.u32 s7, v12;
	v41 =	vld.idx.msk [tilespmem:v31+s18+$0x0], $0xffff  }
0x4d: {  	v38 =	vor.u32 s7, v10;
	v43 =	vld.idx.msk [tilespmem:v31+s0+$0x0], $0xffff  }
0x4e: {  	v37 =	vor.u32 s7, v13;
	v33 =	vld.idx.msk [tilespmem:v32+s19+$0x0], $0xffff  }
0x4f: {  	v39 =	vadd.s32 s0, v16;
	v40 =	vor.u32 s7, v14;
	v34 =	vld.idx.msk [tilespmem:v34+s19+$0x0], $0xffff  }
0x50: {  	v42 =	vor.u32 s0, v0;
	v51 =	vor.u32 s7, v15;
	v36 =	vld.idx.msk [tilespmem:v36+s19+$0x0], $0xffff;
	v45 =	vsub.f32 v54, v26  }
0x51: {  	v29 =	vadd.s32 s0, v17;
	v35 =	vld.idx.msk [tilespmem:v35+s19+$0x0], $0xffff;
	v44 =	vsub.f32 v54, v27;
	v52 =	vsub.f32 v41, v30  }
0x52: {  	v32 =	vadd.s32 s0, v18;
	v38 =	vld.idx.msk [tilespmem:v38+s19+$0x0], $0xffff;
	v46 =	vsub.f32 v54, v28;
	v47 =	vsub.f32 v43, v23  }
0x53: {  	v37 =	vld.idx.msk [tilespmem:v37+s19+$0x0], $0xffff;
	v31 =	vadd.s32 s0, v19;
	v48 =	vsub.f32 v43, v24;
	v49 =	vsub.f32 v43, v25  }
0x54: {  	v40 =	vld.idx.msk [tilespmem:v40+s19+$0x0], $0xffff;
	v50 =	vsub.f32 v43, v33;
	v53 =	vsub.f32 v54, v34;
	v44 =	vmul.f32 v44, v44  }
0x55: {  	v43 =	vsub.f32 v43, v36;
	v45 =	vmul.f32 v45, v45;
	v47 =	vmul.f32 v47, v47  }
0x56: {  	v55 =	vsub.f32 v41, v35;
	v46 =	vmul.f32 v46, v46;
	v63 =	vmul.f32 v53, v53  }
0x57: {  	v54 =	vsub.f32 v54, v38;
	v53 =	vmul.f32 v48, v48;
	v48 =	vmul.f32 v43, v43;
	v43 =	vld.idx.msk [tilespmem:v51+s19+$0x0], $0xffff  }
0x58: {  	v56 =	vmul.f32 v49, v49;
	v57 =	vmul.f32 v50, v50;
	v50 =	vsub.f32 v41, v37  }
0x59: {  	v49 =	vmul.f32 v55, v55;
	v51 =	vsub.f32 v41, v40;
	v47 =	vadd.f32 v45, v47  }
0x5a: {  	s8 =	simm.s32 $0x0;
	s7 =	simm.s32 $0x200;
	v52 =	vmul.f32 v52, v52;
	v46 =	vadd.f32 v46, v56;
	v45 =	vadd.f32 v63, v57  }
.LBB2_6:
0x5b: {  	p0 =	sne.s32 s7, $0x7E00  }
0x5c: {  	v44 =	vadd.f32 v44, v53;
	v50 =	vmul.f32 v50, v50;
	v41 =	vsub.f32 v41, v43;
	s8 =	sadd.s32 $0x50, s8;
	s9 =	smov.u32 s7;
	s7 =	sadd.s32 $0x200, s7  }
0x5d: {  	v53 =	vor.u32 s9, v22;
	v47 =	vadd.f32 v52, v47;
	v52 =	vmul.f32 v54, v54  }
0x5e: {  	v44 =	vadd.f32 v49, v44;
	v49 =	vmul.f32 v51, v51;
	v41 =	vmul.f32 v41, v41  }
0x5f: {  	v51 =	vadd.s32 s8, v17;
	[tilespmem:v42+s28+$0x0] =	vst.idx.msk $0xffff, v47;
	v42 =	vadd.f32 v50, v46;
	v46 =	vadd.f32 v52, v48  }
0x60: {  	[tilespmem:v39+s28+$0x0] =	vst.idx.msk $0xffff, v44;
	v39 =	vadd.f32 v49, v45  }
0x61: {  	s21 =	simm.s32 $0x0;
	[tilespmem:v29+s28+$0x0] =	vst.idx.msk $0xffff, v42;
	v41 =	vadd.f32 v41, v46;
	v29 =	vmov v51  }
0x62: {  	[tilespmem:v32+s28+$0x0] =	vst.idx.msk $0xffff, v39  }
0x63: {  	[tilespmem:v31+s28+$0x0] =	vst.idx.msk $0xffff, v41  }
0x64: {  	v54 =	vld.idx.msk [tilespmem:v53+s17+$0x0], $0xffff  }
0x65: {  	v41 =	vld.idx.msk [tilespmem:v53+s18+$0x0], $0xffff  }
0x66: {  	v45 =	vld.idx.msk [tilespmem:v53+s21+$0x0], $0xffff;
	_ =	sdelay $0x2  }
0x67: {  	v32 =	vadd.s32 s8, v18;
	v31 =	vadd.s32 s8, v19  }
0x68: {  	v39 =	vadd.s32 s8, v16;
	v46 =	vsub.f32 v54, v26;
	v44 =	vsub.f32 v54, v27  }
0x69: {  	v42 =	vor.u32 s8, v0;
	v47 =	vsub.f32 v54, v28;
	v51 =	vsub.f32 v41, v30  }
0x6a: {  	v48 =	vsub.f32 v45, v23;
	v52 =	vsub.f32 v45, v24;
	v44 =	vmul.f32 v44, v44  }
0x6b: {  	v46 =	vmul.f32 v46, v46;
	v49 =	vsub.f32 v45, v25;
	v50 =	vsub.f32 v45, v33  }
0x6c: {  	v55 =	vsub.f32 v54, v34;
	v53 =	vmul.f32 v47, v47;
	v48 =	vmul.f32 v48, v48  }
.Ltmp1:
0x6d: {  	v56 =	vsub.f32 v41, v35;
	v57 =	vmul.f32 v49, v49;
	v58 =	vmul.f32 v50, v50;
	(pc) =	sbr.rel @p0 .LBB2_6-.Ltmp1, $4  }
0x6e: {  	v47 =	vadd.f32 v46, v48;
	v48 =	vmul.f32 v55, v55;
	v55 =	vsub.f32 v45, v36  }
0x6f: {  	v49 =	vmul.f32 v56, v56;
	v50 =	vsub.f32 v41, v37;
	v46 =	vadd.f32 v53, v57  }
0x70: {  	v53 =	vmul.f32 v52, v52;
	v45 =	vadd.f32 v48, v58;
	v48 =	vmul.f32 v55, v55  }
0x71: {  	v54 =	vsub.f32 v54, v38;
	v52 =	vmul.f32 v51, v51;
	v51 =	vsub.f32 v41, v40  }
0x72: {  	_ = 	snop  }
0x73: {  	v23 =	vadd.f32 v44, v53;
	v24 =	vsub.f32 v41, v43  }
0x74: {  	v25 =	vmul.f32 v50, v50;
	v26 =	vadd.f32 v52, v47;
	v27 =	vmul.f32 v54, v54  }
0x75: {  	v28 =	vmul.f32 v51, v51;
	v23 =	vadd.f32 v49, v23;
	v24 =	vmul.f32 v24, v24  }
0x76: {  	v25 =	vadd.f32 v25, v46;
	[tilespmem:v42+s28+$0x0] =	vst.idx.msk $0xffff, v26;
	v26 =	vadd.f32 v27, v48;
	v27 =	vor.u32 s21, v0  }
0x77: {  	[tilespmem:v39+s28+$0x0] =	vst.idx.msk $0xffff, v23;
	v23 =	vadd.f32 v28, v45  }
0x78: {  	[tilespmem:v29+s28+$0x0] =	vst.idx.msk $0xffff, v25;
	v24 =	vadd.f32 v24, v26;
	v25 =	vadd.s32 s21, v16  }
0x79: {  	[tilespmem:v32+s28+$0x0] =	vst.idx.msk $0xffff, v23  }
0x7a: {  	[tilespmem:v31+s28+$0x0] =	vst.idx.msk $0xffff, v24  }
0x7b: {  	v23 =	vadd.s32 s21, v17;
	v24 =	vld.idx.msk [tilespmem:v27+s28+$0x0], $0xffff;
	_ =	sdelay $0x1  }
0x7c: {  	v26 =	vadd.s32 s21, v18;
	v25 =	vld.idx.msk [tilespmem:v25+s28+$0x0], $0xffff;
	_ =	sdelay $0x1  }
0x7d: {  	v30 =	vadd.s32 s21, v19  }
0x7e: {  	s8 =	simm.s32 $0x50;
	v28 =	vimm.f32 $1.000000020e+30;
	v27 =	vld.idx.msk [tilespmem:v23+s28+$0x0], $0xffff;
	v29 =	vadd.f32 $0.0e+00, v24  }
0x7f: {  	v31 =	vor.u32 s8, v0;
	vm0 =	vlt.f32 v24, v28  }
0x80: {  	v33 =	vld.idx.msk [tilespmem:v26+s28+$0x0], $0xffff;
	v24 =	vsel vm0, v29, v28;
	v26 =	vadd.f32 $0.0e+00, v25  }
0x81: {  	v63 =	vadd.s32 s8, v16;
	vm2 =	vlt.f32 v25, v24  }
0x82: {  	v23 =	vimm.s32 $0x0;
	v29 =	vadd.s32 s8, v17;
	v25 =	vsel vm2, v26, v24;
	v26 =	vld.idx.msk [tilespmem:v30+s28+$0x0], $0xffff  }
0x83: {  	v28 =	vsel vm0, $0x0, v23;
	v34 =	vadd.f32 $0.0e+00, v27  }
0x84: {  	v30 =	vsel vm2, $0x1, v28;
	v28 =	vadd.s32 s8, v18;
	v24 =	vld.idx.msk [tilespmem:v31+s28+$0x0], $0xffff;
	vm1 =	vlt.f32 v27, v25  }
0x85: {  	v32 =	vadd.f32 $0.0e+00, v33;
	vm0 =	vmor vm0, vm2;
	v31 =	vsel vm1, v34, v25  }
0x86: {  	s22 =	simm.s32 $0x1;
	s7 =	simm.s32 $0x2;
	s9 =	simm.s32 $0x3;
	v27 =	vsel vm1, $0x2, v30;
	v25 =	vld.idx.msk [tilespmem:v63+s28+$0x0], $0xffff;
	v30 =	vadd.s32 s8, v19;
	vm2 =	vlt.f32 v33, v31  }
.LBB2_8:
0x87: {  	p0 =	sne.s32 s9, $0x3F;
	v33 =	vld.idx.msk [tilespmem:v29+s28+$0x0], $0xffff;
	s8 =	sadd.s32 $0x50, s8;
	v29 =	vsel vm2, v32, v31;
	v27 =	vsel vm2, $0x3, v27;
	v31 =	vadd.f32 $0.0e+00, v26;
	s10 =	smov.u32 s7  }
0x88: {  	vm1 =	vmor vm1, vm2;
	s7 =	smov.u32 s9;
	v32 =	vor.u32 s8, v0;
	vm2 =	vlt.f32 v26, v29  }
0x89: {  	v26 =	vadd.f32 $0.0e+00, v24;
	v34 =	vld.idx.msk [tilespmem:v28+s28+$0x0], $0xffff;
	v28 =	vsel vm2, v31, v29;
	v27 =	vsel vm2, $0x4, v27  }
0x8a: {  	v31 =	vadd.s32 s8, v16;
	vm1 =	vmor vm2, vm1;
	vm3 =	vlt.f32 v24, v28  }
0x8b: {  	v35 =	vadd.f32 $0.0e+00, v25;
	v28 =	vsel vm3, v26, v28;
	v27 =	vsel vm3, $0x0, v27;
	v26 =	vld.idx.msk [tilespmem:v30+s28+$0x0], $0xffff  }
.Ltmp2:
0x8c: {  	v29 =	vadd.s32 s8, v17;
	vm4 =	vmor vm1, vm0;
	vm2 =	vlt.f32 v25, v28;
	(pc) =	sbr.rel @p0 .LBB2_8-.Ltmp2, $4  }
0x8d: {  	v24 =	vld.idx.msk [tilespmem:v32+s28+$0x0], $0xffff;
	v30 =	vsel vm2, v35, v28;
	v27 =	vsel vm2, $0x1, v27;
	v32 =	vadd.f32 $0.0e+00, v33  }
0x8e: {  	v28 =	vadd.s32 s8, v18;
	vm0 =	vmor vm3, vm2;
	vm1 =	vlt.f32 v33, v30  }
0x8f: {  	v25 =	vld.idx.msk [tilespmem:v31+s28+$0x0], $0xffff;
	v31 =	vsel vm1, v32, v30;
	v27 =	vsel vm1, $0x2, v27;
	v32 =	vadd.f32 $0.0e+00, v34  }
0x90: {  	s9 =	sadd.s32 $0x1, s9;
	v23 =	vsel vm4, s21, v23;
	s21 =	smov.u32 s22;
	s22 =	smov.u32 s10;
	v30 =	vadd.s32 s8, v19;
	vm2 =	vlt.f32 v34, v31  }
0x91: {  	_ =	sdelay $0x2  }
0x92: {  	v31 =	vsel vm2, v32, v31;
	v46 =	vadd.f32 $0.0e+00, v26  }
0x93: {  	v29 =	vld.idx.msk [tilespmem:v29+s28+$0x0], $0xffff;
	s8 =	sadd.s32 $0x50, s8;
	vm5 =	vlt.f32 v26, v31  }
0x94: {  	v26 =	vor.u32 s8, v0;
	v33 =	vadd.f32 $0.0e+00, v24;
	v31 =	vsel vm5, v46, v31  }
0x95: {  	v28 =	vld.idx.msk [tilespmem:v28+s28+$0x0], $0xffff;
	vm3 =	vlt.f32 v24, v31  }
0x96: {  	v24 =	vadd.s32 s8, v16;
	v47 =	vadd.f32 $0.0e+00, v25;
	v31 =	vsel vm3, v33, v31  }
0x97: {  	v30 =	vld.idx.msk [tilespmem:v30+s28+$0x0], $0xffff;
	vm6 =	vlt.f32 v25, v31  }
0x98: {  	v25 =	vadd.s32 s8, v17;
	v48 =	vadd.f32 $0.0e+00, v29;
	v31 =	vsel vm6, v47, v31  }
0x99: {  	v26 =	vld.idx.msk [tilespmem:v26+s28+$0x0], $0xffff;
	vm4 =	vlt.f32 v29, v31  }
0x9a: {  	v49 =	vadd.f32 $0.0e+00, v28;
	v29 =	vadd.s32 s8, v18;
	v31 =	vsel vm4, v48, v31  }
0x9b: {  	v24 =	vld.idx.msk [tilespmem:v24+s28+$0x0], $0xffff;
	vm7 =	vlt.f32 v28, v31  }
0x9c: {  	v28 =	vsel vm7, v49, v31;
	v31 =	vadd.f32 $0.0e+00, v30  }
0x9d: {  	v50 =	vadd.s32 s8, v19;
	v25 =	vld.idx.msk [tilespmem:v25+s28+$0x0], $0xffff;
	vm8 =	vlt.f32 v30, v28  }
0x9e: {  	v30 =	vadd.f32 $0.0e+00, v26;
	v28 =	vsel vm8, v31, v28  }
0x9f: {  	v27 =	vsel vm2, $0x3, v27;
	vm1 =	vmor vm1, vm2;
	v29 =	vld.idx.msk [tilespmem:v29+s28+$0x0], $0xffff;
	vm2 =	vlt.f32 v26, v28  }
0xa0: {  	vm1 =	vmor vm5, vm1;
	v26 =	vsel vm2, v30, v28;
	v28 =	vadd.f32 $0.0e+00, v24  }
0xa1: {  	v27 =	vsel vm5, $0x4, v27;
	vm0 =	vmor vm1, vm0;
	vm1 =	vlt.f32 v24, v26  }
0xa2: {  	v24 =	vsel vm3, $0x0, v27;
	v27 =	vld.idx.msk [tilespmem:v50+s28+$0x0], $0xffff;
	v26 =	vsel vm1, v28, v26;
	v28 =	vadd.f32 $0.0e+00, v25  }
0xa3: {  	v23 =	vsel vm0, s21, v23;
	vm3 =	vmor vm3, vm6;
	vm12 =	vlt.f32 v25, v26  }
0xa4: {  	v24 =	vsel vm6, $0x1, v24;
	v25 =	vsel vm12, v28, v26;
	v26 =	vadd.f32 $0.0e+00, v29  }
0xa5: {  	vm15 =	vmor vm2, vm1;
	v24 =	vsel vm4, $0x2, v24;
	vm0 =	vlt.f32 v29, v25  }
0xa6: {  	vm4 =	vmor vm4, vm7;
	v24 =	vsel vm7, $0x3, v24;
	v25 =	vsel vm0, v26, v25  }
0xa7: {  	vm4 =	vmor vm8, vm4;
	vm13 =	vmor vm12, vm0;
	vm14 =	vlt.f32 v27, v25  }
0xa8: {  	v24 =	vsel vm8, $0x4, v24;
	vm3 =	vmor vm4, vm3;
	vm6 =	vmor vm14, vm13  }
0xa9: {  	v24 =	vsel vm2, $0x0, v24;
	v23 =	vsel vm3, s22, v23;
	vm2 =	vmor vm6, vm15  }
0xaa: {  	v24 =	vsel vm1, $0x1, v24;
	v25 =	vsel vm2, s7, v23  }
0xab: {  	v23 =	vsel vm12, $0x2, v24;
	v24 =	vmul.u32 $0x50, v25  }
0xac: {  	v23 =	vsel vm0, $0x3, v23  }
0xad: {  	v28 =	vsel vm14, $0x4, v23;
	v26 =	vor.u32 v0, v24  }
0xae: {  	v27 =	vadd.s32 v16, v24;
	v23 =	vshll.u32 v28, $0x9  }
0xaf: {  	v29 =	vadd.s32 v17, v24;
	v30 =	vadd.s32 v22, v23  }
0xb0: {  	v31 =	vadd.s32 v18, v24;
	v23 =	vand.u32 $0x7F, v22;
	v51 =	vand.u32 $0x7FFFFF80, v30  }
0xb1: {  	v52 =	vimm.f32 $1.000000020e+30;
	v24 =	vadd.s32 v19, v24;
	v32 =	vor.u32 v23, v51  }
0xb2: {  	[tilespmem:v26+s28+$0x0] =	vst.idx.add.f32.msk $0xffff, v52;
	v26 =	vadd.s32 $0x1E00, v32  }
0xb3: {  	[tilespmem:v27+s28+$0x0] =	vst.idx.add.f32.msk $0xffff, v52  }
0xb4: {  	[tilespmem:v29+s28+$0x0] =	vst.idx.add.f32.msk $0xffff, v52  }
0xb5: {  	[tilespmem:v31+s28+$0x0] =	vst.idx.add.f32.msk $0xffff, v52  }
0xb6: {  	v27 =	vadd.s32 $0xA00, v32;
	[tilespmem:v24+s28+$0x0] =	vst.idx.add.f32.msk $0xffff, v52;
	v24 =	vmov s20  }
0xb7: {  	v29 =	vadd.s32 $0x1400, v32;
	v26 =	vld.idx.msk [tilespmem:v26+s19+$0x0], $0xffff;
	v24 =	vshll.u32 v24, $0x6  }
0xb8: {  	v24 =	vor.u32 v20, v24  }
0xb9: {  	v25 =	vadd.s32 v24, v25  }
0xba: {  	v30 =	vld.idx.msk [tilespmem:v30+s19+$0x0], $0xffff  }
0xbb: {  	v27 =	vld.idx.msk [tilespmem:v27+s19+$0x0], $0xffff  }
0xbc: {  	s20 =	simm.s32 $0x0;
	v29 =	vld.idx.msk [tilespmem:v29+s19+$0x0], $0xffff;
	v26 =	vadd.f32 $1.000000000e+00, v26  }
0xbd: {  	v31 =	vor.u32 s20, v0  }
0xbe: {  	[tilespmem:v25+s23+$0x0] =	vst.idx.msk $0xffff, v26  }
0xbf: {  	v26 =	vadd.s32 s20, v16;
	[tilespmem:v25+s24+$0x0] =	vst.idx.msk $0xffff, v30  }
0xc0: {  	[tilespmem:v25+s25+$0x0] =	vst.idx.msk $0xffff, v27  }
0xc1: {  	v27 =	vadd.s32 s20, v17;
	[tilespmem:v25+s26+$0x0] =	vst.idx.msk $0xffff, v29  }
0xc2: {  	v29 =	vld.idx.msk [tilespmem:v31+s28+$0x0], $0xffff  }
0xc3: {  	v31 =	vadd.s32 s20, v18  }
0xc4: {  	s8 =	simm.s32 $0xA0;
	v34 =	vadd.s32 s20, v19;
	v53 =	vld.idx.msk [tilespmem:v26+s28+$0x0], $0xffff  }
0xc5: {  	v58 =	vor.u32 s8, v0;
	s22 =	simm.s32 $0x50;
	vm0 =	veq.s32 v28, $0x0  }
0xc6: {  	v36 =	vor.u32 s22, v0;
	v38 =	vadd.s32 s22, v16;
	v25 =	vsel vm0, $0x7149F2CA, v1;
	v35 =	vld.idx.msk [tilespmem:v27+s28+$0x0], $0xffff  }
0xc7: {  	v54 =	vadd.s32 s22, v17;
	vm1 =	veq.s32 v28, $0x1;
	v37 =	vadd.f32 v29, v25  }
0xc8: {  	v40 =	vadd.s32 s22, v18;
	vm0 =	veq.s32 v28, $0x2;
	v26 =	vsel vm1, $0x7149F2CA, v1;
	v31 =	vld.idx.msk [tilespmem:v31+s28+$0x0], $0xffff  }
0xc9: {  	v34 =	vld.idx.msk [tilespmem:v34+s28+$0x0], $0xffff;
	vm1 =	veq.s32 v28, $0x4;
	v32 =	vadd.f32 v53, v26;
	vm2 =	vlt.f32 v37, v52  }
0xca: {  	v27 =	vsel vm0, $0x7149F2CA, v1;
	vm0 =	veq.s32 v28, $0x3;
	v33 =	vsel vm2, v37, v52  }
0xcb: {  	v36 =	vld.idx.msk [tilespmem:v36+s28+$0x0], $0xffff;
	v28 =	vsel vm0, $0x7149F2CA, v1;
	v35 =	vadd.f32 v35, v27;
	vm0 =	vlt.f32 v32, v33  }
0xcc: {  	v56 =	vadd.s32 s22, v19;
	v30 =	vimm.s32 $0x0;
	v32 =	vsel vm0, v32, v33  }
0xcd: {  	v38 =	vld.idx.msk [tilespmem:v38+s28+$0x0], $0xffff;
	v29 =	vsel vm1, $0x7149F2CA, v1;
	v31 =	vadd.f32 v31, v28;
	vm1 =	vlt.f32 v35, v32  }
0xce: {  	v57 =	vld.idx.msk [tilespmem:v54+s28+$0x0], $0xffff;
	v34 =	vadd.f32 v34, v29;
	v39 =	vsel vm2, $0x0, v30;
	v32 =	vsel vm1, v35, v32  }
0xcf: {  	v55 =	vsel vm0, $0x1, v39;
	vm0 =	vmor vm2, vm0;
	vm2 =	vlt.f32 v31, v32  }
0xd0: {  	v60 =	vadd.f32 v36, v25;
	v33 =	vsel vm1, $0x2, v55;
	v31 =	vsel vm2, v31, v32  }
0xd1: {  	v59 =	vsel vm2, $0x3, v33;
	vm1 =	vmor vm1, vm2;
	vm2 =	vlt.f32 v34, v31  }
0xd2: {  	v62 =	vadd.s32 s8, v16;
	v61 =	vld.idx.msk [tilespmem:v40+s28+$0x0], $0xffff;
	v38 =	vadd.f32 v38, v26;
	v31 =	vsel vm2, v34, v31  }
0xd3: {  	v41 =	vadd.f32 v57, v27;
	v32 =	vsel vm2, $0x4, v59;
	vm3 =	vlt.f32 v60, v31  }
0xd4: {  	v35 =	vld.idx.msk [tilespmem:v56+s28+$0x0], $0xffff;
	vm1 =	vmor vm2, vm1;
	v34 =	vadd.s32 s8, v17;
	v33 =	vsel vm3, v60, v31  }
0xd5: {  	vm1 =	vmor vm1, vm0;
	v32 =	vsel vm3, $0x0, v32;
	vm2 =	vlt.f32 v38, v33  }
0xd6: {  	v31 =	vadd.s32 s8, v18;
	v63 =	vsel vm2, v38, v33;
	v42 =	vsel vm2, $0x1, v32;
	v33 =	vld.idx.msk [tilespmem:v58+s28+$0x0], $0xffff  }
0xd7: {  	s9 =	simm.s32 $0x4;
	vm0 =	vmor vm3, vm2;
	v38 =	vadd.f32 v61, v28;
	vm2 =	vlt.f32 v41, v63  }
0xd8: {  	s21 =	simm.s32 $0x3;
	s22 =	simm.s32 $0x2;
	s7 =	simm.s32 $0x1;
	v37 =	vadd.s32 s8, v19;
	v32 =	vld.idx.msk [tilespmem:v62+s28+$0x0], $0xffff;
	v39 =	vsel vm2, v41, v63;
	v36 =	vsel vm2, $0x2, v42  }
.LBB2_10:
0xd9: {  	p0 =	sne.s32 s9, $0x3F;
	v40 =	vld.idx.msk [tilespmem:v34+s28+$0x0], $0xffff;
	s8 =	sadd.s32 $0x50, s8;
	vm3 =	vlt.f32 v38, v39;
	v34 =	vadd.f32 v35, v29;
	v30 =	vsel vm1, s20, v30;
	s20 =	smov.u32 s7  }
0xda: {  	s7 =	smov.u32 s22;
	s22 =	smov.u32 s21;
	s21 =	smov.u32 s9;
	v41 =	vor.u32 s8, v0;
	v35 =	vsel vm3, v38, v39;
	v36 =	vsel vm3, $0x3, v36  }
0xdb: {  	v33 =	vadd.f32 v33, v25;
	vm1 =	vmor vm2, vm3;
	v38 =	vld.idx.msk [tilespmem:v31+s28+$0x0], $0xffff;
	vm2 =	vlt.f32 v34, v35  }
0xdc: {  	v39 =	vadd.s32 s8, v16;
	v31 =	vsel vm2, v34, v35;
	v36 =	vsel vm2, $0x4, v36  }
0xdd: {  	v32 =	vadd.f32 v32, v26;
	vm1 =	vmor vm2, vm1;
	vm3 =	vlt.f32 v33, v31;
	v35 =	vld.idx.msk [tilespmem:v37+s28+$0x0], $0xffff  }
.Ltmp3:
0xde: {  	v34 =	vadd.s32 s8, v17;
	v37 =	vsel vm3, v33, v31;
	v36 =	vsel vm3, $0x0, v36;
	(pc) =	sbr.rel @p0 .LBB2_10-.Ltmp3, $4  }
0xdf: {  	vm1 =	vmor vm1, vm0;
	v40 =	vadd.f32 v40, v27;
	v33 =	vld.idx.msk [tilespmem:v41+s28+$0x0], $0xffff;
	vm2 =	vlt.f32 v32, v37  }
0xe0: {  	v31 =	vadd.s32 s8, v18;
	v41 =	vsel vm2, v32, v37;
	v36 =	vsel vm2, $0x1, v36  }
0xe1: {  	vm0 =	vmor vm3, vm2;
	v38 =	vadd.f32 v38, v28;
	v32 =	vld.idx.msk [tilespmem:v39+s28+$0x0], $0xffff;
	vm2 =	vlt.f32 v40, v41  }
0xe2: {  	s9 =	sadd.s32 $0x1, s9;
	v37 =	vadd.s32 s8, v19;
	v39 =	vsel vm2, v40, v41;
	v36 =	vsel vm2, $0x2, v36  }
0xe3: {  	_ =	sdelay $0x2  }
0xe4: {  	vm5 =	vlt.f32 v38, v39;
	v35 =	vadd.f32 v35, v29  }
0xe5: {  	v34 =	vld.idx.msk [tilespmem:v34+s28+$0x0], $0xffff;
	s8 =	sadd.s32 $0x50, s8;
	v38 =	vsel vm5, v38, v39  }
0xe6: {  	v48 =	vor.u32 s8, v0;
	v33 =	vadd.f32 v33, v25;
	vm6 =	vlt.f32 v35, v38  }
0xe7: {  	v31 =	vld.idx.msk [tilespmem:v31+s28+$0x0], $0xffff;
	v35 =	vsel vm6, v35, v38  }
0xe8: {  	v49 =	vadd.s32 s8, v16;
	v32 =	vadd.f32 v32, v26;
	vm3 =	vlt.f32 v33, v35  }
0xe9: {  	v37 =	vld.idx.msk [tilespmem:v37+s28+$0x0], $0xffff;
	v33 =	vsel vm3, v33, v35  }
0xea: {  	v50 =	vadd.s32 s8, v17;
	v34 =	vadd.f32 v34, v27;
	vm7 =	vlt.f32 v32, v33  }
0xeb: {  	v39 =	vld.idx.msk [tilespmem:v48+s28+$0x0], $0xffff;
	v32 =	vsel vm7, v32, v33  }
0xec: {  	v51 =	vadd.s32 s8, v18;
	v31 =	vadd.f32 v31, v28;
	vm4 =	vlt.f32 v34, v32  }
0xed: {  	v38 =	vld.idx.msk [tilespmem:v49+s28+$0x0], $0xffff;
	v32 =	vsel vm4, v34, v32  }
0xee: {  	v52 =	vadd.s32 s8, v19;
	v37 =	vadd.f32 v37, v29;
	vm8 =	vlt.f32 v31, v32  }
0xef: {  	v35 =	vld.idx.msk [tilespmem:v50+s28+$0x0], $0xffff;
	v31 =	vsel vm8, v31, v32  }
0xf0: {  	v53 =	vadd.f32 v39, v25;
	vm9 =	vlt.f32 v37, v31  }
0xf1: {  	v30 =	vsel vm1, s20, v30;
	v36 =	vsel vm5, $0x3, v36;
	v33 =	vld.idx.msk [tilespmem:v51+s28+$0x0], $0xffff;
	v31 =	vsel vm9, v37, v31  }
0xf2: {  	vm1 =	vmor vm2, vm5;
	v54 =	vadd.f32 v38, v26;
	vm2 =	vlt.f32 v53, v31  }
0xf3: {  	v36 =	vsel vm6, $0x4, v36;
	vm1 =	vmor vm6, vm1;
	v34 =	vld.idx.msk [tilespmem:v52+s28+$0x0], $0xffff;
	v31 =	vsel vm2, v53, v31  }
0xf4: {  	vm0 =	vmor vm1, vm0;
	v35 =	vadd.f32 v35, v27;
	vm12 =	vlt.f32 v54, v31  }
0xf5: {  	v55 =	vsel vm3, $0x0, v36;
	vm1 =	vmor vm3, vm7;
	v31 =	vsel vm12, v54, v31  }
0xf6: {  	v32 =	vsel vm7, $0x1, v55;
	v33 =	vadd.f32 v33, v28;
	vm3 =	vlt.f32 v35, v31  }
0xf7: {  	v30 =	vsel vm0, s7, v30;
	v32 =	vsel vm4, $0x2, v32;
	v31 =	vsel vm3, v35, v31  }
0xf8: {  	vm4 =	vmor vm4, vm8;
	v34 =	vadd.f32 v34, v29;
	vm0 =	vlt.f32 v33, v31  }
0xf9: {  	v32 =	vsel vm8, $0x3, v32;
	vm4 =	vmor vm9, vm4;
	v31 =	vsel vm0, v33, v31  }
0xfa: {  	v32 =	vsel vm9, $0x4, v32;
	vm13 =	vmor vm3, vm0;
	vm14 =	vlt.f32 v34, v31  }
0xfb: {  	vm1 =	vmor vm4, vm1;
	vm15 =	vmor vm2, vm12;
	vm6 =	vmor vm14, vm13  }
0xfc: {  	v30 =	vsel vm1, s22, v30;
	v31 =	vsel vm2, $0x0, v32;
	vm1 =	vmor vm6, vm15  }
0xfd: {  	v31 =	vsel vm12, $0x1, v31;
	v30 =	vsel vm1, s21, v30  }
0xfe: {  	v31 =	vsel vm3, $0x2, v31;
	v56 =	vmul.u32 $0x50, v30  }
0xff: {  	v31 =	vsel vm0, $0x3, v31  }
0x100: {  	v31 =	vsel vm14, $0x4, v31;
	v57 =	vor.u32 v0, v56  }
0x101: {  	v59 =	vshll.u32 v31, $0x9;
	v58 =	vadd.s32 v16, v56  }
0x102: {  	v60 =	vadd.s32 v17, v56;
	v35 =	vadd.s32 v22, v59  }
0x103: {  	v61 =	vadd.s32 v18, v56;
	v62 =	vand.u32 $0x7FFFFF80, v35  }
0x104: {  	v63 =	vimm.f32 $1.000000020e+30;
	v32 =	vadd.s32 v19, v56;
	v38 =	vor.u32 v23, v62  }
0x105: {  	v40 =	vadd.s32 $0x1E00, v38;
	[tilespmem:v57+s28+$0x0] =	vst.idx.add.f32.msk $0xffff, v63  }
0x106: {  	[tilespmem:v58+s28+$0x0] =	vst.idx.add.f32.msk $0xffff, v63  }
0x107: {  	[tilespmem:v60+s28+$0x0] =	vst.idx.add.f32.msk $0xffff, v63  }
0x108: {  	[tilespmem:v61+s28+$0x0] =	vst.idx.add.f32.msk $0xffff, v63  }
0x109: {  	v41 =	vadd.s32 $0xA00, v38;
	[tilespmem:v32+s28+$0x0] =	vst.idx.add.f32.msk $0xffff, v63  }
0x10a: {  	v42 =	vadd.s32 $0x1400, v38;
	v33 =	vld.idx.msk [tilespmem:v40+s19+$0x0], $0xffff;
	_ =	sdelay $0x1  }
0x10b: {  	v30 =	vadd.s32 v24, v30  }
0x10c: {  	v35 =	vld.idx.msk [tilespmem:v35+s19+$0x0], $0xffff  }
0x10d: {  	v32 =	vld.idx.msk [tilespmem:v41+s19+$0x0], $0xffff  }
0x10e: {  	s20 =	simm.s32 $0x0;
	v34 =	vld.idx.msk [tilespmem:v42+s19+$0x0], $0xffff;
	v33 =	vadd.f32 $1.000000000e+00, v33  }
0x10f: {  	v43 =	vor.u32 s20, v0  }
0x110: {  	[tilespmem:v30+s23+$0x0] =	vst.idx.msk $0xffff, v33  }
0x111: {  	v44 =	vadd.s32 s20, v16;
	[tilespmem:v30+s24+$0x0] =	vst.idx.msk $0xffff, v35  }
0x112: {  	[tilespmem:v30+s25+$0x0] =	vst.idx.msk $0xffff, v32  }
0x113: {  	v45 =	vadd.s32 s20, v17;
	[tilespmem:v30+s26+$0x0] =	vst.idx.msk $0xffff, v34  }
0x114: {  	v34 =	vld.idx.msk [tilespmem:v43+s28+$0x0], $0xffff  }
0x115: {  	v46 =	vadd.s32 s20, v18  }
0x116: {  	v47 =	vadd.s32 s20, v19;
	s22 =	simm.s32 $0x50;
	v33 =	vld.idx.msk [tilespmem:v44+s28+$0x0], $0xffff  }
0x117: {  	v48 =	vor.u32 s22, v0;
	v49 =	vadd.s32 s22, v16;
	vm0 =	veq.s32 v31, $0x0  }
0x118: {  	v50 =	vadd.s32 s22, v17;
	vm1 =	veq.s32 v31, $0x1;
	v25 =	vsel vm0, $0x7149F2CA, v25;
	v32 =	vld.idx.msk [tilespmem:v45+s28+$0x0], $0xffff  }
0x119: {  	v26 =	vsel vm1, $0x7149F2CA, v26;
	vm0 =	veq.s32 v31, $0x2;
	v34 =	vadd.f32 v34, v25  }
0x11a: {  	vm1 =	veq.s32 v31, $0x4;
	v27 =	vsel vm0, $0x7149F2CA, v27;
	vm0 =	veq.s32 v31, $0x3;
	v31 =	vld.idx.msk [tilespmem:v46+s28+$0x0], $0xffff  }
0x11b: {  	v40 =	vadd.s32 s22, v18;
	v36 =	vld.idx.msk [tilespmem:v47+s28+$0x0], $0xffff;
	v33 =	vadd.f32 v33, v26;
	vm2 =	vlt.f32 v34, v63  }
0x11c: {  	v53 =	vadd.s32 s22, v19;
	v34 =	vsel vm2, v34, v63  }
0x11d: {  	s8 =	simm.s32 $0xA0;
	v28 =	vsel vm0, $0x7149F2CA, v28;
	v37 =	vld.idx.msk [tilespmem:v48+s28+$0x0], $0xffff;
	v32 =	vadd.f32 v32, v27;
	vm0 =	vlt.f32 v33, v34  }
0x11e: {  	v29 =	vsel vm1, $0x7149F2CA, v29;
	v57 =	vor.u32 s8, v0;
	v35 =	vld.idx.msk [tilespmem:v49+s28+$0x0], $0xffff;
	v33 =	vsel vm0, v33, v34  }
0x11f: {  	v30 =	vimm.s32 $0x0;
	v56 =	vld.idx.msk [tilespmem:v50+s28+$0x0], $0xffff;
	v31 =	vadd.f32 v31, v28;
	vm1 =	vlt.f32 v32, v33  }
0x120: {  	v60 =	vld.idx.msk [tilespmem:v40+s28+$0x0], $0xffff;
	v55 =	vadd.f32 v36, v29;
	v51 =	vsel vm2, $0x0, v30;
	v32 =	vsel vm1, v32, v33  }
0x121: {  	v52 =	vsel vm0, $0x1, v51;
	vm0 =	vmor vm2, vm0;
	vm2 =	vlt.f32 v31, v32  }
0x122: {  	v59 =	vadd.f32 v37, v25;
	v54 =	vsel vm1, $0x2, v52;
	v31 =	vsel vm2, v31, v32  }
0x123: {  	v58 =	vsel vm2, $0x3, v54;
	vm1 =	vmor vm1, vm2;
	vm2 =	vlt.f32 v55, v31  }
0x124: {  	v61 =	vadd.s32 s8, v16;
	v41 =	vadd.f32 v35, v26;
	v31 =	vsel vm2, v55, v31  }
0x125: {  	v36 =	vadd.f32 v56, v27;
	v38 =	vadd.f32 v60, v28;
	vm3 =	vlt.f32 v59, v31  }
0x126: {  	v35 =	vld.idx.msk [tilespmem:v53+s28+$0x0], $0xffff;
	v34 =	vadd.s32 s8, v17;
	vm1 =	vmor vm2, vm1;
	v33 =	vsel vm3, v59, v31  }
0x127: {  	v32 =	vsel vm2, $0x4, v58;
	vm1 =	vmor vm1, vm0;
	vm2 =	vlt.f32 v41, v33  }
0x128: {  	v32 =	vsel vm3, $0x0, v32;
	v31 =	vadd.s32 s8, v18;
	v62 =	vsel vm2, v41, v33;
	v33 =	vld.idx.msk [tilespmem:v57+s28+$0x0], $0xffff  }
0x129: {  	s9 =	simm.s32 $0x4;
	v63 =	vsel vm2, $0x1, v32;
	vm0 =	vmor vm3, vm2;
	vm2 =	vlt.f32 v36, v62  }
0x12a: {  	s7 =	simm.s32 $0x1;
	s21 =	simm.s32 $0x3;
	s22 =	simm.s32 $0x2;
	v37 =	vadd.s32 s8, v19;
	v32 =	vld.idx.msk [tilespmem:v61+s28+$0x0], $0xffff;
	v39 =	vsel vm2, v36, v62;
	v36 =	vsel vm2, $0x2, v63  }
.LBB2_12:
0x12b: {  	p0 =	sne.s32 s9, $0x3F;
	v40 =	vld.idx.msk [tilespmem:v34+s28+$0x0], $0xffff;
	s8 =	sadd.s32 $0x50, s8;
	vm3 =	vlt.f32 v38, v39;
	v34 =	vadd.f32 v35, v29;
	v30 =	vsel vm1, s20, v30;
	s20 =	smov.u32 s7  }
0x12c: {  	s7 =	smov.u32 s22;
	s22 =	smov.u32 s21;
	s21 =	smov.u32 s9;
	v41 =	vor.u32 s8, v0;
	v35 =	vsel vm3, v38, v39;
	v36 =	vsel vm3, $0x3, v36  }
0x12d: {  	v33 =	vadd.f32 v33, v25;
	vm1 =	vmor vm2, vm3;
	v38 =	vld.idx.msk [tilespmem:v31+s28+$0x0], $0xffff;
	vm2 =	vlt.f32 v34, v35  }
0x12e: {  	v39 =	vadd.s32 s8, v16;
	v31 =	vsel vm2, v34, v35;
	v36 =	vsel vm2, $0x4, v36  }
0x12f: {  	v32 =	vadd.f32 v32, v26;
	vm1 =	vmor vm2, vm1;
	vm3 =	vlt.f32 v33, v31;
	v35 =	vld.idx.msk [tilespmem:v37+s28+$0x0], $0xffff  }
.Ltmp4:
0x130: {  	v34 =	vadd.s32 s8, v17;
	v37 =	vsel vm3, v33, v31;
	v36 =	vsel vm3, $0x0, v36;
	(pc) =	sbr.rel @p0 .LBB2_12-.Ltmp4, $4  }
0x131: {  	vm1 =	vmor vm1, vm0;
	v40 =	vadd.f32 v40, v27;
	v33 =	vld.idx.msk [tilespmem:v41+s28+$0x0], $0xffff;
	vm2 =	vlt.f32 v32, v37  }
0x132: {  	v31 =	vadd.s32 s8, v18;
	v41 =	vsel vm2, v32, v37;
	v36 =	vsel vm2, $0x1, v36  }
0x133: {  	vm0 =	vmor vm3, vm2;
	v38 =	vadd.f32 v38, v28;
	v32 =	vld.idx.msk [tilespmem:v39+s28+$0x0], $0xffff;
	vm2 =	vlt.f32 v40, v41  }
0x134: {  	s9 =	sadd.s32 $0x1, s9;
	v37 =	vadd.s32 s8, v19;
	v39 =	vsel vm2, v40, v41;
	v36 =	vsel vm2, $0x2, v36  }
0x135: {  	_ =	sdelay $0x2  }
0x136: {  	vm5 =	vlt.f32 v38, v39;
	v35 =	vadd.f32 v35, v29  }
0x137: {  	v34 =	vld.idx.msk [tilespmem:v34+s28+$0x0], $0xffff;
	s8 =	sadd.s32 $0x50, s8;
	v38 =	vsel vm5, v38, v39  }
0x138: {  	v48 =	vor.u32 s8, v0;
	v33 =	vadd.f32 v33, v25;
	vm6 =	vlt.f32 v35, v38  }
0x139: {  	v31 =	vld.idx.msk [tilespmem:v31+s28+$0x0], $0xffff;
	v35 =	vsel vm6, v35, v38  }
0x13a: {  	v49 =	vadd.s32 s8, v16;
	v32 =	vadd.f32 v32, v26;
	vm3 =	vlt.f32 v33, v35  }
0x13b: {  	v37 =	vld.idx.msk [tilespmem:v37+s28+$0x0], $0xffff;
	v33 =	vsel vm3, v33, v35  }
0x13c: {  	v50 =	vadd.s32 s8, v17;
	v34 =	vadd.f32 v34, v27;
	vm7 =	vlt.f32 v32, v33  }
0x13d: {  	v39 =	vld.idx.msk [tilespmem:v48+s28+$0x0], $0xffff;
	v32 =	vsel vm7, v32, v33  }
0x13e: {  	v51 =	vadd.s32 s8, v18;
	v31 =	vadd.f32 v31, v28;
	vm4 =	vlt.f32 v34, v32  }
0x13f: {  	v38 =	vld.idx.msk [tilespmem:v49+s28+$0x0], $0xffff;
	v32 =	vsel vm4, v34, v32  }
0x140: {  	v52 =	vadd.s32 s8, v19;
	v37 =	vadd.f32 v37, v29;
	vm8 =	vlt.f32 v31, v32  }
0x141: {  	v35 =	vld.idx.msk [tilespmem:v50+s28+$0x0], $0xffff;
	v31 =	vsel vm8, v31, v32  }
0x142: {  	v53 =	vadd.f32 v39, v25;
	vm9 =	vlt.f32 v37, v31  }
0x143: {  	v30 =	vsel vm1, s20, v30;
	v36 =	vsel vm5, $0x3, v36;
	v33 =	vld.idx.msk [tilespmem:v51+s28+$0x0], $0xffff;
	v31 =	vsel vm9, v37, v31  }
0x144: {  	vm1 =	vmor vm2, vm5;
	v54 =	vadd.f32 v38, v26;
	vm2 =	vlt.f32 v53, v31  }
0x145: {  	v36 =	vsel vm6, $0x4, v36;
	vm1 =	vmor vm6, vm1;
	v34 =	vld.idx.msk [tilespmem:v52+s28+$0x0], $0xffff;
	v31 =	vsel vm2, v53, v31  }
0x146: {  	vm0 =	vmor vm1, vm0;
	v35 =	vadd.f32 v35, v27;
	vm12 =	vlt.f32 v54, v31  }
0x147: {  	v55 =	vsel vm3, $0x0, v36;
	vm1 =	vmor vm3, vm7;
	v31 =	vsel vm12, v54, v31  }
0x148: {  	v32 =	vsel vm7, $0x1, v55;
	v33 =	vadd.f32 v33, v28;
	vm3 =	vlt.f32 v35, v31  }
0x149: {  	v30 =	vsel vm0, s7, v30;
	v32 =	vsel vm4, $0x2, v32;
	v31 =	vsel vm3, v35, v31  }
0x14a: {  	vm4 =	vmor vm4, vm8;
	v34 =	vadd.f32 v34, v29;
	vm0 =	vlt.f32 v33, v31  }
0x14b: {  	v32 =	vsel vm8, $0x3, v32;
	vm4 =	vmor vm9, vm4;
	v31 =	vsel vm0, v33, v31  }
0x14c: {  	v32 =	vsel vm9, $0x4, v32;
	vm13 =	vmor vm3, vm0;
	vm14 =	vlt.f32 v34, v31  }
0x14d: {  	vm1 =	vmor vm4, vm1;
	vm15 =	vmor vm2, vm12;
	vm6 =	vmor vm14, vm13  }
0x14e: {  	v30 =	vsel vm1, s22, v30;
	v31 =	vsel vm2, $0x0, v32;
	vm1 =	vmor vm6, vm15  }
0x14f: {  	v31 =	vsel vm12, $0x1, v31;
	v30 =	vsel vm1, s21, v30  }
0x150: {  	v31 =	vsel vm3, $0x2, v31;
	v56 =	vmul.u32 $0x50, v30  }
0x151: {  	v31 =	vsel vm0, $0x3, v31  }
0x152: {  	v31 =	vsel vm14, $0x4, v31;
	v57 =	vor.u32 v0, v56  }
0x153: {  	v59 =	vshll.u32 v31, $0x9;
	v58 =	vadd.s32 v16, v56  }
0x154: {  	v60 =	vadd.s32 v17, v56;
	v35 =	vadd.s32 v22, v59  }
0x155: {  	v61 =	vadd.s32 v18, v56;
	v62 =	vand.u32 $0x7FFFFF80, v35  }
0x156: {  	v63 =	vimm.f32 $1.000000020e+30;
	v32 =	vadd.s32 v19, v56;
	v38 =	vor.u32 v23, v62  }
0x157: {  	v40 =	vadd.s32 $0x1E00, v38;
	[tilespmem:v57+s28+$0x0] =	vst.idx.add.f32.msk $0xffff, v63  }
0x158: {  	[tilespmem:v58+s28+$0x0] =	vst.idx.add.f32.msk $0xffff, v63  }
0x159: {  	[tilespmem:v60+s28+$0x0] =	vst.idx.add.f32.msk $0xffff, v63  }
0x15a: {  	[tilespmem:v61+s28+$0x0] =	vst.idx.add.f32.msk $0xffff, v63  }
0x15b: {  	v41 =	vadd.s32 $0xA00, v38;
	[tilespmem:v32+s28+$0x0] =	vst.idx.add.f32.msk $0xffff, v63  }
0x15c: {  	v42 =	vadd.s32 $0x1400, v38;
	v33 =	vld.idx.msk [tilespmem:v40+s19+$0x0], $0xffff;
	_ =	sdelay $0x1  }
0x15d: {  	v30 =	vadd.s32 v24, v30  }
0x15e: {  	v35 =	vld.idx.msk [tilespmem:v35+s19+$0x0], $0xffff  }
0x15f: {  	v32 =	vld.idx.msk [tilespmem:v41+s19+$0x0], $0xffff  }
0x160: {  	s20 =	simm.s32 $0x0;
	v34 =	vld.idx.msk [tilespmem:v42+s19+$0x0], $0xffff;
	v33 =	vadd.f32 $1.000000000e+00, v33  }
0x161: {  	v43 =	vor.u32 s20, v0  }
0x162: {  	[tilespmem:v30+s23+$0x0] =	vst.idx.msk $0xffff, v33  }
0x163: {  	v44 =	vadd.s32 s20, v16;
	[tilespmem:v30+s24+$0x0] =	vst.idx.msk $0xffff, v35  }
0x164: {  	[tilespmem:v30+s25+$0x0] =	vst.idx.msk $0xffff, v32  }
0x165: {  	v45 =	vadd.s32 s20, v17;
	[tilespmem:v30+s26+$0x0] =	vst.idx.msk $0xffff, v34  }
0x166: {  	v34 =	vld.idx.msk [tilespmem:v43+s28+$0x0], $0xffff  }
0x167: {  	v46 =	vadd.s32 s20, v18  }
0x168: {  	v47 =	vadd.s32 s20, v19;
	s22 =	simm.s32 $0x50;
	v33 =	vld.idx.msk [tilespmem:v44+s28+$0x0], $0xffff  }
0x169: {  	v48 =	vor.u32 s22, v0;
	v49 =	vadd.s32 s22, v16;
	vm0 =	veq.s32 v31, $0x0  }
0x16a: {  	v50 =	vadd.s32 s22, v17;
	vm1 =	veq.s32 v31, $0x1;
	v25 =	vsel vm0, $0x7149F2CA, v25;
	v32 =	vld.idx.msk [tilespmem:v45+s28+$0x0], $0xffff  }
0x16b: {  	v26 =	vsel vm1, $0x7149F2CA, v26;
	vm0 =	veq.s32 v31, $0x2;
	v34 =	vadd.f32 v34, v25  }
0x16c: {  	vm1 =	veq.s32 v31, $0x4;
	v27 =	vsel vm0, $0x7149F2CA, v27;
	vm0 =	veq.s32 v31, $0x3;
	v31 =	vld.idx.msk [tilespmem:v46+s28+$0x0], $0xffff  }
0x16d: {  	v40 =	vadd.s32 s22, v18;
	v36 =	vld.idx.msk [tilespmem:v47+s28+$0x0], $0xffff;
	v33 =	vadd.f32 v33, v26;
	vm2 =	vlt.f32 v34, v63  }
0x16e: {  	v53 =	vadd.s32 s22, v19;
	v34 =	vsel vm2, v34, v63  }
0x16f: {  	s8 =	simm.s32 $0xA0;
	v28 =	vsel vm0, $0x7149F2CA, v28;
	v37 =	vld.idx.msk [tilespmem:v48+s28+$0x0], $0xffff;
	v32 =	vadd.f32 v32, v27;
	vm0 =	vlt.f32 v33, v34  }
0x170: {  	v29 =	vsel vm1, $0x7149F2CA, v29;
	v57 =	vor.u32 s8, v0;
	v35 =	vld.idx.msk [tilespmem:v49+s28+$0x0], $0xffff;
	v33 =	vsel vm0, v33, v34  }
0x171: {  	v30 =	vimm.s32 $0x0;
	v56 =	vld.idx.msk [tilespmem:v50+s28+$0x0], $0xffff;
	v31 =	vadd.f32 v31, v28;
	vm1 =	vlt.f32 v32, v33  }
0x172: {  	v60 =	vld.idx.msk [tilespmem:v40+s28+$0x0], $0xffff;
	v55 =	vadd.f32 v36, v29;
	v51 =	vsel vm2, $0x0, v30;
	v32 =	vsel vm1, v32, v33  }
0x173: {  	v52 =	vsel vm0, $0x1, v51;
	vm0 =	vmor vm2, vm0;
	vm2 =	vlt.f32 v31, v32  }
0x174: {  	v59 =	vadd.f32 v37, v25;
	v54 =	vsel vm1, $0x2, v52;
	v31 =	vsel vm2, v31, v32  }
0x175: {  	v58 =	vsel vm2, $0x3, v54;
	vm1 =	vmor vm1, vm2;
	vm2 =	vlt.f32 v55, v31  }
0x176: {  	v61 =	vadd.s32 s8, v16;
	v41 =	vadd.f32 v35, v26;
	v31 =	vsel vm2, v55, v31  }
0x177: {  	v36 =	vadd.f32 v56, v27;
	v38 =	vadd.f32 v60, v28;
	vm3 =	vlt.f32 v59, v31  }
0x178: {  	v35 =	vld.idx.msk [tilespmem:v53+s28+$0x0], $0xffff;
	v34 =	vadd.s32 s8, v17;
	vm1 =	vmor vm2, vm1;
	v33 =	vsel vm3, v59, v31  }
0x179: {  	v32 =	vsel vm2, $0x4, v58;
	vm1 =	vmor vm1, vm0;
	vm2 =	vlt.f32 v41, v33  }
0x17a: {  	v32 =	vsel vm3, $0x0, v32;
	v31 =	vadd.s32 s8, v18;
	v62 =	vsel vm2, v41, v33;
	v33 =	vld.idx.msk [tilespmem:v57+s28+$0x0], $0xffff  }
0x17b: {  	s9 =	simm.s32 $0x4;
	v63 =	vsel vm2, $0x1, v32;
	vm0 =	vmor vm3, vm2;
	vm2 =	vlt.f32 v36, v62  }
0x17c: {  	s7 =	simm.s32 $0x1;
	s21 =	simm.s32 $0x3;
	s22 =	simm.s32 $0x2;
	v37 =	vadd.s32 s8, v19;
	v32 =	vld.idx.msk [tilespmem:v61+s28+$0x0], $0xffff;
	v39 =	vsel vm2, v36, v62;
	v36 =	vsel vm2, $0x2, v63  }
.LBB2_14:
0x17d: {  	p0 =	sne.s32 s9, $0x3F;
	v40 =	vld.idx.msk [tilespmem:v34+s28+$0x0], $0xffff;
	s8 =	sadd.s32 $0x50, s8;
	vm3 =	vlt.f32 v38, v39;
	v34 =	vadd.f32 v35, v29;
	v30 =	vsel vm1, s20, v30;
	s20 =	smov.u32 s7  }
0x17e: {  	s7 =	smov.u32 s22;
	s22 =	smov.u32 s21;
	s21 =	smov.u32 s9;
	v41 =	vor.u32 s8, v0;
	v35 =	vsel vm3, v38, v39;
	v36 =	vsel vm3, $0x3, v36  }
0x17f: {  	v33 =	vadd.f32 v33, v25;
	vm1 =	vmor vm2, vm3;
	v38 =	vld.idx.msk [tilespmem:v31+s28+$0x0], $0xffff;
	vm2 =	vlt.f32 v34, v35  }
0x180: {  	v39 =	vadd.s32 s8, v16;
	v31 =	vsel vm2, v34, v35;
	v36 =	vsel vm2, $0x4, v36  }
0x181: {  	v32 =	vadd.f32 v32, v26;
	vm1 =	vmor vm2, vm1;
	vm3 =	vlt.f32 v33, v31;
	v35 =	vld.idx.msk [tilespmem:v37+s28+$0x0], $0xffff  }
.Ltmp5:
0x182: {  	v34 =	vadd.s32 s8, v17;
	v37 =	vsel vm3, v33, v31;
	v36 =	vsel vm3, $0x0, v36;
	(pc) =	sbr.rel @p0 .LBB2_14-.Ltmp5, $4  }
0x183: {  	vm1 =	vmor vm1, vm0;
	v40 =	vadd.f32 v40, v27;
	v33 =	vld.idx.msk [tilespmem:v41+s28+$0x0], $0xffff;
	vm2 =	vlt.f32 v32, v37  }
0x184: {  	v31 =	vadd.s32 s8, v18;
	v41 =	vsel vm2, v32, v37;
	v36 =	vsel vm2, $0x1, v36  }
0x185: {  	vm0 =	vmor vm3, vm2;
	v38 =	vadd.f32 v38, v28;
	v32 =	vld.idx.msk [tilespmem:v39+s28+$0x0], $0xffff;
	vm2 =	vlt.f32 v40, v41  }
0x186: {  	s9 =	sadd.s32 $0x1, s9;
	v37 =	vadd.s32 s8, v19;
	v39 =	vsel vm2, v40, v41;
	v36 =	vsel vm2, $0x2, v36  }
0x187: {  	_ =	sdelay $0x2  }
0x188: {  	vm5 =	vlt.f32 v38, v39;
	v35 =	vadd.f32 v35, v29  }
0x189: {  	v34 =	vld.idx.msk [tilespmem:v34+s28+$0x0], $0xffff;
	s8 =	sadd.s32 $0x50, s8;
	v38 =	vsel vm5, v38, v39  }
0x18a: {  	v48 =	vor.u32 s8, v0;
	v33 =	vadd.f32 v33, v25;
	vm6 =	vlt.f32 v35, v38  }
0x18b: {  	v31 =	vld.idx.msk [tilespmem:v31+s28+$0x0], $0xffff;
	v35 =	vsel vm6, v35, v38  }
0x18c: {  	v49 =	vadd.s32 s8, v16;
	v32 =	vadd.f32 v32, v26;
	vm3 =	vlt.f32 v33, v35  }
0x18d: {  	v37 =	vld.idx.msk [tilespmem:v37+s28+$0x0], $0xffff;
	v33 =	vsel vm3, v33, v35  }
0x18e: {  	v50 =	vadd.s32 s8, v17;
	v34 =	vadd.f32 v34, v27;
	vm7 =	vlt.f32 v32, v33  }
0x18f: {  	v39 =	vld.idx.msk [tilespmem:v48+s28+$0x0], $0xffff;
	v32 =	vsel vm7, v32, v33  }
0x190: {  	v51 =	vadd.s32 s8, v18;
	v31 =	vadd.f32 v31, v28;
	vm4 =	vlt.f32 v34, v32  }
0x191: {  	v38 =	vld.idx.msk [tilespmem:v49+s28+$0x0], $0xffff;
	v32 =	vsel vm4, v34, v32  }
0x192: {  	v52 =	vadd.s32 s8, v19;
	v37 =	vadd.f32 v37, v29;
	vm8 =	vlt.f32 v31, v32  }
0x193: {  	v35 =	vld.idx.msk [tilespmem:v50+s28+$0x0], $0xffff;
	v31 =	vsel vm8, v31, v32  }
0x194: {  	v53 =	vadd.f32 v39, v25;
	vm9 =	vlt.f32 v37, v31  }
0x195: {  	v30 =	vsel vm1, s20, v30;
	v36 =	vsel vm5, $0x3, v36;
	v33 =	vld.idx.msk [tilespmem:v51+s28+$0x0], $0xffff;
	v31 =	vsel vm9, v37, v31  }
0x196: {  	vm1 =	vmor vm2, vm5;
	v54 =	vadd.f32 v38, v26;
	vm2 =	vlt.f32 v53, v31  }
0x197: {  	v36 =	vsel vm6, $0x4, v36;
	vm1 =	vmor vm6, vm1;
	v34 =	vld.idx.msk [tilespmem:v52+s28+$0x0], $0xffff;
	v31 =	vsel vm2, v53, v31  }
0x198: {  	vm0 =	vmor vm1, vm0;
	v35 =	vadd.f32 v35, v27;
	vm12 =	vlt.f32 v54, v31  }
0x199: {  	v55 =	vsel vm3, $0x0, v36;
	vm1 =	vmor vm3, vm7;
	v31 =	vsel vm12, v54, v31  }
0x19a: {  	v32 =	vsel vm7, $0x1, v55;
	v33 =	vadd.f32 v33, v28;
	vm3 =	vlt.f32 v35, v31  }
0x19b: {  	v30 =	vsel vm0, s7, v30;
	v32 =	vsel vm4, $0x2, v32;
	v31 =	vsel vm3, v35, v31  }
0x19c: {  	vm4 =	vmor vm4, vm8;
	v34 =	vadd.f32 v34, v29;
	vm0 =	vlt.f32 v33, v31  }
0x19d: {  	v32 =	vsel vm8, $0x3, v32;
	vm4 =	vmor vm9, vm4;
	v31 =	vsel vm0, v33, v31  }
0x19e: {  	v32 =	vsel vm9, $0x4, v32;
	vm13 =	vmor vm3, vm0;
	vm14 =	vlt.f32 v34, v31  }
0x19f: {  	vm1 =	vmor vm4, vm1;
	vm15 =	vmor vm2, vm12;
	vm6 =	vmor vm14, vm13  }
0x1a0: {  	v30 =	vsel vm1, s22, v30;
	v31 =	vsel vm2, $0x0, v32;
	vm1 =	vmor vm6, vm15  }
0x1a1: {  	v31 =	vsel vm12, $0x1, v31;
	v30 =	vsel vm1, s21, v30  }
0x1a2: {  	v31 =	vsel vm3, $0x2, v31;
	v56 =	vmul.u32 $0x50, v30  }
0x1a3: {  	v31 =	vsel vm0, $0x3, v31  }
0x1a4: {  	v57 =	vsel vm14, $0x4, v31;
	v31 =	vor.u32 v0, v56  }
0x1a5: {  	v59 =	vshll.u32 v57, $0x9;
	v58 =	vadd.s32 v16, v56  }
0x1a6: {  	v60 =	vadd.s32 v17, v56;
	v35 =	vadd.s32 v22, v59  }
0x1a7: {  	v61 =	vadd.s32 v18, v56;
	v62 =	vand.u32 $0x7FFFFF80, v35  }
0x1a8: {  	v63 =	vimm.f32 $1.000000020e+30;
	v32 =	vadd.s32 v19, v56;
	v38 =	vor.u32 v23, v62  }
0x1a9: {  	[tilespmem:v31+s28+$0x0] =	vst.idx.add.f32.msk $0xffff, v63;
	v31 =	vadd.s32 $0x1E00, v38  }
0x1aa: {  	[tilespmem:v58+s28+$0x0] =	vst.idx.add.f32.msk $0xffff, v63  }
0x1ab: {  	[tilespmem:v60+s28+$0x0] =	vst.idx.add.f32.msk $0xffff, v63  }
0x1ac: {  	[tilespmem:v61+s28+$0x0] =	vst.idx.add.f32.msk $0xffff, v63  }
0x1ad: {  	v44 =	vadd.s32 $0xA00, v38;
	[tilespmem:v32+s28+$0x0] =	vst.idx.add.f32.msk $0xffff, v63  }
0x1ae: {  	v45 =	vadd.s32 $0x1400, v38;
	v31 =	vld.idx.msk [tilespmem:v31+s19+$0x0], $0xffff;
	_ =	sdelay $0x1  }
0x1af: {  	v30 =	vadd.s32 v24, v30  }
0x1b0: {  	v35 =	vld.idx.msk [tilespmem:v35+s19+$0x0], $0xffff  }
0x1b1: {  	v32 =	vld.idx.msk [tilespmem:v44+s19+$0x0], $0xffff  }
0x1b2: {  	s20 =	simm.s32 $0x0;
	v34 =	vld.idx.msk [tilespmem:v45+s19+$0x0], $0xffff;
	v31 =	vadd.f32 $1.000000000e+00, v31  }
0x1b3: {  	v46 =	vor.u32 s20, v0  }
0x1b4: {  	[tilespmem:v30+s23+$0x0] =	vst.idx.msk $0xffff, v31  }
0x1b5: {  	v31 =	vadd.s32 s20, v16;
	[tilespmem:v30+s24+$0x0] =	vst.idx.msk $0xffff, v35  }
0x1b6: {  	[tilespmem:v30+s25+$0x0] =	vst.idx.msk $0xffff, v32  }
0x1b7: {  	v47 =	vadd.s32 s20, v17;
	[tilespmem:v30+s26+$0x0] =	vst.idx.msk $0xffff, v34  }
0x1b8: {  	v35 =	vld.idx.msk [tilespmem:v46+s28+$0x0], $0xffff  }
0x1b9: {  	v48 =	vadd.s32 s20, v18  }
0x1ba: {  	v49 =	vadd.s32 s20, v19;
	s22 =	simm.s32 $0x50;
	v37 =	vld.idx.msk [tilespmem:v31+s28+$0x0], $0xffff  }
0x1bb: {  	v40 =	vor.u32 s22, v0;
	v51 =	vadd.s32 s22, v16;
	vm0 =	veq.s32 v57, $0x0  }
0x1bc: {  	v55 =	vadd.s32 s22, v18;
	vm1 =	veq.s32 v57, $0x1;
	v32 =	vsel vm0, $0x7149F2CA, v25;
	v34 =	vld.idx.msk [tilespmem:v47+s28+$0x0], $0xffff  }
0x1bd: {  	vm0 =	veq.s32 v57, $0x2;
	v30 =	vsel vm1, $0x7149F2CA, v26;
	v35 =	vadd.f32 v35, v32  }
0x1be: {  	v26 =	vsel vm0, $0x7149F2CA, v27;
	vm0 =	veq.s32 v57, $0x3;
	vm1 =	veq.s32 v57, $0x4;
	v50 =	vld.idx.msk [tilespmem:v48+s28+$0x0], $0xffff  }
0x1bf: {  	v27 =	vsel vm0, $0x7149F2CA, v28;
	v28 =	vld.idx.msk [tilespmem:v49+s28+$0x0], $0xffff;
	v37 =	vadd.f32 v37, v30;
	vm2 =	vlt.f32 v35, v63  }
0x1c0: {  	v52 =	vadd.s32 s22, v17;
	v25 =	vsel vm1, $0x7149F2CA, v29;
	v29 =	vsel vm2, v35, v63  }
0x1c1: {  	s8 =	simm.s32 $0xA0;
	v54 =	vld.idx.msk [tilespmem:v40+s28+$0x0], $0xffff;
	v34 =	vadd.f32 v34, v26;
	vm0 =	vlt.f32 v37, v29  }
0x1c2: {  	v59 =	vor.u32 s8, v0;
	v57 =	vadd.s32 s22, v19;
	v29 =	vsel vm0, v37, v29  }
0x1c3: {  	v36 =	vld.idx.msk [tilespmem:v51+s28+$0x0], $0xffff;
	v31 =	vimm.s32 $0x0;
	v33 =	vadd.f32 v50, v27;
	vm1 =	vlt.f32 v34, v29  }
0x1c4: {  	v40 =	vld.idx.msk [tilespmem:v55+s28+$0x0], $0xffff;
	v28 =	vadd.f32 v28, v25;
	v53 =	vsel vm2, $0x0, v31;
	v29 =	vsel vm1, v34, v29  }
0x1c5: {  	v35 =	vld.idx.msk [tilespmem:v52+s28+$0x0], $0xffff;
	v56 =	vsel vm0, $0x1, v53;
	vm0 =	vmor vm2, vm0;
	vm2 =	vlt.f32 v33, v29  }
0x1c6: {  	v39 =	vadd.f32 v54, v32;
	v58 =	vsel vm1, $0x2, v56;
	v29 =	vsel vm2, v33, v29  }
0x1c7: {  	v60 =	vsel vm2, $0x3, v58;
	vm1 =	vmor vm1, vm2;
	vm2 =	vlt.f32 v28, v29  }
0x1c8: {  	v41 =	vadd.s32 s8, v16;
	v61 =	vadd.f32 v36, v30;
	v28 =	vsel vm2, v28, v29  }
0x1c9: {  	v38 =	vadd.f32 v40, v27;
	v34 =	vadd.s32 s8, v17;
	vm3 =	vlt.f32 v39, v28  }
0x1ca: {  	v63 =	vadd.f32 v35, v26;
	v35 =	vld.idx.msk [tilespmem:v57+s28+$0x0], $0xffff;
	vm1 =	vmor vm2, vm1;
	v62 =	vsel vm3, v39, v28  }
0x1cb: {  	v29 =	vsel vm2, $0x4, v60;
	vm1 =	vmor vm1, vm0;
	vm2 =	vlt.f32 v61, v62  }
0x1cc: {  	v33 =	vld.idx.msk [tilespmem:v59+s28+$0x0], $0xffff;
	v29 =	vsel vm3, $0x0, v29;
	v28 =	vadd.s32 s8, v18;
	v36 =	vsel vm2, v61, v62  }
0x1cd: {  	s9 =	simm.s32 $0x4;
	v42 =	vsel vm2, $0x1, v29;
	vm0 =	vmor vm3, vm2;
	vm2 =	vlt.f32 v63, v36  }
0x1ce: {  	s7 =	simm.s32 $0x1;
	s21 =	simm.s32 $0x3;
	s22 =	simm.s32 $0x2;
	v37 =	vadd.s32 s8, v19;
	v29 =	vld.idx.msk [tilespmem:v41+s28+$0x0], $0xffff;
	v39 =	vsel vm2, v63, v36;
	v36 =	vsel vm2, $0x2, v42  }
.LBB2_16:
0x1cf: {  	p0 =	sne.s32 s9, $0x3F;
	v40 =	vld.idx.msk [tilespmem:v34+s28+$0x0], $0xffff;
	s8 =	sadd.s32 $0x50, s8;
	vm3 =	vlt.f32 v38, v39;
	v34 =	vadd.f32 v35, v25;
	v31 =	vsel vm1, s20, v31;
	s20 =	smov.u32 s7  }
0x1d0: {  	s7 =	smov.u32 s22;
	s22 =	smov.u32 s21;
	s21 =	smov.u32 s9;
	v41 =	vor.u32 s8, v0;
	v35 =	vsel vm3, v38, v39;
	v36 =	vsel vm3, $0x3, v36  }
0x1d1: {  	v33 =	vadd.f32 v33, v32;
	vm1 =	vmor vm2, vm3;
	v38 =	vld.idx.msk [tilespmem:v28+s28+$0x0], $0xffff;
	vm2 =	vlt.f32 v34, v35  }
0x1d2: {  	v39 =	vadd.s32 s8, v16;
	v28 =	vsel vm2, v34, v35;
	v36 =	vsel vm2, $0x4, v36  }
0x1d3: {  	v29 =	vadd.f32 v29, v30;
	vm1 =	vmor vm2, vm1;
	vm3 =	vlt.f32 v33, v28;
	v35 =	vld.idx.msk [tilespmem:v37+s28+$0x0], $0xffff  }
.Ltmp6:
0x1d4: {  	v34 =	vadd.s32 s8, v17;
	v37 =	vsel vm3, v33, v28;
	v36 =	vsel vm3, $0x0, v36;
	(pc) =	sbr.rel @p0 .LBB2_16-.Ltmp6, $4  }
0x1d5: {  	vm1 =	vmor vm1, vm0;
	v40 =	vadd.f32 v40, v26;
	v33 =	vld.idx.msk [tilespmem:v41+s28+$0x0], $0xffff;
	vm2 =	vlt.f32 v29, v37  }
0x1d6: {  	v28 =	vadd.s32 s8, v18;
	v41 =	vsel vm2, v29, v37;
	v36 =	vsel vm2, $0x1, v36  }
0x1d7: {  	vm0 =	vmor vm3, vm2;
	v38 =	vadd.f32 v38, v27;
	v29 =	vld.idx.msk [tilespmem:v39+s28+$0x0], $0xffff;
	vm2 =	vlt.f32 v40, v41  }
0x1d8: {  	s9 =	sadd.s32 $0x1, s9;
	v37 =	vadd.s32 s8, v19;
	v39 =	vsel vm2, v40, v41;
	v36 =	vsel vm2, $0x2, v36  }
0x1d9: {  	_ =	sdelay $0x2  }
0x1da: {  	vm5 =	vlt.f32 v38, v39;
	v35 =	vadd.f32 v35, v25  }
0x1db: {  	v34 =	vld.idx.msk [tilespmem:v34+s28+$0x0], $0xffff;
	s8 =	sadd.s32 $0x50, s8;
	v38 =	vsel vm5, v38, v39  }
0x1dc: {  	v61 =	vor.u32 s8, v0;
	v33 =	vadd.f32 v33, v32;
	vm6 =	vlt.f32 v35, v38  }
0x1dd: {  	v28 =	vld.idx.msk [tilespmem:v28+s28+$0x0], $0xffff;
	v35 =	vsel vm6, v35, v38  }
0x1de: {  	v62 =	vadd.s32 s8, v16;
	v29 =	vadd.f32 v29, v30;
	vm3 =	vlt.f32 v33, v35  }
0x1df: {  	v37 =	vld.idx.msk [tilespmem:v37+s28+$0x0], $0xffff;
	v33 =	vsel vm3, v33, v35  }
0x1e0: {  	v63 =	vadd.s32 s8, v17;
	v34 =	vadd.f32 v34, v26;
	vm7 =	vlt.f32 v29, v33  }
0x1e1: {  	v39 =	vld.idx.msk [tilespmem:v61+s28+$0x0], $0xffff;
	v29 =	vsel vm7, v29, v33  }
0x1e2: {  	v40 =	vadd.s32 s8, v18;
	v28 =	vadd.f32 v28, v27;
	vm4 =	vlt.f32 v34, v29  }
0x1e3: {  	v38 =	vld.idx.msk [tilespmem:v62+s28+$0x0], $0xffff;
	v29 =	vsel vm4, v34, v29  }
0x1e4: {  	v41 =	vadd.s32 s8, v19;
	v37 =	vadd.f32 v37, v25;
	vm8 =	vlt.f32 v28, v29  }
0x1e5: {  	v42 =	vld.idx.msk [tilespmem:v63+s28+$0x0], $0xffff;
	v28 =	vsel vm8, v28, v29  }
0x1e6: {  	v43 =	vadd.f32 v39, v32;
	vm9 =	vlt.f32 v37, v28  }
0x1e7: {  	v31 =	vsel vm1, s20, v31;
	vm14 =	vmor vm2, vm5;
	v33 =	vld.idx.msk [tilespmem:v40+s28+$0x0], $0xffff;
	v28 =	vsel vm9, v37, v28  }
0x1e8: {  	vm1 =	vmor vm6, vm14;
	v45 =	vadd.f32 v38, v30;
	vm2 =	vlt.f32 v43, v28  }
0x1e9: {  	v44 =	vsel vm5, $0x3, v36;
	vm0 =	vmor vm1, vm0;
	v34 =	vld.idx.msk [tilespmem:v41+s28+$0x0], $0xffff;
	v28 =	vsel vm2, v43, v28  }
0x1ea: {  	v35 =	vsel vm6, $0x4, v44;
	v47 =	vadd.f32 v42, v26;
	vm5 =	vlt.f32 v45, v28  }
0x1eb: {  	v50 =	vsel vm0, s7, v31;
	v46 =	vsel vm3, $0x0, v35;
	v28 =	vsel vm5, v45, v28  }
0x1ec: {  	v48 =	vsel vm7, $0x1, v46;
	v49 =	vadd.f32 v33, v27;
	vm10 =	vlt.f32 v47, v28  }
0x1ed: {  	vm15 =	vmor vm3, vm7;
	v29 =	vsel vm4, $0x2, v48;
	v26 =	vsel vm10, v47, v28  }
0x1ee: {  	vm4 =	vmor vm4, vm8;
	v52 =	vadd.f32 v34, v25;
	vm11 =	vlt.f32 v49, v26  }
0x1ef: {  	v51 =	vsel vm8, $0x3, v29;
	vm4 =	vmor vm9, vm4;
	v26 =	vsel vm11, v49, v26  }
0x1f0: {  	vm1 =	vmor vm4, vm15;
	vm12 =	vmor vm10, vm11;
	vm13 =	vlt.f32 v52, v26  }
0x1f1: {  	vm14 =	vmor vm2, vm5;
	v28 =	vsel vm9, $0x4, v51;
	vm6 =	vmor vm13, vm12  }
0x1f2: {  	v54 =	vsel vm1, s22, v50;
	v53 =	vsel vm2, $0x0, v28;
	vm15 =	vmor vm6, vm14  }
0x1f3: {  	v25 =	vsel vm5, $0x1, v53;
	v26 =	vsel vm15, s21, v54  }
0x1f4: {  	v25 =	vsel vm10, $0x2, v25;
	v55 =	vmul.u32 $0x50, v26  }
0x1f5: {  	v25 =	vsel vm11, $0x3, v25  }
0x1f6: {  	v25 =	vsel vm13, $0x4, v25;
	v56 =	vor.u32 v0, v55  }
0x1f7: {  	v25 =	vshll.u32 v25, $0x9;
	v57 =	vadd.s32 v16, v55  }
0x1f8: {  	v22 =	vadd.s32 v22, v25;
	v58 =	vadd.s32 v17, v55  }
0x1f9: {  	v60 =	vand.u32 $0x7FFFFF80, v22;
	v59 =	vadd.s32 v18, v55  }
0x1fa: {  	v27 =	vadd.s32 v19, v55;
	v23 =	vor.u32 v23, v60  }
0x1fb: {  	v61 =	vadd.s32 $0x1E00, v23;
	[tilespmem:v56+s28+$0x0] =	vst.idx.add.f32.msk $0xffff, v21  }
0x1fc: {  	[tilespmem:v57+s28+$0x0] =	vst.idx.add.f32.msk $0xffff, v21  }
0x1fd: {  	[tilespmem:v58+s28+$0x0] =	vst.idx.add.f32.msk $0xffff, v21  }
0x1fe: {  	[tilespmem:v59+s28+$0x0] =	vst.idx.add.f32.msk $0xffff, v21  }
0x1ff: {  	v62 =	vadd.s32 $0xA00, v23;
	[tilespmem:v27+s28+$0x0] =	vst.idx.add.f32.msk $0xffff, v21  }
0x200: {  	v23 =	vadd.s32 $0x1400, v23;
	v27 =	vld.idx.msk [tilespmem:v61+s19+$0x0], $0xffff;
	_ =	sdelay $0x1  }
0x201: {  	v24 =	vadd.s32 v24, v26  }
0x202: {  	v22 =	vld.idx.msk [tilespmem:v22+s19+$0x0], $0xffff  }
0x203: {  	s1 =	sadd.s32 $0x1, s1;
	v25 =	vld.idx.msk [tilespmem:v62+s19+$0x0], $0xffff  }
0x204: {  	p0 =	sne.s32 s1, $0x4;
	v23 =	vld.idx.msk [tilespmem:v23+s19+$0x0], $0xffff;
	v63 =	vadd.f32 $1.000000000e+00, v27  }
.Ltmp7:
0x205: {  	_ = 	snop;
	(pc) =	sbr.rel @p0 .LBB2_5-.Ltmp7, $4  }
0x206: {  	[tilespmem:v24+s23+$0x0] =	vst.idx.msk $0xffff, v63  }
0x207: {  	[tilespmem:v24+s24+$0x0] =	vst.idx.msk $0xffff, v22  }
0x208: {  	[tilespmem:v24+s25+$0x0] =	vst.idx.msk $0xffff, v25  }
0x209: {  	[tilespmem:v24+s26+$0x0] =	vst.idx.msk $0xffff, v23  }
0x20a: {  	s0 =	sshll.u32 s30, $0x9  }
0x20b: {  	s0 =	sadd.s32 s14, s0  }
0x20c: {  	s1 =	sadd.s32 s3, s0  }
0x20d: {  	[hbm4b:s1+s2] =	stream.linear.scatter [tilespmem:s23], [sflag:$0x1], $0x1000, $0x38;
	[tilespmem:$0x1FC00] =	vst v63  }
0x20e: {  	_ =	swait.ge [sflag:s16], $0x1000  }
0x20f: {  	[sflag:s16] =	ssyncset.done $0x0  }
0x210: {  	s22 =	sadd.s32 s4, s0;
	[sflag:s16] =	ssyncadd.s32 $0xFFFFF000  }
0x211: {  	[hbm4b:s22+s2] =	stream.linear.scatter [tilespmem:s24], [sflag:$0x1], $0x1000, $0x38;
	[tilespmem:$0x1FC00] =	vst v63  }
0x212: {  	_ =	swait.ge [sflag:s16], $0x1000  }
0x213: {  	[sflag:s16] =	ssyncset.done $0x0  }
0x214: {  	s31 =	sadd.s32 s5, s0;
	[sflag:s16] =	ssyncadd.s32 $0xFFFFF000  }
0x215: {  	[hbm4b:s31+s2] =	stream.linear.scatter [tilespmem:s25], [sflag:$0x1], $0x1000, $0x38;
	[tilespmem:$0x1FC00] =	vst v63  }
0x216: {  	s30 =	sadd.s32 $0x1, s30;
	_ =	swait.ge [sflag:s16], $0x1000  }
0x217: {  	p0 =	sne.s32 s30, $0x8;
	[sflag:s16] =	ssyncset.done $0x0  }
.Ltmp8:
0x218: {  	s0 =	sadd.s32 s6, s0;
	[sflag:s16] =	ssyncadd.s32 $0xFFFFF000;
	(pc) =	sbr.rel @p0 .LBB2_2-.Ltmp8, $4  }
0x219: {  	[hbm4b:s0+s2] =	stream.linear.scatter [tilespmem:s26], [sflag:$0x1], $0x1000, $0x38;
	[tilespmem:$0x1FC00] =	vst v63  }
0x21a: {  	_ =	swait.ge [sflag:s16], $0x1000  }
0x21b: {  	[sflag:s16] =	ssyncset.done $0x0  }
0x21c: {  	[sflag:s16] =	ssyncadd.s32 $0xFFFFF000  }
0x21d: {  	s29 =	sadd.s32 $0x1, s29  }
0x21e: {  	p0 =	sne.s32 s29, s15  }
.Ltmp9:
0x21f: {  	_ = 	snop;
	(pc) =	sbr.rel @p0 .LBB2_1-.Ltmp9, $1  }
0x220: {  	_ =	sdelay $0x3  }
0x221: {  	_ =	sfence.sel $0x180000  }
0x222: {  	[bflag:$0x0] =	sbarrier.arrive $0xFFFF  }
0x223: {  	_ =	strace $0x90000047  }
0x224: {  	s0 =	stileid.u32;
	[bflag:$0x2] =	sbarrier.arrive $0xFFFF  }
0x225: {  	p0 =	sne.s32 s0, $0x0;
	s0 =	rddreg [dreg:$0x1]  }
0x226: {  	s0 =	sadd.s32 @!p0 $0x100000, s0  }
0x227: {  	[sflag:s0] =	ssyncadd.tile.s32 @!p0 $0x1;
	_ =	shalt  }
.Lfunc_end2:
_tile_overlayer_lowered:
.L_overlay_start_2:
0x228: {  	(tag) =	ssettag $0x2  }
0x229: {  	s0 =	rddreg [dreg:$0x0];
	s2 =	stileid.u32  }
0x22a: {  	s1 =	rddreg [dreg:$0x1];
	p0 =	sne.s32 s2, $0x0  }
0x22b: {  	s3 =	rddreg [dreg:$0x2];
	[bflag:$0x3] =	sbarrier.arrive $0xFFFF;
	s2 =	simm.s32 @!p0 $0x1C01  }
0x22c: {  	[timem:s3], [sflag:s2] =	dma.local @!p0 [hbm:s0], s1  }
0x22d: {  	s0 =	simm.s32 @!p0 $0x1  }
0x22e: {  	_ =	swait.ge @!p0 [sflag:s0], s1  }
0x22f: {  	s1 =	ssub.s32 @!p0 $0x0, s1;
	[sflag:s0] =	ssyncset.done @!p0 $0x0  }
0x230: {  	[sflag:s0] =	ssyncadd.s32 @!p0 s1  }
0x231: {  	[bflag:$0x3] =	sbarrier.arrive $0xFFFF  }
0x232: {  	_ =	shalt  }

</sc_bundles>
